<compile_context>
chip_gen: v7x
topology: tpu7x:2x2x1
jax: 0.10.2.dev20260603
libtpu: 0.0.44.dev20260713+nightly
codegen_flags: <defaults>
</compile_context>

<pallas_src>
import functools

import jax
import jax.numpy as jnp
from jax import lax
from jax.experimental import pallas as pl
from jax.experimental.pallas import tpu as pltpu
from jax.experimental.pallas import tpu_sc as plsc

N_CORES = 2
N_SUBCORES = 16
N_WORKERS = N_CORES * N_SUBCORES
CHUNK = 40


def _gemm_body(x_ref, w_ref, o_ref):
    o_ref[...] = lax.dot_general(
        x_ref[...], w_ref[...],
        dimension_numbers=(((1,), (1,)), ((), ())),
        preferred_element_type=jnp.float32,
    )


def _add_body(p_ref, o_ref):
    o_ref[...] = p_ref[0] + p_ref[1]


def _make_sc_aggregate(n_acc, n_edges, d):
    rows_per_tile = n_acc // N_SUBCORES
    edges_per_tile = n_edges // N_WORKERS
    n_chunks = edges_per_tile // CHUNK
    assert rows_per_tile * N_SUBCORES == n_acc and rows_per_tile % 8 == 0
    assert n_chunks * CHUNK == edges_per_tile

    mesh = plsc.VectorSubcoreMesh(core_axis_name="c", subcore_axis_name="s")
    NBUF = 8
    ZROWS = 32
    assert rows_per_tile % ZROWS == 0
    PEEL = next(p for p in range(1, NBUF + 1)
                if (n_chunks - NBUF + 1 - p) % NBUF == 0)
    assert n_chunks >= PEEL + 2 * NBUF

    @functools.partial(
        pl.kernel,
        out_type=jax.ShapeDtypeStruct((N_CORES, n_acc, d), jnp.float32),
        mesh=mesh,
        scratch_types=[
            [pltpu.VMEM((CHUNK,), jnp.int32)] * NBUF,
            [pltpu.VMEM((CHUNK,), jnp.int32)] * NBUF,
            [pltpu.VMEM((CHUNK, d), jnp.float32)] * NBUF,
            pltpu.VMEM((ZROWS, d), jnp.float32),
            pltpu.VMEM_SHARED((n_acc, d), jnp.float32),
            [pltpu.SemaphoreType.DMA] * NBUF,
            [pltpu.SemaphoreType.DMA] * NBUF,
            [pltpu.SemaphoreType.DMA] * NBUF,
        ],
    )
    def sc_aggregate(h_hbm, edge_hbm, out_hbm,
                     src_v, dst_v, rows, zbuf, acc, isem, gsem, ssem):
        c = lax.axis_index("c")
        s = lax.axis_index("s")
        base = (c * N_SUBCORES + s) * edges_per_tile
        r0 = s * rows_per_tile

        def start_idx(j, b):
            eb = base + j * CHUNK
            pltpu.async_copy(edge_hbm.at[pl.ds(eb, CHUNK)], src_v[b],
                             isem[b])
            pltpu.async_copy(edge_hbm.at[pl.ds(n_edges + eb, CHUNK)],
                             dst_v[b], isem[b])

        def wait_idx(j, b):
            eb = base + j * CHUNK
            pltpu.make_async_copy(edge_hbm.at[pl.ds(eb, CHUNK)], src_v[b],
                                  isem[b]).wait()
            pltpu.make_async_copy(edge_hbm.at[pl.ds(n_edges + eb, CHUNK)],
                                  dst_v[b], isem[b]).wait()

        def start_gather(b):
            pltpu.async_copy(h_hbm.at[src_v[b]], rows[b], gsem[b])

        def wait_gather(b):
            pltpu.make_async_copy(h_hbm.at[src_v[b]], rows[b], gsem[b]).wait()

        def start_scatter(b):
            pltpu.async_copy(rows[b], acc.at[dst_v[b]], ssem[b], add=True)

        def wait_scatter(b):
            pltpu.make_async_copy(rows[b], acc.at[dst_v[b]], ssem[b]).wait()

        for b in range(NBUF - 1):
            start_idx(b, b)
        zero16 = jnp.zeros((16,), jnp.float32)

        def zrow(i, _):
            for t in range(d // 16):
                zbuf[i, pl.ds(t * 16, 16)] = zero16
            return ()

        lax.fori_loop(0, ZROWS, zrow, ())
        for m in range(rows_per_tile // ZROWS):
            pltpu.sync_copy(zbuf, acc.at[pl.ds(r0 + m * ZROWS, ZROWS)])
        for b in range(NBUF - 2):
            wait_idx(b, b)
            start_gather(b)
        plsc.subcore_barrier()

        def step(j, b, wait_prev_scatter, do_idx, do_gather):
            bm1 = (b + NBUF - 1) % NBUF
            bm2 = (b + NBUF - 2) % NBUF
            wait_gather(b)
            start_scatter(b)
            if wait_prev_scatter:
                wait_scatter(bm1)
            if do_idx:
                start_idx(j + NBUF - 1, bm1)
            if do_gather:
                wait_idx(j + NBUF - 2, bm2)
                start_gather(bm2)

        for j in range(PEEL):
            step(j, j % NBUF, j > 0, True, True)

        def body(k, _):
            j0 = NBUF * k + PEEL
            for t in range(NBUF):
                step(j0 + t, (PEEL + t) % NBUF, True, True, True)
            return ()

        n_full = n_chunks - NBUF + 1 - PEEL
        lax.fori_loop(0, n_full // NBUF, body, ())
        j1 = n_chunks - NBUF + 1
        step(j1, j1 % NBUF, True, False, True)
        for j in range(j1 + 1, n_chunks):
            step(j, j % NBUF, True, False, False)
        wait_scatter((n_chunks - 1) % NBUF)
        plsc.subcore_barrier()
        pltpu.sync_copy(acc.at[pl.ds(r0, rows_per_tile)],
                        out_hbm.at[c, pl.ds(r0, rows_per_tile)])

    return sc_aggregate


def kernel(x, edge_index, weight):
    n_nodes, feat = x.shape
    embed = weight.shape[0]
    n_edges = edge_index.shape[1]

    bm = 5000
    h = pl.pallas_call(
        _gemm_body,
        grid=(n_nodes // bm,),
        in_specs=[
            pl.BlockSpec((bm, feat), lambda i: (i, 0)),
            pl.BlockSpec((embed, feat), lambda i: (0, 0)),
        ],
        out_specs=pl.BlockSpec((bm, embed), lambda i: (i, 0)),
        out_shape=jax.ShapeDtypeStruct((n_nodes, embed), jnp.float32),
    )(x, weight)

    pad = 64 * N_SUBCORES
    n_acc = ((n_nodes + pad - 1) // pad) * pad
    edge_flat = edge_index.reshape(2 * n_edges)
    partials = _make_sc_aggregate(n_acc, n_edges, embed)(h, edge_flat)

    out = pl.pallas_call(
        _add_body,
        grid=(n_nodes // bm,),
        in_specs=[pl.BlockSpec((N_CORES, bm, embed), lambda i: (0, i, 0))],
        out_specs=pl.BlockSpec((bm, embed), lambda i: (i, 0)),
        out_shape=jax.ShapeDtypeStruct((n_nodes, embed), jnp.float32),
    )(partials)
    return out

# --- scband reference (transcript-rebuilt; emitter-appended) ---
"""Pipeline reference for scband-fused-gcnlayer-8744553415191 (READ-ONLY COPY).

The authoritative reference and input builder live on the scoring server;
editing this copy changes nothing except your own understanding.
"""

import jax, jax.numpy as jnp
import numpy as np

N_NODES = 10000
N_EDGES = 320000
FEAT_DIM = 128
EMBED_DIM = 128


def setup_inputs(seed: int = 0) -> dict:
    key = jax.random.key(seed)
    k1, k2, k3 = jax.random.split(key, 3)
    x = jax.random.normal(k1, (N_NODES, FEAT_DIM), dtype=jnp.float32)
    edge_index = jax.random.randint(k2, (2, N_EDGES), 0, N_NODES, dtype=jnp.int32)
    # xavier_uniform init for weight [embed_dim, feat_dim], matching torch.nn.init.xavier_uniform_
    a = float(np.sqrt(6.0 / (FEAT_DIM + EMBED_DIM)))
    weight = jax.random.uniform(k3, (EMBED_DIM, FEAT_DIM), dtype=jnp.float32, minval=-a, maxval=a)
    return {"x": x, "edge_index": edge_index, "weight": weight}


def reference(x, edge_index, weight):
    # FusedGCNLayer.forward: fusedGeMMSpMM(adj, x, weight, ...)
    # = SpMM(adj, GeMM(x, weight^T)) i.e. out = A @ (X @ W^T)
    # Dense GeMM first (weight is [embed_dim, feat_dim], so x @ weight.T -> [N, embed_dim])
    h = jnp.dot(x, weight.T)
    # SpMM with adjacency A given in COO form (edge_index[0]=src, edge_index[1]=dst), values=1
    src = edge_index[0]
    dst = edge_index[1]
    msgs = jnp.take(h, src, axis=0)
    out = jax.ops.segment_sum(msgs, dst, num_segments=N_NODES)
    return out

if __name__ == "__main__":
    import jax
    _d = setup_inputs()
    print(jax.jit(kernel)(*tuple(_d.values())))

</pallas_src>

<mosaic_0001>
#map = affine_map<(d0, d1) -> (0, 0)>
#map1 = affine_map<(d0, d1) -> (0)>
#map2 = affine_map<(d0, d1) -> (0, 0, 0)>
module attributes {stable_mosaic.version = 14 : i64} {
  func.func @sc_aggregate(%arg0: i32, %arg1: i32, %arg2: memref<10000x128xf32, #tpu.memory_space<hbm>>, %arg3: memref<640000xi32, #tpu.memory_space<hbm>>, %arg4: memref<2x10240x128xf32, #tpu.memory_space<hbm>>, %arg5: memref<40xi32, #tpu.memory_space<vmem>>, %arg6: memref<40xi32, #tpu.memory_space<vmem>>, %arg7: memref<40xi32, #tpu.memory_space<vmem>>, %arg8: memref<40xi32, #tpu.memory_space<vmem>>, %arg9: memref<40xi32, #tpu.memory_space<vmem>>, %arg10: memref<40xi32, #tpu.memory_space<vmem>>, %arg11: memref<40xi32, #tpu.memory_space<vmem>>, %arg12: memref<40xi32, #tpu.memory_space<vmem>>, %arg13: memref<40xi32, #tpu.memory_space<vmem>>, %arg14: memref<40xi32, #tpu.memory_space<vmem>>, %arg15: memref<40xi32, #tpu.memory_space<vmem>>, %arg16: memref<40xi32, #tpu.memory_space<vmem>>, %arg17: memref<40xi32, #tpu.memory_space<vmem>>, %arg18: memref<40xi32, #tpu.memory_space<vmem>>, %arg19: memref<40xi32, #tpu.memory_space<vmem>>, %arg20: memref<40xi32, #tpu.memory_space<vmem>>, %arg21: memref<40x128xf32, #tpu.memory_space<vmem>>, %arg22: memref<40x128xf32, #tpu.memory_space<vmem>>, %arg23: memref<40x128xf32, #tpu.memory_space<vmem>>, %arg24: memref<40x128xf32, #tpu.memory_space<vmem>>, %arg25: memref<40x128xf32, #tpu.memory_space<vmem>>, %arg26: memref<40x128xf32, #tpu.memory_space<vmem>>, %arg27: memref<40x128xf32, #tpu.memory_space<vmem>>, %arg28: memref<40x128xf32, #tpu.memory_space<vmem>>, %arg29: memref<32x128xf32, #tpu.memory_space<vmem>>, %arg30: memref<10240x128xf32, #tpu.memory_space<vmem_shared>>, %arg31: memref<!tpu.dma_semaphore, #tpu.memory_space<semaphore_mem>>, %arg32: memref<!tpu.dma_semaphore, #tpu.memory_space<semaphore_mem>>, %arg33: memref<!tpu.dma_semaphore, #tpu.memory_space<semaphore_mem>>, %arg34: memref<!tpu.dma_semaphore, #tpu.memory_space<semaphore_mem>>, %arg35: memref<!tpu.dma_semaphore, #tpu.memory_space<semaphore_mem>>, %arg36: memref<!tpu.dma_semaphore, #tpu.memory_space<semaphore_mem>>, %arg37: memref<!tpu.dma_semaphore, #tpu.memory_space<semaphore_mem>>, %arg38: memref<!tpu.dma_semaphore, #tpu.memory_space<semaphore_mem>>, %arg39: memref<!tpu.dma_semaphore, #tpu.memory_space<semaphore_mem>>, %arg40: memref<!tpu.dma_semaphore, #tpu.memory_space<semaphore_mem>>, %arg41: memref<!tpu.dma_semaphore, #tpu.memory_space<semaphore_mem>>, %arg42: memref<!tpu.dma_semaphore, #tpu.memory_space<semaphore_mem>>, %arg43: memref<!tpu.dma_semaphore, #tpu.memory_space<semaphore_mem>>, %arg44: memref<!tpu.dma_semaphore, #tpu.memory_space<semaphore_mem>>, %arg45: memref<!tpu.dma_semaphore, #tpu.memory_space<semaphore_mem>>, %arg46: memref<!tpu.dma_semaphore, #tpu.memory_space<semaphore_mem>>, %arg47: memref<!tpu.dma_semaphore, #tpu.memory_space<semaphore_mem>>, %arg48: memref<!tpu.dma_semaphore, #tpu.memory_space<semaphore_mem>>, %arg49: memref<!tpu.dma_semaphore, #tpu.memory_space<semaphore_mem>>, %arg50: memref<!tpu.dma_semaphore, #tpu.memory_space<semaphore_mem>>, %arg51: memref<!tpu.dma_semaphore, #tpu.memory_space<semaphore_mem>>, %arg52: memref<!tpu.dma_semaphore, #tpu.memory_space<semaphore_mem>>, %arg53: memref<!tpu.dma_semaphore, #tpu.memory_space<semaphore_mem>>, %arg54: memref<!tpu.dma_semaphore, #tpu.memory_space<semaphore_mem>>) attributes {dimension_semantics = [#tpu.dimension_semantics<core_parallel>, #tpu.dimension_semantics<subcore_parallel>], iteration_bounds = array<i64: 2, 16>, scalar_prefetch = 0 : i64, scratch_operands = 50 : i64, tpu.core_type = #tpu.core_type<sc_vector_subcore>, window_params = [{transform_indices = #map}, {transform_indices = #map1}, {transform_indices = #map2}]} {
    %mul3A = arith.constant 16 : i32
    %mul3A_0 = arith.muli %arg0, %mul3A : i32
    %add3A = arith.addi %mul3A_0, %arg1 : i32
    %mul3A_1 = arith.constant 10000 : i32
    %mul3A_2 = arith.muli %add3A, %mul3A_1 : i32
    %mul3A_3 = arith.constant 640 : i32
    %mul3A_4 = arith.muli %arg1, %mul3A_3 : i32
    %add3A_5 = arith.constant 0 : i32
    %add3A_6 = arith.addi %mul3A_2, %add3A_5 : i32
    %dma_start3A = tpu.memref_slice %arg3[%add3A_6] : memref<640000xi32, #tpu.memory_space<hbm>> -> memref<40xi32, #tpu.memory_space<hbm>>
    %dma_start3A_7 = tpu.memref_slice %arg3[%add3A_6] : memref<640000xi32, #tpu.memory_space<hbm>> -> memref<40xi32, #tpu.memory_space<hbm>>
    tpu.enqueue_dma source(%dma_start3A_7 : memref<40xi32, #tpu.memory_space<hbm>>) target(%arg5 : memref<40xi32, #tpu.memory_space<vmem>>) target_semaphore(%arg31 : memref<!tpu.dma_semaphore, #tpu.memory_space<semaphore_mem>>)
    %add3A_8 = arith.constant 320000 : i32
    %add3A_9 = arith.addi %add3A_8, %add3A_6 : i32
    %dma_start3A_10 = tpu.memref_slice %arg3[%add3A_9] : memref<640000xi32, #tpu.memory_space<hbm>> -> memref<40xi32, #tpu.memory_space<hbm>>
    %dma_start3A_11 = tpu.memref_slice %arg3[%add3A_9] : memref<640000xi32, #tpu.memory_space<hbm>> -> memref<40xi32, #tpu.memory_space<hbm>>
    tpu.enqueue_dma source(%dma_start3A_11 : memref<40xi32, #tpu.memory_space<hbm>>) target(%arg13 : memref<40xi32, #tpu.memory_space<vmem>>) target_semaphore(%arg31 : memref<!tpu.dma_semaphore, #tpu.memory_space<semaphore_mem>>)
    %add3A_12 = arith.constant 40 : i32
    %add3A_13 = arith.addi %mul3A_2, %add3A_12 : i32
    %dma_start3A_14 = tpu.memref_slice %arg3[%add3A_13] : memref<640000xi32, #tpu.memory_space<hbm>> -> memref<40xi32, #tpu.memory_space<hbm>>
    %dma_start3A_15 = tpu.memref_slice %arg3[%add3A_13] : memref<640000xi32, #tpu.memory_space<hbm>> -> memref<40xi32, #tpu.memory_space<hbm>>
    tpu.enqueue_dma source(%dma_start3A_15 : memref<40xi32, #tpu.memory_space<hbm>>) target(%arg6 : memref<40xi32, #tpu.memory_space<vmem>>) target_semaphore(%arg32 : memref<!tpu.dma_semaphore, #tpu.memory_space<semaphore_mem>>)
    %add3A_16 = arith.constant 320000 : i32
    %add3A_17 = arith.addi %add3A_16, %add3A_13 : i32
    %dma_start3A_18 = tpu.memref_slice %arg3[%add3A_17] : memref<640000xi32, #tpu.memory_space<hbm>> -> memref<40xi32, #tpu.memory_space<hbm>>
    %dma_start3A_19 = tpu.memref_slice %arg3[%add3A_17] : memref<640000xi32, #tpu.memory_space<hbm>> -> memref<40xi32, #tpu.memory_space<hbm>>
    tpu.enqueue_dma source(%dma_start3A_19 : memref<40xi32, #tpu.memory_space<hbm>>) target(%arg14 : memref<40xi32, #tpu.memory_space<vmem>>) target_semaphore(%arg32 : memref<!tpu.dma_semaphore, #tpu.memory_space<semaphore_mem>>)
    %add3A_20 = arith.constant 80 : i32
    %add3A_21 = arith.addi %mul3A_2, %add3A_20 : i32
    %dma_start3A_22 = tpu.memref_slice %arg3[%add3A_21] : memref<640000xi32, #tpu.memory_space<hbm>> -> memref<40xi32, #tpu.memory_space<hbm>>
    %dma_start3A_23 = tpu.memref_slice %arg3[%add3A_21] : memref<640000xi32, #tpu.memory_space<hbm>> -> memref<40xi32, #tpu.memory_space<hbm>>
    tpu.enqueue_dma source(%dma_start3A_23 : memref<40xi32, #tpu.memory_space<hbm>>) target(%arg7 : memref<40xi32, #tpu.memory_space<vmem>>) target_semaphore(%arg33 : memref<!tpu.dma_semaphore, #tpu.memory_space<semaphore_mem>>)
    %add3A_24 = arith.constant 320000 : i32
    %add3A_25 = arith.addi %add3A_24, %add3A_21 : i32
    %dma_start3A_26 = tpu.memref_slice %arg3[%add3A_25] : memref<640000xi32, #tpu.memory_space<hbm>> -> memref<40xi32, #tpu.memory_space<hbm>>
    %dma_start3A_27 = tpu.memref_slice %arg3[%add3A_25] : memref<640000xi32, #tpu.memory_space<hbm>> -> memref<40xi32, #tpu.memory_space<hbm>>
    tpu.enqueue_dma source(%dma_start3A_27 : memref<40xi32, #tpu.memory_space<hbm>>) target(%arg15 : memref<40xi32, #tpu.memory_space<vmem>>) target_semaphore(%arg33 : memref<!tpu.dma_semaphore, #tpu.memory_space<semaphore_mem>>)
    %add3A_28 = arith.constant 120 : i32
    %add3A_29 = arith.addi %mul3A_2, %add3A_28 : i32
    %dma_start3A_30 = tpu.memref_slice %arg3[%add3A_29] : memref<640000xi32, #tpu.memory_space<hbm>> -> memref<40xi32, #tpu.memory_space<hbm>>
    %dma_start3A_31 = tpu.memref_slice %arg3[%add3A_29] : memref<640000xi32, #tpu.memory_space<hbm>> -> memref<40xi32, #tpu.memory_space<hbm>>
    tpu.enqueue_dma source(%dma_start3A_31 : memref<40xi32, #tpu.memory_space<hbm>>) target(%arg8 : memref<40xi32, #tpu.memory_space<vmem>>) target_semaphore(%arg34 : memref<!tpu.dma_semaphore, #tpu.memory_space<semaphore_mem>>)
    %add3A_32 = arith.constant 320000 : i32
    %add3A_33 = arith.addi %add3A_32, %add3A_29 : i32
    %dma_start3A_34 = tpu.memref_slice %arg3[%add3A_33] : memref<640000xi32, #tpu.memory_space<hbm>> -> memref<40xi32, #tpu.memory_space<hbm>>
    %dma_start3A_35 = tpu.memref_slice %arg3[%add3A_33] : memref<640000xi32, #tpu.memory_space<hbm>> -> memref<40xi32, #tpu.memory_space<hbm>>
    tpu.enqueue_dma source(%dma_start3A_35 : memref<40xi32, #tpu.memory_space<hbm>>) target(%arg16 : memref<40xi32, #tpu.memory_space<vmem>>) target_semaphore(%arg34 : memref<!tpu.dma_semaphore, #tpu.memory_space<semaphore_mem>>)
    %add3A_36 = arith.constant 160 : i32
    %add3A_37 = arith.addi %mul3A_2, %add3A_36 : i32
    %dma_start3A_38 = tpu.memref_slice %arg3[%add3A_37] : memref<640000xi32, #tpu.memory_space<hbm>> -> memref<40xi32, #tpu.memory_space<hbm>>
    %dma_start3A_39 = tpu.memref_slice %arg3[%add3A_37] : memref<640000xi32, #tpu.memory_space<hbm>> -> memref<40xi32, #tpu.memory_space<hbm>>
    tpu.enqueue_dma source(%dma_start3A_39 : memref<40xi32, #tpu.memory_space<hbm>>) target(%arg9 : memref<40xi32, #tpu.memory_space<vmem>>) target_semaphore(%arg35 : memref<!tpu.dma_semaphore, #tpu.memory_space<semaphore_mem>>)
    %add3A_40 = arith.constant 320000 : i32
    %add3A_41 = arith.addi %add3A_40, %add3A_37 : i32
    %dma_start3A_42 = tpu.memref_slice %arg3[%add3A_41] : memref<640000xi32, #tpu.memory_space<hbm>> -> memref<40xi32, #tpu.memory_space<hbm>>
    %dma_start3A_43 = tpu.memref_slice %arg3[%add3A_41] : memref<640000xi32, #tpu.memory_space<hbm>> -> memref<40xi32, #tpu.memory_space<hbm>>
    tpu.enqueue_dma source(%dma_start3A_43 : memref<40xi32, #tpu.memory_space<hbm>>) target(%arg17 : memref<40xi32, #tpu.memory_space<vmem>>) target_semaphore(%arg35 : memref<!tpu.dma_semaphore, #tpu.memory_space<semaphore_mem>>)
    %add3A_44 = arith.constant 200 : i32
    %add3A_45 = arith.addi %mul3A_2, %add3A_44 : i32
    %dma_start3A_46 = tpu.memref_slice %arg3[%add3A_45] : memref<640000xi32, #tpu.memory_space<hbm>> -> memref<40xi32, #tpu.memory_space<hbm>>
    %dma_start3A_47 = tpu.memref_slice %arg3[%add3A_45] : memref<640000xi32, #tpu.memory_space<hbm>> -> memref<40xi32, #tpu.memory_space<hbm>>
    tpu.enqueue_dma source(%dma_start3A_47 : memref<40xi32, #tpu.memory_space<hbm>>) target(%arg10 : memref<40xi32, #tpu.memory_space<vmem>>) target_semaphore(%arg36 : memref<!tpu.dma_semaphore, #tpu.memory_space<semaphore_mem>>)
    %add3A_48 = arith.constant 320000 : i32
    %add3A_49 = arith.addi %add3A_48, %add3A_45 : i32
    %dma_start3A_50 = tpu.memref_slice %arg3[%add3A_49] : memref<640000xi32, #tpu.memory_space<hbm>> -> memref<40xi32, #tpu.memory_space<hbm>>
    %dma_start3A_51 = tpu.memref_slice %arg3[%add3A_49] : memref<640000xi32, #tpu.memory_space<hbm>> -> memref<40xi32, #tpu.memory_space<hbm>>
    tpu.enqueue_dma source(%dma_start3A_51 : memref<40xi32, #tpu.memory_space<hbm>>) target(%arg18 : memref<40xi32, #tpu.memory_space<vmem>>) target_semaphore(%arg36 : memref<!tpu.dma_semaphore, #tpu.memory_space<semaphore_mem>>)
    %add3A_52 = arith.constant 240 : i32
    %add3A_53 = arith.addi %mul3A_2, %add3A_52 : i32
    %dma_start3A_54 = tpu.memref_slice %arg3[%add3A_53] : memref<640000xi32, #tpu.memory_space<hbm>> -> memref<40xi32, #tpu.memory_space<hbm>>
    %dma_start3A_55 = tpu.memref_slice %arg3[%add3A_53] : memref<640000xi32, #tpu.memory_space<hbm>> -> memref<40xi32, #tpu.memory_space<hbm>>
    tpu.enqueue_dma source(%dma_start3A_55 : memref<40xi32, #tpu.memory_space<hbm>>) target(%arg11 : memref<40xi32, #tpu.memory_space<vmem>>) target_semaphore(%arg37 : memref<!tpu.dma_semaphore, #tpu.memory_space<semaphore_mem>>)
    %add3A_56 = arith.constant 320000 : i32
    %add3A_57 = arith.addi %add3A_56, %add3A_53 : i32
    %dma_start3A_58 = tpu.memref_slice %arg3[%add3A_57] : memref<640000xi32, #tpu.memory_space<hbm>> -> memref<40xi32, #tpu.memory_space<hbm>>
    %dma_start3A_59 = tpu.memref_slice %arg3[%add3A_57] : memref<640000xi32, #tpu.memory_space<hbm>> -> memref<40xi32, #tpu.memory_space<hbm>>
    tpu.enqueue_dma source(%dma_start3A_59 : memref<40xi32, #tpu.memory_space<hbm>>) target(%arg19 : memref<40xi32, #tpu.memory_space<vmem>>) target_semaphore(%arg37 : memref<!tpu.dma_semaphore, #tpu.memory_space<semaphore_mem>>)
    %broadcast_in_dim3A = arith.constant 0.000000e+00 : f32
    %broadcast_in_dim3A_60 = vector.broadcast %broadcast_in_dim3A : f32 to vector<16xf32>
    %scan3A = arith.constant 0 : i32
    %scan3A_61 = arith.constant 32 : i32
    %scan3A_62 = arith.addi %scan3A, %scan3A_61 : i32
    %scan3A_63 = arith.constant 1 : i32
    scf.for %scan3A_334 = %scan3A to %scan3A_62 step %scan3A_63  : i32 {
      %swap3A = arith.index_cast %scan3A_334 : i32 to index
      %swap3A_335 = arith.constant 0 : index
      %swap3A_336 = tpu.vector_load %arg29[%swap3A, %swap3A_335] {strides = array<i32>} : memref<32x128xf32, #tpu.memory_space<vmem>>, vector<1x16xf32>,
      %swap3A_337 = vector.shape_cast %swap3A_336 : vector<1x16xf32> to vector<16xf32>
      %swap3A_338 = vector.shape_cast %broadcast_in_dim3A_60 : vector<16xf32> to vector<1x16xf32>
      tpu.vector_store %arg29[%swap3A, %swap3A_335], %swap3A_338 {strides = array<i32>} : memref<32x128xf32, #tpu.memory_space<vmem>>, vector<1x16xf32>,
      %swap3A_339 = arith.index_cast %scan3A_334 : i32 to index
      %swap3A_340 = arith.constant 16 : index
      %swap3A_341 = tpu.vector_load %arg29[%swap3A_339, %swap3A_340] {strides = array<i32>} : memref<32x128xf32, #tpu.memory_space<vmem>>, vector<1x16xf32>,
      %swap3A_342 = vector.shape_cast %swap3A_341 : vector<1x16xf32> to vector<16xf32>
      %swap3A_343 = vector.shape_cast %broadcast_in_dim3A_60 : vector<16xf32> to vector<1x16xf32>
      tpu.vector_store %arg29[%swap3A_339, %swap3A_340], %swap3A_343 {strides = array<i32>} : memref<32x128xf32, #tpu.memory_space<vmem>>, vector<1x16xf32>,
      %swap3A_344 = arith.index_cast %scan3A_334 : i32 to index
      %swap3A_345 = arith.constant 32 : index
      %swap3A_346 = tpu.vector_load %arg29[%swap3A_344, %swap3A_345] {strides = array<i32>} : memref<32x128xf32, #tpu.memory_space<vmem>>, vector<1x16xf32>,
      %swap3A_347 = vector.shape_cast %swap3A_346 : vector<1x16xf32> to vector<16xf32>
      %swap3A_348 = vector.shape_cast %broadcast_in_dim3A_60 : vector<16xf32> to vector<1x16xf32>
      tpu.vector_store %arg29[%swap3A_344, %swap3A_345], %swap3A_348 {strides = array<i32>} : memref<32x128xf32, #tpu.memory_space<vmem>>, vector<1x16xf32>,
      %swap3A_349 = arith.index_cast %scan3A_334 : i32 to index
      %swap3A_350 = arith.constant 48 : index
      %swap3A_351 = tpu.vector_load %arg29[%swap3A_349, %swap3A_350] {strides = array<i32>} : memref<32x128xf32, #tpu.memory_space<vmem>>, vector<1x16xf32>,
      %swap3A_352 = vector.shape_cast %swap3A_351 : vector<1x16xf32> to vector<16xf32>
      %swap3A_353 = vector.shape_cast %broadcast_in_dim3A_60 : vector<16xf32> to vector<1x16xf32>
      tpu.vector_store %arg29[%swap3A_349, %swap3A_350], %swap3A_353 {strides = array<i32>} : memref<32x128xf32, #tpu.memory_space<vmem>>, vector<1x16xf32>,
      %swap3A_354 = arith.index_cast %scan3A_334 : i32 to index
      %swap3A_355 = arith.constant 64 : index
      %swap3A_356 = tpu.vector_load %arg29[%swap3A_354, %swap3A_355] {strides = array<i32>} : memref<32x128xf32, #tpu.memory_space<vmem>>, vector<1x16xf32>,
      %swap3A_357 = vector.shape_cast %swap3A_356 : vector<1x16xf32> to vector<16xf32>
      %swap3A_358 = vector.shape_cast %broadcast_in_dim3A_60 : vector<16xf32> to vector<1x16xf32>
      tpu.vector_store %arg29[%swap3A_354, %swap3A_355], %swap3A_358 {strides = array<i32>} : memref<32x128xf32, #tpu.memory_space<vmem>>, vector<1x16xf32>,
      %swap3A_359 = arith.index_cast %scan3A_334 : i32 to index
      %swap3A_360 = arith.constant 80 : index
      %swap3A_361 = tpu.vector_load %arg29[%swap3A_359, %swap3A_360] {strides = array<i32>} : memref<32x128xf32, #tpu.memory_space<vmem>>, vector<1x16xf32>,
      %swap3A_362 = vector.shape_cast %swap3A_361 : vector<1x16xf32> to vector<16xf32>
      %swap3A_363 = vector.shape_cast %broadcast_in_dim3A_60 : vector<16xf32> to vector<1x16xf32>
      tpu.vector_store %arg29[%swap3A_359, %swap3A_360], %swap3A_363 {strides = array<i32>} : memref<32x128xf32, #tpu.memory_space<vmem>>, vector<1x16xf32>,
      %swap3A_364 = arith.index_cast %scan3A_334 : i32 to index
      %swap3A_365 = arith.constant 96 : index
      %swap3A_366 = tpu.vector_load %arg29[%swap3A_364, %swap3A_365] {strides = array<i32>} : memref<32x128xf32, #tpu.memory_space<vmem>>, vector<1x16xf32>,
      %swap3A_367 = vector.shape_cast %swap3A_366 : vector<1x16xf32> to vector<16xf32>
      %swap3A_368 = vector.shape_cast %broadcast_in_dim3A_60 : vector<16xf32> to vector<1x16xf32>
      tpu.vector_store %arg29[%swap3A_364, %swap3A_365], %swap3A_368 {strides = array<i32>} : memref<32x128xf32, #tpu.memory_space<vmem>>, vector<1x16xf32>,
      %swap3A_369 = arith.index_cast %scan3A_334 : i32 to index
      %swap3A_370 = arith.constant 112 : index
      %swap3A_371 = tpu.vector_load %arg29[%swap3A_369, %swap3A_370] {strides = array<i32>} : memref<32x128xf32, #tpu.memory_space<vmem>>, vector<1x16xf32>,
      %swap3A_372 = vector.shape_cast %swap3A_371 : vector<1x16xf32> to vector<16xf32>
      %swap3A_373 = vector.shape_cast %broadcast_in_dim3A_60 : vector<16xf32> to vector<1x16xf32>
      tpu.vector_store %arg29[%swap3A_369, %swap3A_370], %swap3A_373 {strides = array<i32>} : memref<32x128xf32, #tpu.memory_space<vmem>>, vector<1x16xf32>,
    }
    %scan3A_64 = arith.constant 32 : i32
    %add3A_65 = arith.constant 0 : i32
    %add3A_66 = arith.addi %mul3A_4, %add3A_65 : i32
    "tpu.region"() ({
      %run_scoped3A = tpu.sem_alloc : memref<!tpu.dma_semaphore, #tpu.memory_space<semaphore_mem>>
      %dma_start3A_334 = arith.constant 0 : i32
      %dma_start3A_335 = tpu.memref_slice %arg30[%add3A_66, %dma_start3A_334] : memref<10240x128xf32, #tpu.memory_space<vmem_shared>> -> memref<32x128xf32, #tpu.memory_space<vmem_shared>>
      %dma_start3A_336 = arith.constant 0 : i32
      %dma_start3A_337 = tpu.memref_slice %arg30[%add3A_66, %dma_start3A_336] : memref<10240x128xf32, #tpu.memory_space<vmem_shared>> -> memref<32x128xf32, #tpu.memory_space<vmem_shared>>
      tpu.enqueue_dma source(%arg29 : memref<32x128xf32, #tpu.memory_space<vmem>>) target(%dma_start3A_337 : memref<32x128xf32, #tpu.memory_space<vmem_shared>>) target_semaphore(%run_scoped3A : memref<!tpu.dma_semaphore, #tpu.memory_space<semaphore_mem>>)
      %dma_wait3A_338 = arith.constant 0 : i32
      %dma_wait3A_339 = tpu.memref_slice %arg30[%add3A_66, %dma_wait3A_338] : memref<10240x128xf32, #tpu.memory_space<vmem_shared>> -> memref<32x128xf32, #tpu.memory_space<vmem_shared>>
      %dma_wait3A_340 = arith.constant 0 : i32
      %dma_wait3A_341 = tpu.memref_slice %arg30[%add3A_66, %dma_wait3A_340] : memref<10240x128xf32, #tpu.memory_space<vmem_shared>> -> memref<32x128xf32, #tpu.memory_space<vmem_shared>>
      tpu.wait_dma2 semaphore(%run_scoped3A : memref<!tpu.dma_semaphore, #tpu.memory_space<semaphore_mem>>) src(%arg29 : memref<32x128xf32, #tpu.memory_space<vmem>>) dst(%dma_wait3A_341 : memref<32x128xf32, #tpu.memory_space<vmem_shared>>)
      tpu.yield
    }) : () -> ()
    %add3A_67 = arith.constant 32 : i32
    %add3A_68 = arith.addi %mul3A_4, %add3A_67 : i32
    "tpu.region"() ({
      %run_scoped3A = tpu.sem_alloc : memref<!tpu.dma_semaphore, #tpu.memory_space<semaphore_mem>>
      %dma_start3A_334 = arith.constant 0 : i32
      %dma_start3A_335 = tpu.memref_slice %arg30[%add3A_68, %dma_start3A_334] : memref<10240x128xf32, #tpu.memory_space<vmem_shared>> -> memref<32x128xf32, #tpu.memory_space<vmem_shared>>
      %dma_start3A_336 = arith.constant 0 : i32
      %dma_start3A_337 = tpu.memref_slice %arg30[%add3A_68, %dma_start3A_336] : memref<10240x128xf32, #tpu.memory_space<vmem_shared>> -> memref<32x128xf32, #tpu.memory_space<vmem_shared>>
      tpu.enqueue_dma source(%arg29 : memref<32x128xf32, #tpu.memory_space<vmem>>) target(%dma_start3A_337 : memref<32x128xf32, #tpu.memory_space<vmem_shared>>) target_semaphore(%run_scoped3A : memref<!tpu.dma_semaphore, #tpu.memory_space<semaphore_mem>>)
      %dma_wait3A_338 = arith.constant 0 : i32
      %dma_wait3A_339 = tpu.memref_slice %arg30[%add3A_68, %dma_wait3A_338] : memref<10240x128xf32, #tpu.memory_space<vmem_shared>> -> memref<32x128xf32, #tpu.memory_space<vmem_shared>>
      %dma_wait3A_340 = arith.constant 0 : i32
      %dma_wait3A_341 = tpu.memref_slice %arg30[%add3A_68, %dma_wait3A_340] : memref<10240x128xf32, #tpu.memory_space<vmem_shared>> -> memref<32x128xf32, #tpu.memory_space<vmem_shared>>
      tpu.wait_dma2 semaphore(%run_scoped3A : memref<!tpu.dma_semaphore, #tpu.memory_space<semaphore_mem>>) src(%arg29 : memref<32x128xf32, #tpu.memory_space<vmem>>) dst(%dma_wait3A_341 : memref<32x128xf32, #tpu.memory_space<vmem_shared>>)
      tpu.yield
    }) : () -> ()
    %add3A_69 = arith.constant 64 : i32
    %add3A_70 = arith.addi %mul3A_4, %add3A_69 : i32
    "tpu.region"() ({
      %run_scoped3A = tpu.sem_alloc : memref<!tpu.dma_semaphore, #tpu.memory_space<semaphore_mem>>
      %dma_start3A_334 = arith.constant 0 : i32
      %dma_start3A_335 = tpu.memref_slice %arg30[%add3A_70, %dma_start3A_334] : memref<10240x128xf32, #tpu.memory_space<vmem_shared>> -> memref<32x128xf32, #tpu.memory_space<vmem_shared>>
      %dma_start3A_336 = arith.constant 0 : i32
      %dma_start3A_337 = tpu.memref_slice %arg30[%add3A_70, %dma_start3A_336] : memref<10240x128xf32, #tpu.memory_space<vmem_shared>> -> memref<32x128xf32, #tpu.memory_space<vmem_shared>>
      tpu.enqueue_dma source(%arg29 : memref<32x128xf32, #tpu.memory_space<vmem>>) target(%dma_start3A_337 : memref<32x128xf32, #tpu.memory_space<vmem_shared>>) target_semaphore(%run_scoped3A : memref<!tpu.dma_semaphore, #tpu.memory_space<semaphore_mem>>)
      %dma_wait3A_338 = arith.constant 0 : i32
      %dma_wait3A_339 = tpu.memref_slice %arg30[%add3A_70, %dma_wait3A_338] : memref<10240x128xf32, #tpu.memory_space<vmem_shared>> -> memref<32x128xf32, #tpu.memory_space<vmem_shared>>
      %dma_wait3A_340 = arith.constant 0 : i32
      %dma_wait3A_341 = tpu.memref_slice %arg30[%add3A_70, %dma_wait3A_340] : memref<10240x128xf32, #tpu.memory_space<vmem_shared>> -> memref<32x128xf32, #tpu.memory_space<vmem_shared>>
      tpu.wait_dma2 semaphore(%run_scoped3A : memref<!tpu.dma_semaphore, #tpu.memory_space<semaphore_mem>>) src(%arg29 : memref<32x128xf32, #tpu.memory_space<vmem>>) dst(%dma_wait3A_341 : memref<32x128xf32, #tpu.memory_space<vmem_shared>>)
      tpu.yield
    }) : () -> ()
    %add3A_71 = arith.constant 96 : i32
    %add3A_72 = arith.addi %mul3A_4, %add3A_71 : i32
    "tpu.region"() ({
      %run_scoped3A = tpu.sem_alloc : memref<!tpu.dma_semaphore, #tpu.memory_space<semaphore_mem>>
      %dma_start3A_334 = arith.constant 0 : i32
      %dma_start3A_335 = tpu.memref_slice %arg30[%add3A_72, %dma_start3A_334] : memref<10240x128xf32, #tpu.memory_space<vmem_shared>> -> memref<32x128xf32, #tpu.memory_space<vmem_shared>>
      %dma_start3A_336 = arith.constant 0 : i32
      %dma_start3A_337 = tpu.memref_slice %arg30[%add3A_72, %dma_start3A_336] : memref<10240x128xf32, #tpu.memory_space<vmem_shared>> -> memref<32x128xf32, #tpu.memory_space<vmem_shared>>
      tpu.enqueue_dma source(%arg29 : memref<32x128xf32, #tpu.memory_space<vmem>>) target(%dma_start3A_337 : memref<32x128xf32, #tpu.memory_space<vmem_shared>>) target_semaphore(%run_scoped3A : memref<!tpu.dma_semaphore, #tpu.memory_space<semaphore_mem>>)
      %dma_wait3A_338 = arith.constant 0 : i32
      %dma_wait3A_339 = tpu.memref_slice %arg30[%add3A_72, %dma_wait3A_338] : memref<10240x128xf32, #tpu.memory_space<vmem_shared>> -> memref<32x128xf32, #tpu.memory_space<vmem_shared>>
      %dma_wait3A_340 = arith.constant 0 : i32
      %dma_wait3A_341 = tpu.memref_slice %arg30[%add3A_72, %dma_wait3A_340] : memref<10240x128xf32, #tpu.memory_space<vmem_shared>> -> memref<32x128xf32, #tpu.memory_space<vmem_shared>>
      tpu.wait_dma2 semaphore(%run_scoped3A : memref<!tpu.dma_semaphore, #tpu.memory_space<semaphore_mem>>) src(%arg29 : memref<32x128xf32, #tpu.memory_space<vmem>>) dst(%dma_wait3A_341 : memref<32x128xf32, #tpu.memory_space<vmem_shared>>)
      tpu.yield
    }) : () -> ()
    %add3A_73 = arith.constant 128 : i32
    %add3A_74 = arith.addi %mul3A_4, %add3A_73 : i32
    "tpu.region"() ({
      %run_scoped3A = tpu.sem_alloc : memref<!tpu.dma_semaphore, #tpu.memory_space<semaphore_mem>>
      %dma_start3A_334 = arith.constant 0 : i32
      %dma_start3A_335 = tpu.memref_slice %arg30[%add3A_74, %dma_start3A_334] : memref<10240x128xf32, #tpu.memory_space<vmem_shared>> -> memref<32x128xf32, #tpu.memory_space<vmem_shared>>
      %dma_start3A_336 = arith.constant 0 : i32
      %dma_start3A_337 = tpu.memref_slice %arg30[%add3A_74, %dma_start3A_336] : memref<10240x128xf32, #tpu.memory_space<vmem_shared>> -> memref<32x128xf32, #tpu.memory_space<vmem_shared>>
      tpu.enqueue_dma source(%arg29 : memref<32x128xf32, #tpu.memory_space<vmem>>) target(%dma_start3A_337 : memref<32x128xf32, #tpu.memory_space<vmem_shared>>) target_semaphore(%run_scoped3A : memref<!tpu.dma_semaphore, #tpu.memory_space<semaphore_mem>>)
      %dma_wait3A_338 = arith.constant 0 : i32
      %dma_wait3A_339 = tpu.memref_slice %arg30[%add3A_74, %dma_wait3A_338] : memref<10240x128xf32, #tpu.memory_space<vmem_shared>> -> memref<32x128xf32, #tpu.memory_space<vmem_shared>>
      %dma_wait3A_340 = arith.constant 0 : i32
      %dma_wait3A_341 = tpu.memref_slice %arg30[%add3A_74, %dma_wait3A_340] : memref<10240x128xf32, #tpu.memory_space<vmem_shared>> -> memref<32x128xf32, #tpu.memory_space<vmem_shared>>
      tpu.wait_dma2 semaphore(%run_scoped3A : memref<!tpu.dma_semaphore, #tpu.memory_space<semaphore_mem>>) src(%arg29 : memref<32x128xf32, #tpu.memory_space<vmem>>) dst(%dma_wait3A_341 : memref<32x128xf32, #tpu.memory_space<vmem_shared>>)
      tpu.yield
    }) : () -> ()
    %add3A_75 = arith.constant 160 : i32
    %add3A_76 = arith.addi %mul3A_4, %add3A_75 : i32
    "tpu.region"() ({
      %run_scoped3A = tpu.sem_alloc : memref<!tpu.dma_semaphore, #tpu.memory_space<semaphore_mem>>
      %dma_start3A_334 = arith.constant 0 : i32
      %dma_start3A_335 = tpu.memref_slice %arg30[%add3A_76, %dma_start3A_334] : memref<10240x128xf32, #tpu.memory_space<vmem_shared>> -> memref<32x128xf32, #tpu.memory_space<vmem_shared>>
      %dma_start3A_336 = arith.constant 0 : i32
      %dma_start3A_337 = tpu.memref_slice %arg30[%add3A_76, %dma_start3A_336] : memref<10240x128xf32, #tpu.memory_space<vmem_shared>> -> memref<32x128xf32, #tpu.memory_space<vmem_shared>>
      tpu.enqueue_dma source(%arg29 : memref<32x128xf32, #tpu.memory_space<vmem>>) target(%dma_start3A_337 : memref<32x128xf32, #tpu.memory_space<vmem_shared>>) target_semaphore(%run_scoped3A : memref<!tpu.dma_semaphore, #tpu.memory_space<semaphore_mem>>)
      %dma_wait3A_338 = arith.constant 0 : i32
      %dma_wait3A_339 = tpu.memref_slice %arg30[%add3A_76, %dma_wait3A_338] : memref<10240x128xf32, #tpu.memory_space<vmem_shared>> -> memref<32x128xf32, #tpu.memory_space<vmem_shared>>
      %dma_wait3A_340 = arith.constant 0 : i32
      %dma_wait3A_341 = tpu.memref_slice %arg30[%add3A_76, %dma_wait3A_340] : memref<10240x128xf32, #tpu.memory_space<vmem_shared>> -> memref<32x128xf32, #tpu.memory_space<vmem_shared>>
      tpu.wait_dma2 semaphore(%run_scoped3A : memref<!tpu.dma_semaphore, #tpu.memory_space<semaphore_mem>>) src(%arg29 : memref<32x128xf32, #tpu.memory_space<vmem>>) dst(%dma_wait3A_341 : memref<32x128xf32, #tpu.memory_space<vmem_shared>>)
      tpu.yield
    }) : () -> ()
    %add3A_77 = arith.constant 192 : i32
    %add3A_78 = arith.addi %mul3A_4, %add3A_77 : i32
    "tpu.region"() ({
      %run_scoped3A = tpu.sem_alloc : memref<!tpu.dma_semaphore, #tpu.memory_space<semaphore_mem>>
      %dma_start3A_334 = arith.constant 0 : i32
      %dma_start3A_335 = tpu.memref_slice %arg30[%add3A_78, %dma_start3A_334] : memref<10240x128xf32, #tpu.memory_space<vmem_shared>> -> memref<32x128xf32, #tpu.memory_space<vmem_shared>>
      %dma_start3A_336 = arith.constant 0 : i32
      %dma_start3A_337 = tpu.memref_slice %arg30[%add3A_78, %dma_start3A_336] : memref<10240x128xf32, #tpu.memory_space<vmem_shared>> -> memref<32x128xf32, #tpu.memory_space<vmem_shared>>
      tpu.enqueue_dma source(%arg29 : memref<32x128xf32, #tpu.memory_space<vmem>>) target(%dma_start3A_337 : memref<32x128xf32, #tpu.memory_space<vmem_shared>>) target_semaphore(%run_scoped3A : memref<!tpu.dma_semaphore, #tpu.memory_space<semaphore_mem>>)
      %dma_wait3A_338 = arith.constant 0 : i32
      %dma_wait3A_339 = tpu.memref_slice %arg30[%add3A_78, %dma_wait3A_338] : memref<10240x128xf32, #tpu.memory_space<vmem_shared>> -> memref<32x128xf32, #tpu.memory_space<vmem_shared>>
      %dma_wait3A_340 = arith.constant 0 : i32
      %dma_wait3A_341 = tpu.memref_slice %arg30[%add3A_78, %dma_wait3A_340] : memref<10240x128xf32, #tpu.memory_space<vmem_shared>> -> memref<32x128xf32, #tpu.memory_space<vmem_shared>>
      tpu.wait_dma2 semaphore(%run_scoped3A : memref<!tpu.dma_semaphore, #tpu.memory_space<semaphore_mem>>) src(%arg29 : memref<32x128xf32, #tpu.memory_space<vmem>>) dst(%dma_wait3A_341 : memref<32x128xf32, #tpu.memory_space<vmem_shared>>)
      tpu.yield
    }) : () -> ()
    %add3A_79 = arith.constant 224 : i32
    %add3A_80 = arith.addi %mul3A_4, %add3A_79 : i32
    "tpu.region"() ({
      %run_scoped3A = tpu.sem_alloc : memref<!tpu.dma_semaphore, #tpu.memory_space<semaphore_mem>>
      %dma_start3A_334 = arith.constant 0 : i32
      %dma_start3A_335 = tpu.memref_slice %arg30[%add3A_80, %dma_start3A_334] : memref<10240x128xf32, #tpu.memory_space<vmem_shared>> -> memref<32x128xf32, #tpu.memory_space<vmem_shared>>
      %dma_start3A_336 = arith.constant 0 : i32
      %dma_start3A_337 = tpu.memref_slice %arg30[%add3A_80, %dma_start3A_336] : memref<10240x128xf32, #tpu.memory_space<vmem_shared>> -> memref<32x128xf32, #tpu.memory_space<vmem_shared>>
      tpu.enqueue_dma source(%arg29 : memref<32x128xf32, #tpu.memory_space<vmem>>) target(%dma_start3A_337 : memref<32x128xf32, #tpu.memory_space<vmem_shared>>) target_semaphore(%run_scoped3A : memref<!tpu.dma_semaphore, #tpu.memory_space<semaphore_mem>>)
      %dma_wait3A_338 = arith.constant 0 : i32
      %dma_wait3A_339 = tpu.memref_slice %arg30[%add3A_80, %dma_wait3A_338] : memref<10240x128xf32, #tpu.memory_space<vmem_shared>> -> memref<32x128xf32, #tpu.memory_space<vmem_shared>>
      %dma_wait3A_340 = arith.constant 0 : i32
      %dma_wait3A_341 = tpu.memref_slice %arg30[%add3A_80, %dma_wait3A_340] : memref<10240x128xf32, #tpu.memory_space<vmem_shared>> -> memref<32x128xf32, #tpu.memory_space<vmem_shared>>
      tpu.wait_dma2 semaphore(%run_scoped3A : memref<!tpu.dma_semaphore, #tpu.memory_space<semaphore_mem>>) src(%arg29 : memref<32x128xf32, #tpu.memory_space<vmem>>) dst(%dma_wait3A_341 : memref<32x128xf32, #tpu.memory_space<vmem_shared>>)
      tpu.yield
    }) : () -> ()
    %add3A_81 = arith.constant 256 : i32
    %add3A_82 = arith.addi %mul3A_4, %add3A_81 : i32
    "tpu.region"() ({
      %run_scoped3A = tpu.sem_alloc : memref<!tpu.dma_semaphore, #tpu.memory_space<semaphore_mem>>
      %dma_start3A_334 = arith.constant 0 : i32
      %dma_start3A_335 = tpu.memref_slice %arg30[%add3A_82, %dma_start3A_334] : memref<10240x128xf32, #tpu.memory_space<vmem_shared>> -> memref<32x128xf32, #tpu.memory_space<vmem_shared>>
      %dma_start3A_336 = arith.constant 0 : i32
      %dma_start3A_337 = tpu.memref_slice %arg30[%add3A_82, %dma_start3A_336] : memref<10240x128xf32, #tpu.memory_space<vmem_shared>> -> memref<32x128xf32, #tpu.memory_space<vmem_shared>>
      tpu.enqueue_dma source(%arg29 : memref<32x128xf32, #tpu.memory_space<vmem>>) target(%dma_start3A_337 : memref<32x128xf32, #tpu.memory_space<vmem_shared>>) target_semaphore(%run_scoped3A : memref<!tpu.dma_semaphore, #tpu.memory_space<semaphore_mem>>)
      %dma_wait3A_338 = arith.constant 0 : i32
      %dma_wait3A_339 = tpu.memref_slice %arg30[%add3A_82, %dma_wait3A_338] : memref<10240x128xf32, #tpu.memory_space<vmem_shared>> -> memref<32x128xf32, #tpu.memory_space<vmem_shared>>
      %dma_wait3A_340 = arith.constant 0 : i32
      %dma_wait3A_341 = tpu.memref_slice %arg30[%add3A_82, %dma_wait3A_340] : memref<10240x128xf32, #tpu.memory_space<vmem_shared>> -> memref<32x128xf32, #tpu.memory_space<vmem_shared>>
      tpu.wait_dma2 semaphore(%run_scoped3A : memref<!tpu.dma_semaphore, #tpu.memory_space<semaphore_mem>>) src(%arg29 : memref<32x128xf32, #tpu.memory_space<vmem>>) dst(%dma_wait3A_341 : memref<32x128xf32, #tpu.memory_space<vmem_shared>>)
      tpu.yield
    }) : () -> ()
    %add3A_83 = arith.constant 288 : i32
    %add3A_84 = arith.addi %mul3A_4, %add3A_83 : i32
    "tpu.region"() ({
      %run_scoped3A = tpu.sem_alloc : memref<!tpu.dma_semaphore, #tpu.memory_space<semaphore_mem>>
      %dma_start3A_334 = arith.constant 0 : i32
      %dma_start3A_335 = tpu.memref_slice %arg30[%add3A_84, %dma_start3A_334] : memref<10240x128xf32, #tpu.memory_space<vmem_shared>> -> memref<32x128xf32, #tpu.memory_space<vmem_shared>>
      %dma_start3A_336 = arith.constant 0 : i32
      %dma_start3A_337 = tpu.memref_slice %arg30[%add3A_84, %dma_start3A_336] : memref<10240x128xf32, #tpu.memory_space<vmem_shared>> -> memref<32x128xf32, #tpu.memory_space<vmem_shared>>
      tpu.enqueue_dma source(%arg29 : memref<32x128xf32, #tpu.memory_space<vmem>>) target(%dma_start3A_337 : memref<32x128xf32, #tpu.memory_space<vmem_shared>>) target_semaphore(%run_scoped3A : memref<!tpu.dma_semaphore, #tpu.memory_space<semaphore_mem>>)
      %dma_wait3A_338 = arith.constant 0 : i32
      %dma_wait3A_339 = tpu.memref_slice %arg30[%add3A_84, %dma_wait3A_338] : memref<10240x128xf32, #tpu.memory_space<vmem_shared>> -> memref<32x128xf32, #tpu.memory_space<vmem_shared>>
      %dma_wait3A_340 = arith.constant 0 : i32
      %dma_wait3A_341 = tpu.memref_slice %arg30[%add3A_84, %dma_wait3A_340] : memref<10240x128xf32, #tpu.memory_space<vmem_shared>> -> memref<32x128xf32, #tpu.memory_space<vmem_shared>>
      tpu.wait_dma2 semaphore(%run_scoped3A : memref<!tpu.dma_semaphore, #tpu.memory_space<semaphore_mem>>) src(%arg29 : memref<32x128xf32, #tpu.memory_space<vmem>>) dst(%dma_wait3A_341 : memref<32x128xf32, #tpu.memory_space<vmem_shared>>)
      tpu.yield
    }) : () -> ()
    %add3A_85 = arith.constant 320 : i32
    %add3A_86 = arith.addi %mul3A_4, %add3A_85 : i32
    "tpu.region"() ({
      %run_scoped3A = tpu.sem_alloc : memref<!tpu.dma_semaphore, #tpu.memory_space<semaphore_mem>>
      %dma_start3A_334 = arith.constant 0 : i32
      %dma_start3A_335 = tpu.memref_slice %arg30[%add3A_86, %dma_start3A_334] : memref<10240x128xf32, #tpu.memory_space<vmem_shared>> -> memref<32x128xf32, #tpu.memory_space<vmem_shared>>
      %dma_start3A_336 = arith.constant 0 : i32
      %dma_start3A_337 = tpu.memref_slice %arg30[%add3A_86, %dma_start3A_336] : memref<10240x128xf32, #tpu.memory_space<vmem_shared>> -> memref<32x128xf32, #tpu.memory_space<vmem_shared>>
      tpu.enqueue_dma source(%arg29 : memref<32x128xf32, #tpu.memory_space<vmem>>) target(%dma_start3A_337 : memref<32x128xf32, #tpu.memory_space<vmem_shared>>) target_semaphore(%run_scoped3A : memref<!tpu.dma_semaphore, #tpu.memory_space<semaphore_mem>>)
      %dma_wait3A_338 = arith.constant 0 : i32
      %dma_wait3A_339 = tpu.memref_slice %arg30[%add3A_86, %dma_wait3A_338] : memref<10240x128xf32, #tpu.memory_space<vmem_shared>> -> memref<32x128xf32, #tpu.memory_space<vmem_shared>>
      %dma_wait3A_340 = arith.constant 0 : i32
      %dma_wait3A_341 = tpu.memref_slice %arg30[%add3A_86, %dma_wait3A_340] : memref<10240x128xf32, #tpu.memory_space<vmem_shared>> -> memref<32x128xf32, #tpu.memory_space<vmem_shared>>
      tpu.wait_dma2 semaphore(%run_scoped3A : memref<!tpu.dma_semaphore, #tpu.memory_space<semaphore_mem>>) src(%arg29 : memref<32x128xf32, #tpu.memory_space<vmem>>) dst(%dma_wait3A_341 : memref<32x128xf32, #tpu.memory_space<vmem_shared>>)
      tpu.yield
    }) : () -> ()
    %add3A_87 = arith.constant 352 : i32
    %add3A_88 = arith.addi %mul3A_4, %add3A_87 : i32
    "tpu.region"() ({
      %run_scoped3A = tpu.sem_alloc : memref<!tpu.dma_semaphore, #tpu.memory_space<semaphore_mem>>
      %dma_start3A_334 = arith.constant 0 : i32
      %dma_start3A_335 = tpu.memref_slice %arg30[%add3A_88, %dma_start3A_334] : memref<10240x128xf32, #tpu.memory_space<vmem_shared>> -> memref<32x128xf32, #tpu.memory_space<vmem_shared>>
      %dma_start3A_336 = arith.constant 0 : i32
      %dma_start3A_337 = tpu.memref_slice %arg30[%add3A_88, %dma_start3A_336] : memref<10240x128xf32, #tpu.memory_space<vmem_shared>> -> memref<32x128xf32, #tpu.memory_space<vmem_shared>>
      tpu.enqueue_dma source(%arg29 : memref<32x128xf32, #tpu.memory_space<vmem>>) target(%dma_start3A_337 : memref<32x128xf32, #tpu.memory_space<vmem_shared>>) target_semaphore(%run_scoped3A : memref<!tpu.dma_semaphore, #tpu.memory_space<semaphore_mem>>)
      %dma_wait3A_338 = arith.constant 0 : i32
      %dma_wait3A_339 = tpu.memref_slice %arg30[%add3A_88, %dma_wait3A_338] : memref<10240x128xf32, #tpu.memory_space<vmem_shared>> -> memref<32x128xf32, #tpu.memory_space<vmem_shared>>
      %dma_wait3A_340 = arith.constant 0 : i32
      %dma_wait3A_341 = tpu.memref_slice %arg30[%add3A_88, %dma_wait3A_340] : memref<10240x128xf32, #tpu.memory_space<vmem_shared>> -> memref<32x128xf32, #tpu.memory_space<vmem_shared>>
      tpu.wait_dma2 semaphore(%run_scoped3A : memref<!tpu.dma_semaphore, #tpu.memory_space<semaphore_mem>>) src(%arg29 : memref<32x128xf32, #tpu.memory_space<vmem>>) dst(%dma_wait3A_341 : memref<32x128xf32, #tpu.memory_space<vmem_shared>>)
      tpu.yield
    }) : () -> ()
    %add3A_89 = arith.constant 384 : i32
    %add3A_90 = arith.addi %mul3A_4, %add3A_89 : i32
    "tpu.region"() ({
      %run_scoped3A = tpu.sem_alloc : memref<!tpu.dma_semaphore, #tpu.memory_space<semaphore_mem>>
      %dma_start3A_334 = arith.constant 0 : i32
      %dma_start3A_335 = tpu.memref_slice %arg30[%add3A_90, %dma_start3A_334] : memref<10240x128xf32, #tpu.memory_space<vmem_shared>> -> memref<32x128xf32, #tpu.memory_space<vmem_shared>>
      %dma_start3A_336 = arith.constant 0 : i32
      %dma_start3A_337 = tpu.memref_slice %arg30[%add3A_90, %dma_start3A_336] : memref<10240x128xf32, #tpu.memory_space<vmem_shared>> -> memref<32x128xf32, #tpu.memory_space<vmem_shared>>
      tpu.enqueue_dma source(%arg29 : memref<32x128xf32, #tpu.memory_space<vmem>>) target(%dma_start3A_337 : memref<32x128xf32, #tpu.memory_space<vmem_shared>>) target_semaphore(%run_scoped3A : memref<!tpu.dma_semaphore, #tpu.memory_space<semaphore_mem>>)
      %dma_wait3A_338 = arith.constant 0 : i32
      %dma_wait3A_339 = tpu.memref_slice %arg30[%add3A_90, %dma_wait3A_338] : memref<10240x128xf32, #tpu.memory_space<vmem_shared>> -> memref<32x128xf32, #tpu.memory_space<vmem_shared>>
      %dma_wait3A_340 = arith.constant 0 : i32
      %dma_wait3A_341 = tpu.memref_slice %arg30[%add3A_90, %dma_wait3A_340] : memref<10240x128xf32, #tpu.memory_space<vmem_shared>> -> memref<32x128xf32, #tpu.memory_space<vmem_shared>>
      tpu.wait_dma2 semaphore(%run_scoped3A : memref<!tpu.dma_semaphore, #tpu.memory_space<semaphore_mem>>) src(%arg29 : memref<32x128xf32, #tpu.memory_space<vmem>>) dst(%dma_wait3A_341 : memref<32x128xf32, #tpu.memory_space<vmem_shared>>)
      tpu.yield
    }) : () -> ()
    %add3A_91 = arith.constant 416 : i32
    %add3A_92 = arith.addi %mul3A_4, %add3A_91 : i32
    "tpu.region"() ({
      %run_scoped3A = tpu.sem_alloc : memref<!tpu.dma_semaphore, #tpu.memory_space<semaphore_mem>>
      %dma_start3A_334 = arith.constant 0 : i32
      %dma_start3A_335 = tpu.memref_slice %arg30[%add3A_92, %dma_start3A_334] : memref<10240x128xf32, #tpu.memory_space<vmem_shared>> -> memref<32x128xf32, #tpu.memory_space<vmem_shared>>
      %dma_start3A_336 = arith.constant 0 : i32
      %dma_start3A_337 = tpu.memref_slice %arg30[%add3A_92, %dma_start3A_336] : memref<10240x128xf32, #tpu.memory_space<vmem_shared>> -> memref<32x128xf32, #tpu.memory_space<vmem_shared>>
      tpu.enqueue_dma source(%arg29 : memref<32x128xf32, #tpu.memory_space<vmem>>) target(%dma_start3A_337 : memref<32x128xf32, #tpu.memory_space<vmem_shared>>) target_semaphore(%run_scoped3A : memref<!tpu.dma_semaphore, #tpu.memory_space<semaphore_mem>>)
      %dma_wait3A_338 = arith.constant 0 : i32
      %dma_wait3A_339 = tpu.memref_slice %arg30[%add3A_92, %dma_wait3A_338] : memref<10240x128xf32, #tpu.memory_space<vmem_shared>> -> memref<32x128xf32, #tpu.memory_space<vmem_shared>>
      %dma_wait3A_340 = arith.constant 0 : i32
      %dma_wait3A_341 = tpu.memref_slice %arg30[%add3A_92, %dma_wait3A_340] : memref<10240x128xf32, #tpu.memory_space<vmem_shared>> -> memref<32x128xf32, #tpu.memory_space<vmem_shared>>
      tpu.wait_dma2 semaphore(%run_scoped3A : memref<!tpu.dma_semaphore, #tpu.memory_space<semaphore_mem>>) src(%arg29 : memref<32x128xf32, #tpu.memory_space<vmem>>) dst(%dma_wait3A_341 : memref<32x128xf32, #tpu.memory_space<vmem_shared>>)
      tpu.yield
    }) : () -> ()
    %add3A_93 = arith.constant 448 : i32
    %add3A_94 = arith.addi %mul3A_4, %add3A_93 : i32
    "tpu.region"() ({
      %run_scoped3A = tpu.sem_alloc : memref<!tpu.dma_semaphore, #tpu.memory_space<semaphore_mem>>
      %dma_start3A_334 = arith.constant 0 : i32
      %dma_start3A_335 = tpu.memref_slice %arg30[%add3A_94, %dma_start3A_334] : memref<10240x128xf32, #tpu.memory_space<vmem_shared>> -> memref<32x128xf32, #tpu.memory_space<vmem_shared>>
      %dma_start3A_336 = arith.constant 0 : i32
      %dma_start3A_337 = tpu.memref_slice %arg30[%add3A_94, %dma_start3A_336] : memref<10240x128xf32, #tpu.memory_space<vmem_shared>> -> memref<32x128xf32, #tpu.memory_space<vmem_shared>>
      tpu.enqueue_dma source(%arg29 : memref<32x128xf32, #tpu.memory_space<vmem>>) target(%dma_start3A_337 : memref<32x128xf32, #tpu.memory_space<vmem_shared>>) target_semaphore(%run_scoped3A : memref<!tpu.dma_semaphore, #tpu.memory_space<semaphore_mem>>)
      %dma_wait3A_338 = arith.constant 0 : i32
      %dma_wait3A_339 = tpu.memref_slice %arg30[%add3A_94, %dma_wait3A_338] : memref<10240x128xf32, #tpu.memory_space<vmem_shared>> -> memref<32x128xf32, #tpu.memory_space<vmem_shared>>
      %dma_wait3A_340 = arith.constant 0 : i32
      %dma_wait3A_341 = tpu.memref_slice %arg30[%add3A_94, %dma_wait3A_340] : memref<10240x128xf32, #tpu.memory_space<vmem_shared>> -> memref<32x128xf32, #tpu.memory_space<vmem_shared>>
      tpu.wait_dma2 semaphore(%run_scoped3A : memref<!tpu.dma_semaphore, #tpu.memory_space<semaphore_mem>>) src(%arg29 : memref<32x128xf32, #tpu.memory_space<vmem>>) dst(%dma_wait3A_341 : memref<32x128xf32, #tpu.memory_space<vmem_shared>>)
      tpu.yield
    }) : () -> ()
    %add3A_95 = arith.constant 480 : i32
    %add3A_96 = arith.addi %mul3A_4, %add3A_95 : i32
    "tpu.region"() ({
      %run_scoped3A = tpu.sem_alloc : memref<!tpu.dma_semaphore, #tpu.memory_space<semaphore_mem>>
      %dma_start3A_334 = arith.constant 0 : i32
      %dma_start3A_335 = tpu.memref_slice %arg30[%add3A_96, %dma_start3A_334] : memref<10240x128xf32, #tpu.memory_space<vmem_shared>> -> memref<32x128xf32, #tpu.memory_space<vmem_shared>>
      %dma_start3A_336 = arith.constant 0 : i32
      %dma_start3A_337 = tpu.memref_slice %arg30[%add3A_96, %dma_start3A_336] : memref<10240x128xf32, #tpu.memory_space<vmem_shared>> -> memref<32x128xf32, #tpu.memory_space<vmem_shared>>
      tpu.enqueue_dma source(%arg29 : memref<32x128xf32, #tpu.memory_space<vmem>>) target(%dma_start3A_337 : memref<32x128xf32, #tpu.memory_space<vmem_shared>>) target_semaphore(%run_scoped3A : memref<!tpu.dma_semaphore, #tpu.memory_space<semaphore_mem>>)
      %dma_wait3A_338 = arith.constant 0 : i32
      %dma_wait3A_339 = tpu.memref_slice %arg30[%add3A_96, %dma_wait3A_338] : memref<10240x128xf32, #tpu.memory_space<vmem_shared>> -> memref<32x128xf32, #tpu.memory_space<vmem_shared>>
      %dma_wait3A_340 = arith.constant 0 : i32
      %dma_wait3A_341 = tpu.memref_slice %arg30[%add3A_96, %dma_wait3A_340] : memref<10240x128xf32, #tpu.memory_space<vmem_shared>> -> memref<32x128xf32, #tpu.memory_space<vmem_shared>>
      tpu.wait_dma2 semaphore(%run_scoped3A : memref<!tpu.dma_semaphore, #tpu.memory_space<semaphore_mem>>) src(%arg29 : memref<32x128xf32, #tpu.memory_space<vmem>>) dst(%dma_wait3A_341 : memref<32x128xf32, #tpu.memory_space<vmem_shared>>)
      tpu.yield
    }) : () -> ()
    %add3A_97 = arith.constant 512 : i32
    %add3A_98 = arith.addi %mul3A_4, %add3A_97 : i32
    "tpu.region"() ({
      %run_scoped3A = tpu.sem_alloc : memref<!tpu.dma_semaphore, #tpu.memory_space<semaphore_mem>>
      %dma_start3A_334 = arith.constant 0 : i32
      %dma_start3A_335 = tpu.memref_slice %arg30[%add3A_98, %dma_start3A_334] : memref<10240x128xf32, #tpu.memory_space<vmem_shared>> -> memref<32x128xf32, #tpu.memory_space<vmem_shared>>
      %dma_start3A_336 = arith.constant 0 : i32
      %dma_start3A_337 = tpu.memref_slice %arg30[%add3A_98, %dma_start3A_336] : memref<10240x128xf32, #tpu.memory_space<vmem_shared>> -> memref<32x128xf32, #tpu.memory_space<vmem_shared>>
      tpu.enqueue_dma source(%arg29 : memref<32x128xf32, #tpu.memory_space<vmem>>) target(%dma_start3A_337 : memref<32x128xf32, #tpu.memory_space<vmem_shared>>) target_semaphore(%run_scoped3A : memref<!tpu.dma_semaphore, #tpu.memory_space<semaphore_mem>>)
      %dma_wait3A_338 = arith.constant 0 : i32
      %dma_wait3A_339 = tpu.memref_slice %arg30[%add3A_98, %dma_wait3A_338] : memref<10240x128xf32, #tpu.memory_space<vmem_shared>> -> memref<32x128xf32, #tpu.memory_space<vmem_shared>>
      %dma_wait3A_340 = arith.constant 0 : i32
      %dma_wait3A_341 = tpu.memref_slice %arg30[%add3A_98, %dma_wait3A_340] : memref<10240x128xf32, #tpu.memory_space<vmem_shared>> -> memref<32x128xf32, #tpu.memory_space<vmem_shared>>
      tpu.wait_dma2 semaphore(%run_scoped3A : memref<!tpu.dma_semaphore, #tpu.memory_space<semaphore_mem>>) src(%arg29 : memref<32x128xf32, #tpu.memory_space<vmem>>) dst(%dma_wait3A_341 : memref<32x128xf32, #tpu.memory_space<vmem_shared>>)
      tpu.yield
    }) : () -> ()
    %add3A_99 = arith.constant 544 : i32
    %add3A_100 = arith.addi %mul3A_4, %add3A_99 : i32
    "tpu.region"() ({
      %run_scoped3A = tpu.sem_alloc : memref<!tpu.dma_semaphore, #tpu.memory_space<semaphore_mem>>
      %dma_start3A_334 = arith.constant 0 : i32
      %dma_start3A_335 = tpu.memref_slice %arg30[%add3A_100, %dma_start3A_334] : memref<10240x128xf32, #tpu.memory_space<vmem_shared>> -> memref<32x128xf32, #tpu.memory_space<vmem_shared>>
      %dma_start3A_336 = arith.constant 0 : i32
      %dma_start3A_337 = tpu.memref_slice %arg30[%add3A_100, %dma_start3A_336] : memref<10240x128xf32, #tpu.memory_space<vmem_shared>> -> memref<32x128xf32, #tpu.memory_space<vmem_shared>>
      tpu.enqueue_dma source(%arg29 : memref<32x128xf32, #tpu.memory_space<vmem>>) target(%dma_start3A_337 : memref<32x128xf32, #tpu.memory_space<vmem_shared>>) target_semaphore(%run_scoped3A : memref<!tpu.dma_semaphore, #tpu.memory_space<semaphore_mem>>)
      %dma_wait3A_338 = arith.constant 0 : i32
      %dma_wait3A_339 = tpu.memref_slice %arg30[%add3A_100, %dma_wait3A_338] : memref<10240x128xf32, #tpu.memory_space<vmem_shared>> -> memref<32x128xf32, #tpu.memory_space<vmem_shared>>
      %dma_wait3A_340 = arith.constant 0 : i32
      %dma_wait3A_341 = tpu.memref_slice %arg30[%add3A_100, %dma_wait3A_340] : memref<10240x128xf32, #tpu.memory_space<vmem_shared>> -> memref<32x128xf32, #tpu.memory_space<vmem_shared>>
      tpu.wait_dma2 semaphore(%run_scoped3A : memref<!tpu.dma_semaphore, #tpu.memory_space<semaphore_mem>>) src(%arg29 : memref<32x128xf32, #tpu.memory_space<vmem>>) dst(%dma_wait3A_341 : memref<32x128xf32, #tpu.memory_space<vmem_shared>>)
      tpu.yield
    }) : () -> ()
    %add3A_101 = arith.constant 576 : i32
    %add3A_102 = arith.addi %mul3A_4, %add3A_101 : i32
    "tpu.region"() ({
      %run_scoped3A = tpu.sem_alloc : memref<!tpu.dma_semaphore, #tpu.memory_space<semaphore_mem>>
      %dma_start3A_334 = arith.constant 0 : i32
      %dma_start3A_335 = tpu.memref_slice %arg30[%add3A_102, %dma_start3A_334] : memref<10240x128xf32, #tpu.memory_space<vmem_shared>> -> memref<32x128xf32, #tpu.memory_space<vmem_shared>>
      %dma_start3A_336 = arith.constant 0 : i32
      %dma_start3A_337 = tpu.memref_slice %arg30[%add3A_102, %dma_start3A_336] : memref<10240x128xf32, #tpu.memory_space<vmem_shared>> -> memref<32x128xf32, #tpu.memory_space<vmem_shared>>
      tpu.enqueue_dma source(%arg29 : memref<32x128xf32, #tpu.memory_space<vmem>>) target(%dma_start3A_337 : memref<32x128xf32, #tpu.memory_space<vmem_shared>>) target_semaphore(%run_scoped3A : memref<!tpu.dma_semaphore, #tpu.memory_space<semaphore_mem>>)
      %dma_wait3A_338 = arith.constant 0 : i32
      %dma_wait3A_339 = tpu.memref_slice %arg30[%add3A_102, %dma_wait3A_338] : memref<10240x128xf32, #tpu.memory_space<vmem_shared>> -> memref<32x128xf32, #tpu.memory_space<vmem_shared>>
      %dma_wait3A_340 = arith.constant 0 : i32
      %dma_wait3A_341 = tpu.memref_slice %arg30[%add3A_102, %dma_wait3A_340] : memref<10240x128xf32, #tpu.memory_space<vmem_shared>> -> memref<32x128xf32, #tpu.memory_space<vmem_shared>>
      tpu.wait_dma2 semaphore(%run_scoped3A : memref<!tpu.dma_semaphore, #tpu.memory_space<semaphore_mem>>) src(%arg29 : memref<32x128xf32, #tpu.memory_space<vmem>>) dst(%dma_wait3A_341 : memref<32x128xf32, #tpu.memory_space<vmem_shared>>)
      tpu.yield
    }) : () -> ()
    %add3A_103 = arith.constant 608 : i32
    %add3A_104 = arith.addi %mul3A_4, %add3A_103 : i32
    "tpu.region"() ({
      %run_scoped3A = tpu.sem_alloc : memref<!tpu.dma_semaphore, #tpu.memory_space<semaphore_mem>>
      %dma_start3A_334 = arith.constant 0 : i32
      %dma_start3A_335 = tpu.memref_slice %arg30[%add3A_104, %dma_start3A_334] : memref<10240x128xf32, #tpu.memory_space<vmem_shared>> -> memref<32x128xf32, #tpu.memory_space<vmem_shared>>
      %dma_start3A_336 = arith.constant 0 : i32
      %dma_start3A_337 = tpu.memref_slice %arg30[%add3A_104, %dma_start3A_336] : memref<10240x128xf32, #tpu.memory_space<vmem_shared>> -> memref<32x128xf32, #tpu.memory_space<vmem_shared>>
      tpu.enqueue_dma source(%arg29 : memref<32x128xf32, #tpu.memory_space<vmem>>) target(%dma_start3A_337 : memref<32x128xf32, #tpu.memory_space<vmem_shared>>) target_semaphore(%run_scoped3A : memref<!tpu.dma_semaphore, #tpu.memory_space<semaphore_mem>>)
      %dma_wait3A_338 = arith.constant 0 : i32
      %dma_wait3A_339 = tpu.memref_slice %arg30[%add3A_104, %dma_wait3A_338] : memref<10240x128xf32, #tpu.memory_space<vmem_shared>> -> memref<32x128xf32, #tpu.memory_space<vmem_shared>>
      %dma_wait3A_340 = arith.constant 0 : i32
      %dma_wait3A_341 = tpu.memref_slice %arg30[%add3A_104, %dma_wait3A_340] : memref<10240x128xf32, #tpu.memory_space<vmem_shared>> -> memref<32x128xf32, #tpu.memory_space<vmem_shared>>
      tpu.wait_dma2 semaphore(%run_scoped3A : memref<!tpu.dma_semaphore, #tpu.memory_space<semaphore_mem>>) src(%arg29 : memref<32x128xf32, #tpu.memory_space<vmem>>) dst(%dma_wait3A_341 : memref<32x128xf32, #tpu.memory_space<vmem_shared>>)
      tpu.yield
    }) : () -> ()
    %add3A_105 = arith.constant 0 : i32
    %add3A_106 = arith.addi %mul3A_2, %add3A_105 : i32
    %dma_wait3A = tpu.memref_slice %arg3[%add3A_106] : memref<640000xi32, #tpu.memory_space<hbm>> -> memref<40xi32, #tpu.memory_space<hbm>>
    %dma_wait3A_107 = tpu.memref_slice %arg3[%add3A_106] : memref<640000xi32, #tpu.memory_space<hbm>> -> memref<40xi32, #tpu.memory_space<hbm>>
    tpu.wait_dma2 semaphore(%arg31 : memref<!tpu.dma_semaphore, #tpu.memory_space<semaphore_mem>>) src(%dma_wait3A_107 : memref<40xi32, #tpu.memory_space<hbm>>) dst(%arg5 : memref<40xi32, #tpu.memory_space<vmem>>)
    %add3A_108 = arith.constant 320000 : i32
    %add3A_109 = arith.addi %add3A_108, %add3A_106 : i32
    %dma_wait3A_110 = tpu.memref_slice %arg3[%add3A_109] : memref<640000xi32, #tpu.memory_space<hbm>> -> memref<40xi32, #tpu.memory_space<hbm>>
    %dma_wait3A_111 = tpu.memref_slice %arg3[%add3A_109] : memref<640000xi32, #tpu.memory_space<hbm>> -> memref<40xi32, #tpu.memory_space<hbm>>
    tpu.wait_dma2 semaphore(%arg31 : memref<!tpu.dma_semaphore, #tpu.memory_space<semaphore_mem>>) src(%dma_wait3A_111 : memref<40xi32, #tpu.memory_space<hbm>>) dst(%arg13 : memref<40xi32, #tpu.memory_space<vmem>>)
    %dma_start3A_112 = arith.constant 0 : i32
    %dma_start3A_113 = arith.constant 0 : i32
    %dma_start3A_114 = tpu.memref_slice %arg2[%dma_start3A_112, %dma_start3A_113] : memref<10000x128xf32, #tpu.memory_space<hbm>> -> memref<10000x128xf32, #tpu.memory_space<hbm>>
    tpu.enqueue_indirect_dma source(%dma_start3A_114 : memref<10000x128xf32, #tpu.memory_space<hbm>>) target(%arg21 : memref<40x128xf32, #tpu.memory_space<vmem>>) offsets(%arg5 : memref<40xi32, #tpu.memory_space<vmem>>) semaphore(%arg39 : memref<!tpu.dma_semaphore, #tpu.memory_space<semaphore_mem>>)
    %add3A_115 = arith.constant 40 : i32
    %add3A_116 = arith.addi %mul3A_2, %add3A_115 : i32
    %dma_wait3A_117 = tpu.memref_slice %arg3[%add3A_116] : memref<640000xi32, #tpu.memory_space<hbm>> -> memref<40xi32, #tpu.memory_space<hbm>>
    %dma_wait3A_118 = tpu.memref_slice %arg3[%add3A_116] : memref<640000xi32, #tpu.memory_space<hbm>> -> memref<40xi32, #tpu.memory_space<hbm>>
    tpu.wait_dma2 semaphore(%arg32 : memref<!tpu.dma_semaphore, #tpu.memory_space<semaphore_mem>>) src(%dma_wait3A_118 : memref<40xi32, #tpu.memory_space<hbm>>) dst(%arg6 : memref<40xi32, #tpu.memory_space<vmem>>)
    %add3A_119 = arith.constant 320000 : i32
    %add3A_120 = arith.addi %add3A_119, %add3A_116 : i32
    %dma_wait3A_121 = tpu.memref_slice %arg3[%add3A_120] : memref<640000xi32, #tpu.memory_space<hbm>> -> memref<40xi32, #tpu.memory_space<hbm>>
    %dma_wait3A_122 = tpu.memref_slice %arg3[%add3A_120] : memref<640000xi32, #tpu.memory_space<hbm>> -> memref<40xi32, #tpu.memory_space<hbm>>
    tpu.wait_dma2 semaphore(%arg32 : memref<!tpu.dma_semaphore, #tpu.memory_space<semaphore_mem>>) src(%dma_wait3A_122 : memref<40xi32, #tpu.memory_space<hbm>>) dst(%arg14 : memref<40xi32, #tpu.memory_space<vmem>>)
    %dma_start3A_123 = arith.constant 0 : i32
    %dma_start3A_124 = arith.constant 0 : i32
    %dma_start3A_125 = tpu.memref_slice %arg2[%dma_start3A_123, %dma_start3A_124] : memref<10000x128xf32, #tpu.memory_space<hbm>> -> memref<10000x128xf32, #tpu.memory_space<hbm>>
    tpu.enqueue_indirect_dma source(%dma_start3A_125 : memref<10000x128xf32, #tpu.memory_space<hbm>>) target(%arg22 : memref<40x128xf32, #tpu.memory_space<vmem>>) offsets(%arg6 : memref<40xi32, #tpu.memory_space<vmem>>) semaphore(%arg40 : memref<!tpu.dma_semaphore, #tpu.memory_space<semaphore_mem>>)
    %add3A_126 = arith.constant 80 : i32
    %add3A_127 = arith.addi %mul3A_2, %add3A_126 : i32
    %dma_wait3A_128 = tpu.memref_slice %arg3[%add3A_127] : memref<640000xi32, #tpu.memory_space<hbm>> -> memref<40xi32, #tpu.memory_space<hbm>>
    %dma_wait3A_129 = tpu.memref_slice %arg3[%add3A_127] : memref<640000xi32, #tpu.memory_space<hbm>> -> memref<40xi32, #tpu.memory_space<hbm>>
    tpu.wait_dma2 semaphore(%arg33 : memref<!tpu.dma_semaphore, #tpu.memory_space<semaphore_mem>>) src(%dma_wait3A_129 : memref<40xi32, #tpu.memory_space<hbm>>) dst(%arg7 : memref<40xi32, #tpu.memory_space<vmem>>)
    %add3A_130 = arith.constant 320000 : i32
    %add3A_131 = arith.addi %add3A_130, %add3A_127 : i32
    %dma_wait3A_132 = tpu.memref_slice %arg3[%add3A_131] : memref<640000xi32, #tpu.memory_space<hbm>> -> memref<40xi32, #tpu.memory_space<hbm>>
    %dma_wait3A_133 = tpu.memref_slice %arg3[%add3A_131] : memref<640000xi32, #tpu.memory_space<hbm>> -> memref<40xi32, #tpu.memory_space<hbm>>
    tpu.wait_dma2 semaphore(%arg33 : memref<!tpu.dma_semaphore, #tpu.memory_space<semaphore_mem>>) src(%dma_wait3A_133 : memref<40xi32, #tpu.memory_space<hbm>>) dst(%arg15 : memref<40xi32, #tpu.memory_space<vmem>>)
    %dma_start3A_134 = arith.constant 0 : i32
    %dma_start3A_135 = arith.constant 0 : i32
    %dma_start3A_136 = tpu.memref_slice %arg2[%dma_start3A_134, %dma_start3A_135] : memref<10000x128xf32, #tpu.memory_space<hbm>> -> memref<10000x128xf32, #tpu.memory_space<hbm>>
    tpu.enqueue_indirect_dma source(%dma_start3A_136 : memref<10000x128xf32, #tpu.memory_space<hbm>>) target(%arg23 : memref<40x128xf32, #tpu.memory_space<vmem>>) offsets(%arg7 : memref<40xi32, #tpu.memory_space<vmem>>) semaphore(%arg41 : memref<!tpu.dma_semaphore, #tpu.memory_space<semaphore_mem>>)
    %add3A_137 = arith.constant 120 : i32
    %add3A_138 = arith.addi %mul3A_2, %add3A_137 : i32
    %dma_wait3A_139 = tpu.memref_slice %arg3[%add3A_138] : memref<640000xi32, #tpu.memory_space<hbm>> -> memref<40xi32, #tpu.memory_space<hbm>>
    %dma_wait3A_140 = tpu.memref_slice %arg3[%add3A_138] : memref<640000xi32, #tpu.memory_space<hbm>> -> memref<40xi32, #tpu.memory_space<hbm>>
    tpu.wait_dma2 semaphore(%arg34 : memref<!tpu.dma_semaphore, #tpu.memory_space<semaphore_mem>>) src(%dma_wait3A_140 : memref<40xi32, #tpu.memory_space<hbm>>) dst(%arg8 : memref<40xi32, #tpu.memory_space<vmem>>)
    %add3A_141 = arith.constant 320000 : i32
    %add3A_142 = arith.addi %add3A_141, %add3A_138 : i32
    %dma_wait3A_143 = tpu.memref_slice %arg3[%add3A_142] : memref<640000xi32, #tpu.memory_space<hbm>> -> memref<40xi32, #tpu.memory_space<hbm>>
    %dma_wait3A_144 = tpu.memref_slice %arg3[%add3A_142] : memref<640000xi32, #tpu.memory_space<hbm>> -> memref<40xi32, #tpu.memory_space<hbm>>
    tpu.wait_dma2 semaphore(%arg34 : memref<!tpu.dma_semaphore, #tpu.memory_space<semaphore_mem>>) src(%dma_wait3A_144 : memref<40xi32, #tpu.memory_space<hbm>>) dst(%arg16 : memref<40xi32, #tpu.memory_space<vmem>>)
    %dma_start3A_145 = arith.constant 0 : i32
    %dma_start3A_146 = arith.constant 0 : i32
    %dma_start3A_147 = tpu.memref_slice %arg2[%dma_start3A_145, %dma_start3A_146] : memref<10000x128xf32, #tpu.memory_space<hbm>> -> memref<10000x128xf32, #tpu.memory_space<hbm>>
    tpu.enqueue_indirect_dma source(%dma_start3A_147 : memref<10000x128xf32, #tpu.memory_space<hbm>>) target(%arg24 : memref<40x128xf32, #tpu.memory_space<vmem>>) offsets(%arg8 : memref<40xi32, #tpu.memory_space<vmem>>) semaphore(%arg42 : memref<!tpu.dma_semaphore, #tpu.memory_space<semaphore_mem>>)
    %add3A_148 = arith.constant 160 : i32
    %add3A_149 = arith.addi %mul3A_2, %add3A_148 : i32
    %dma_wait3A_150 = tpu.memref_slice %arg3[%add3A_149] : memref<640000xi32, #tpu.memory_space<hbm>> -> memref<40xi32, #tpu.memory_space<hbm>>
    %dma_wait3A_151 = tpu.memref_slice %arg3[%add3A_149] : memref<640000xi32, #tpu.memory_space<hbm>> -> memref<40xi32, #tpu.memory_space<hbm>>
    tpu.wait_dma2 semaphore(%arg35 : memref<!tpu.dma_semaphore, #tpu.memory_space<semaphore_mem>>) src(%dma_wait3A_151 : memref<40xi32, #tpu.memory_space<hbm>>) dst(%arg9 : memref<40xi32, #tpu.memory_space<vmem>>)
    %add3A_152 = arith.constant 320000 : i32
    %add3A_153 = arith.addi %add3A_152, %add3A_149 : i32
    %dma_wait3A_154 = tpu.memref_slice %arg3[%add3A_153] : memref<640000xi32, #tpu.memory_space<hbm>> -> memref<40xi32, #tpu.memory_space<hbm>>
    %dma_wait3A_155 = tpu.memref_slice %arg3[%add3A_153] : memref<640000xi32, #tpu.memory_space<hbm>> -> memref<40xi32, #tpu.memory_space<hbm>>
    tpu.wait_dma2 semaphore(%arg35 : memref<!tpu.dma_semaphore, #tpu.memory_space<semaphore_mem>>) src(%dma_wait3A_155 : memref<40xi32, #tpu.memory_space<hbm>>) dst(%arg17 : memref<40xi32, #tpu.memory_space<vmem>>)
    %dma_start3A_156 = arith.constant 0 : i32
    %dma_start3A_157 = arith.constant 0 : i32
    %dma_start3A_158 = tpu.memref_slice %arg2[%dma_start3A_156, %dma_start3A_157] : memref<10000x128xf32, #tpu.memory_space<hbm>> -> memref<10000x128xf32, #tpu.memory_space<hbm>>
    tpu.enqueue_indirect_dma source(%dma_start3A_158 : memref<10000x128xf32, #tpu.memory_space<hbm>>) target(%arg25 : memref<40x128xf32, #tpu.memory_space<vmem>>) offsets(%arg9 : memref<40xi32, #tpu.memory_space<vmem>>) semaphore(%arg43 : memref<!tpu.dma_semaphore, #tpu.memory_space<semaphore_mem>>)
    %add3A_159 = arith.constant 200 : i32
    %add3A_160 = arith.addi %mul3A_2, %add3A_159 : i32
    %dma_wait3A_161 = tpu.memref_slice %arg3[%add3A_160] : memref<640000xi32, #tpu.memory_space<hbm>> -> memref<40xi32, #tpu.memory_space<hbm>>
    %dma_wait3A_162 = tpu.memref_slice %arg3[%add3A_160] : memref<640000xi32, #tpu.memory_space<hbm>> -> memref<40xi32, #tpu.memory_space<hbm>>
    tpu.wait_dma2 semaphore(%arg36 : memref<!tpu.dma_semaphore, #tpu.memory_space<semaphore_mem>>) src(%dma_wait3A_162 : memref<40xi32, #tpu.memory_space<hbm>>) dst(%arg10 : memref<40xi32, #tpu.memory_space<vmem>>)
    %add3A_163 = arith.constant 320000 : i32
    %add3A_164 = arith.addi %add3A_163, %add3A_160 : i32
    %dma_wait3A_165 = tpu.memref_slice %arg3[%add3A_164] : memref<640000xi32, #tpu.memory_space<hbm>> -> memref<40xi32, #tpu.memory_space<hbm>>
    %dma_wait3A_166 = tpu.memref_slice %arg3[%add3A_164] : memref<640000xi32, #tpu.memory_space<hbm>> -> memref<40xi32, #tpu.memory_space<hbm>>
    tpu.wait_dma2 semaphore(%arg36 : memref<!tpu.dma_semaphore, #tpu.memory_space<semaphore_mem>>) src(%dma_wait3A_166 : memref<40xi32, #tpu.memory_space<hbm>>) dst(%arg18 : memref<40xi32, #tpu.memory_space<vmem>>)
    %dma_start3A_167 = arith.constant 0 : i32
    %dma_start3A_168 = arith.constant 0 : i32
    %dma_start3A_169 = tpu.memref_slice %arg2[%dma_start3A_167, %dma_start3A_168] : memref<10000x128xf32, #tpu.memory_space<hbm>> -> memref<10000x128xf32, #tpu.memory_space<hbm>>
    tpu.enqueue_indirect_dma source(%dma_start3A_169 : memref<10000x128xf32, #tpu.memory_space<hbm>>) target(%arg26 : memref<40x128xf32, #tpu.memory_space<vmem>>) offsets(%arg10 : memref<40xi32, #tpu.memory_space<vmem>>) semaphore(%arg44 : memref<!tpu.dma_semaphore, #tpu.memory_space<semaphore_mem>>)
    %barrier3A = arith.constant 0 : index
    tpu.barrier barrier_id(%barrier3A)
    %dma_wait3A_170 = arith.constant 0 : i32
    %dma_wait3A_171 = arith.constant 0 : i32
    %dma_wait3A_172 = tpu.memref_slice %arg2[%dma_wait3A_170, %dma_wait3A_171] : memref<10000x128xf32, #tpu.memory_space<hbm>> -> memref<10000x128xf32, #tpu.memory_space<hbm>>
    tpu.wait_indirect_dma semaphore(%arg39 : memref<!tpu.dma_semaphore, #tpu.memory_space<semaphore_mem>>) src(%dma_wait3A_172 : memref<10000x128xf32, #tpu.memory_space<hbm>>) dst(%arg21 : memref<40x128xf32, #tpu.memory_space<vmem>>)
    %dma_start3A_173 = arith.constant 0 : i32
    %dma_start3A_174 = arith.constant 0 : i32
    %dma_start3A_175 = tpu.memref_slice %arg30[%dma_start3A_173, %dma_start3A_174] : memref<10240x128xf32, #tpu.memory_space<vmem_shared>> -> memref<10240x128xf32, #tpu.memory_space<vmem_shared>>
    tpu.enqueue_indirect_dma source(%arg21 : memref<40x128xf32, #tpu.memory_space<vmem>>) target(%dma_start3A_175 : memref<10240x128xf32, #tpu.memory_space<vmem_shared>>) offsets(%arg13 : memref<40xi32, #tpu.memory_space<vmem>>) semaphore(%arg47 : memref<!tpu.dma_semaphore, #tpu.memory_space<semaphore_mem>>) {add = true}
    %add3A_176 = arith.constant 280 : i32
    %add3A_177 = arith.addi %mul3A_2, %add3A_176 : i32
    %dma_start3A_178 = tpu.memref_slice %arg3[%add3A_177] : memref<640000xi32, #tpu.memory_space<hbm>> -> memref<40xi32, #tpu.memory_space<hbm>>
    %dma_start3A_179 = tpu.memref_slice %arg3[%add3A_177] : memref<640000xi32, #tpu.memory_space<hbm>> -> memref<40xi32, #tpu.memory_space<hbm>>
    tpu.enqueue_dma source(%dma_start3A_179 : memref<40xi32, #tpu.memory_space<hbm>>) target(%arg12 : memref<40xi32, #tpu.memory_space<vmem>>) target_semaphore(%arg38 : memref<!tpu.dma_semaphore, #tpu.memory_space<semaphore_mem>>)
    %add3A_180 = arith.constant 320000 : i32
    %add3A_181 = arith.addi %add3A_180, %add3A_177 : i32
    %dma_start3A_182 = tpu.memref_slice %arg3[%add3A_181] : memref<640000xi32, #tpu.memory_space<hbm>> -> memref<40xi32, #tpu.memory_space<hbm>>
    %dma_start3A_183 = tpu.memref_slice %arg3[%add3A_181] : memref<640000xi32, #tpu.memory_space<hbm>> -> memref<40xi32, #tpu.memory_space<hbm>>
    tpu.enqueue_dma source(%dma_start3A_183 : memref<40xi32, #tpu.memory_space<hbm>>) target(%arg20 : memref<40xi32, #tpu.memory_space<vmem>>) target_semaphore(%arg38 : memref<!tpu.dma_semaphore, #tpu.memory_space<semaphore_mem>>)
    %add3A_184 = arith.constant 240 : i32
    %add3A_185 = arith.addi %mul3A_2, %add3A_184 : i32
    %dma_wait3A_186 = tpu.memref_slice %arg3[%add3A_185] : memref<640000xi32, #tpu.memory_space<hbm>> -> memref<40xi32, #tpu.memory_space<hbm>>
    %dma_wait3A_187 = tpu.memref_slice %arg3[%add3A_185] : memref<640000xi32, #tpu.memory_space<hbm>> -> memref<40xi32, #tpu.memory_space<hbm>>
    tpu.wait_dma2 semaphore(%arg37 : memref<!tpu.dma_semaphore, #tpu.memory_space<semaphore_mem>>) src(%dma_wait3A_187 : memref<40xi32, #tpu.memory_space<hbm>>) dst(%arg11 : memref<40xi32, #tpu.memory_space<vmem>>)
    %add3A_188 = arith.constant 320000 : i32
    %add3A_189 = arith.addi %add3A_188, %add3A_185 : i32
    %dma_wait3A_190 = tpu.memref_slice %arg3[%add3A_189] : memref<640000xi32, #tpu.memory_space<hbm>> -> memref<40xi32, #tpu.memory_space<hbm>>
    %dma_wait3A_191 = tpu.memref_slice %arg3[%add3A_189] : memref<640000xi32, #tpu.memory_space<hbm>> -> memref<40xi32, #tpu.memory_space<hbm>>
    tpu.wait_dma2 semaphore(%arg37 : memref<!tpu.dma_semaphore, #tpu.memory_space<semaphore_mem>>) src(%dma_wait3A_191 : memref<40xi32, #tpu.memory_space<hbm>>) dst(%arg19 : memref<40xi32, #tpu.memory_space<vmem>>)
    %dma_start3A_192 = arith.constant 0 : i32
    %dma_start3A_193 = arith.constant 0 : i32
    %dma_start3A_194 = tpu.memref_slice %arg2[%dma_start3A_192, %dma_start3A_193] : memref<10000x128xf32, #tpu.memory_space<hbm>> -> memref<10000x128xf32, #tpu.memory_space<hbm>>
    tpu.enqueue_indirect_dma source(%dma_start3A_194 : memref<10000x128xf32, #tpu.memory_space<hbm>>) target(%arg27 : memref<40x128xf32, #tpu.memory_space<vmem>>) offsets(%arg11 : memref<40xi32, #tpu.memory_space<vmem>>) semaphore(%arg45 : memref<!tpu.dma_semaphore, #tpu.memory_space<semaphore_mem>>)
    %dma_wait3A_195 = arith.constant 0 : i32
    %dma_wait3A_196 = arith.constant 0 : i32
    %dma_wait3A_197 = tpu.memref_slice %arg2[%dma_wait3A_195, %dma_wait3A_196] : memref<10000x128xf32, #tpu.memory_space<hbm>> -> memref<10000x128xf32, #tpu.memory_space<hbm>>
    tpu.wait_indirect_dma semaphore(%arg40 : memref<!tpu.dma_semaphore, #tpu.memory_space<semaphore_mem>>) src(%dma_wait3A_197 : memref<10000x128xf32, #tpu.memory_space<hbm>>) dst(%arg22 : memref<40x128xf32, #tpu.memory_space<vmem>>)
    %dma_start3A_198 = arith.constant 0 : i32
    %dma_start3A_199 = arith.constant 0 : i32
    %dma_start3A_200 = tpu.memref_slice %arg30[%dma_start3A_198, %dma_start3A_199] : memref<10240x128xf32, #tpu.memory_space<vmem_shared>> -> memref<10240x128xf32, #tpu.memory_space<vmem_shared>>
    tpu.enqueue_indirect_dma source(%arg22 : memref<40x128xf32, #tpu.memory_space<vmem>>) target(%dma_start3A_200 : memref<10240x128xf32, #tpu.memory_space<vmem_shared>>) offsets(%arg14 : memref<40xi32, #tpu.memory_space<vmem>>) semaphore(%arg48 : memref<!tpu.dma_semaphore, #tpu.memory_space<semaphore_mem>>) {add = true}
    %dma_wait3A_201 = arith.constant 0 : i32
    %dma_wait3A_202 = arith.constant 0 : i32
    %dma_wait3A_203 = tpu.memref_slice %arg30[%dma_wait3A_201, %dma_wait3A_202] : memref<10240x128xf32, #tpu.memory_space<vmem_shared>> -> memref<10240x128xf32, #tpu.memory_space<vmem_shared>>
    tpu.wait_indirect_dma semaphore(%arg47 : memref<!tpu.dma_semaphore, #tpu.memory_space<semaphore_mem>>) src(%arg21 : memref<40x128xf32, #tpu.memory_space<vmem>>) dst(%dma_wait3A_203 : memref<10240x128xf32, #tpu.memory_space<vmem_shared>>)
    %add3A_204 = arith.constant 320 : i32
    %add3A_205 = arith.addi %mul3A_2, %add3A_204 : i32
    %dma_start3A_206 = tpu.memref_slice %arg3[%add3A_205] : memref<640000xi32, #tpu.memory_space<hbm>> -> memref<40xi32, #tpu.memory_space<hbm>>
    %dma_start3A_207 = tpu.memref_slice %arg3[%add3A_205] : memref<640000xi32, #tpu.memory_space<hbm>> -> memref<40xi32, #tpu.memory_space<hbm>>
    tpu.enqueue_dma source(%dma_start3A_207 : memref<40xi32, #tpu.memory_space<hbm>>) target(%arg5 : memref<40xi32, #tpu.memory_space<vmem>>) target_semaphore(%arg31 : memref<!tpu.dma_semaphore, #tpu.memory_space<semaphore_mem>>)
    %add3A_208 = arith.constant 320000 : i32
    %add3A_209 = arith.addi %add3A_208, %add3A_205 : i32
    %dma_start3A_210 = tpu.memref_slice %arg3[%add3A_209] : memref<640000xi32, #tpu.memory_space<hbm>> -> memref<40xi32, #tpu.memory_space<hbm>>
    %dma_start3A_211 = tpu.memref_slice %arg3[%add3A_209] : memref<640000xi32, #tpu.memory_space<hbm>> -> memref<40xi32, #tpu.memory_space<hbm>>
    tpu.enqueue_dma source(%dma_start3A_211 : memref<40xi32, #tpu.memory_space<hbm>>) target(%arg13 : memref<40xi32, #tpu.memory_space<vmem>>) target_semaphore(%arg31 : memref<!tpu.dma_semaphore, #tpu.memory_space<semaphore_mem>>)
    %add3A_212 = arith.constant 280 : i32
    %add3A_213 = arith.addi %mul3A_2, %add3A_212 : i32
    %dma_wait3A_214 = tpu.memref_slice %arg3[%add3A_213] : memref<640000xi32, #tpu.memory_space<hbm>> -> memref<40xi32, #tpu.memory_space<hbm>>
    %dma_wait3A_215 = tpu.memref_slice %arg3[%add3A_213] : memref<640000xi32, #tpu.memory_space<hbm>> -> memref<40xi32, #tpu.memory_space<hbm>>
    tpu.wait_dma2 semaphore(%arg38 : memref<!tpu.dma_semaphore, #tpu.memory_space<semaphore_mem>>) src(%dma_wait3A_215 : memref<40xi32, #tpu.memory_space<hbm>>) dst(%arg12 : memref<40xi32, #tpu.memory_space<vmem>>)
    %add3A_216 = arith.constant 320000 : i32
    %add3A_217 = arith.addi %add3A_216, %add3A_213 : i32
    %dma_wait3A_218 = tpu.memref_slice %arg3[%add3A_217] : memref<640000xi32, #tpu.memory_space<hbm>> -> memref<40xi32, #tpu.memory_space<hbm>>
    %dma_wait3A_219 = tpu.memref_slice %arg3[%add3A_217] : memref<640000xi32, #tpu.memory_space<hbm>> -> memref<40xi32, #tpu.memory_space<hbm>>
    tpu.wait_dma2 semaphore(%arg38 : memref<!tpu.dma_semaphore, #tpu.memory_space<semaphore_mem>>) src(%dma_wait3A_219 : memref<40xi32, #tpu.memory_space<hbm>>) dst(%arg20 : memref<40xi32, #tpu.memory_space<vmem>>)
    %dma_start3A_220 = arith.constant 0 : i32
    %dma_start3A_221 = arith.constant 0 : i32
    %dma_start3A_222 = tpu.memref_slice %arg2[%dma_start3A_220, %dma_start3A_221] : memref<10000x128xf32, #tpu.memory_space<hbm>> -> memref<10000x128xf32, #tpu.memory_space<hbm>>
    tpu.enqueue_indirect_dma source(%dma_start3A_222 : memref<10000x128xf32, #tpu.memory_space<hbm>>) target(%arg28 : memref<40x128xf32, #tpu.memory_space<vmem>>) offsets(%arg12 : memref<40xi32, #tpu.memory_space<vmem>>) semaphore(%arg46 : memref<!tpu.dma_semaphore, #tpu.memory_space<semaphore_mem>>)
    %dma_wait3A_223 = arith.constant 0 : i32
    %dma_wait3A_224 = arith.constant 0 : i32
    %dma_wait3A_225 = tpu.memref_slice %arg2[%dma_wait3A_223, %dma_wait3A_224] : memref<10000x128xf32, #tpu.memory_space<hbm>> -> memref<10000x128xf32, #tpu.memory_space<hbm>>
    tpu.wait_indirect_dma semaphore(%arg41 : memref<!tpu.dma_semaphore, #tpu.memory_space<semaphore_mem>>) src(%dma_wait3A_225 : memref<10000x128xf32, #tpu.memory_space<hbm>>) dst(%arg23 : memref<40x128xf32, #tpu.memory_space<vmem>>)
    %dma_start3A_226 = arith.constant 0 : i32
    %dma_start3A_227 = arith.constant 0 : i32
    %dma_start3A_228 = tpu.memref_slice %arg30[%dma_start3A_226, %dma_start3A_227] : memref<10240x128xf32, #tpu.memory_space<vmem_shared>> -> memref<10240x128xf32, #tpu.memory_space<vmem_shared>>
    tpu.enqueue_indirect_dma source(%arg23 : memref<40x128xf32, #tpu.memory_space<vmem>>) target(%dma_start3A_228 : memref<10240x128xf32, #tpu.memory_space<vmem_shared>>) offsets(%arg15 : memref<40xi32, #tpu.memory_space<vmem>>) semaphore(%arg49 : memref<!tpu.dma_semaphore, #tpu.memory_space<semaphore_mem>>) {add = true}
    %dma_wait3A_229 = arith.constant 0 : i32
    %dma_wait3A_230 = arith.constant 0 : i32
    %dma_wait3A_231 = tpu.memref_slice %arg30[%dma_wait3A_229, %dma_wait3A_230] : memref<10240x128xf32, #tpu.memory_space<vmem_shared>> -> memref<10240x128xf32, #tpu.memory_space<vmem_shared>>
    tpu.wait_indirect_dma semaphore(%arg48 : memref<!tpu.dma_semaphore, #tpu.memory_space<semaphore_mem>>) src(%arg22 : memref<40x128xf32, #tpu.memory_space<vmem>>) dst(%dma_wait3A_231 : memref<10240x128xf32, #tpu.memory_space<vmem_shared>>)
    %add3A_232 = arith.constant 360 : i32
    %add3A_233 = arith.addi %mul3A_2, %add3A_232 : i32
    %dma_start3A_234 = tpu.memref_slice %arg3[%add3A_233] : memref<640000xi32, #tpu.memory_space<hbm>> -> memref<40xi32, #tpu.memory_space<hbm>>
    %dma_start3A_235 = tpu.memref_slice %arg3[%add3A_233] : memref<640000xi32, #tpu.memory_space<hbm>> -> memref<40xi32, #tpu.memory_space<hbm>>
    tpu.enqueue_dma source(%dma_start3A_235 : memref<40xi32, #tpu.memory_space<hbm>>) target(%arg6 : memref<40xi32, #tpu.memory_space<vmem>>) target_semaphore(%arg32 : memref<!tpu.dma_semaphore, #tpu.memory_space<semaphore_mem>>)
    %add3A_236 = arith.constant 320000 : i32
    %add3A_237 = arith.addi %add3A_236, %add3A_233 : i32
    %dma_start3A_238 = tpu.memref_slice %arg3[%add3A_237] : memref<640000xi32, #tpu.memory_space<hbm>> -> memref<40xi32, #tpu.memory_space<hbm>>
    %dma_start3A_239 = tpu.memref_slice %arg3[%add3A_237] : memref<640000xi32, #tpu.memory_space<hbm>> -> memref<40xi32, #tpu.memory_space<hbm>>
    tpu.enqueue_dma source(%dma_start3A_239 : memref<40xi32, #tpu.memory_space<hbm>>) target(%arg14 : memref<40xi32, #tpu.memory_space<vmem>>) target_semaphore(%arg32 : memref<!tpu.dma_semaphore, #tpu.memory_space<semaphore_mem>>)
    %add3A_240 = arith.constant 320 : i32
    %add3A_241 = arith.addi %mul3A_2, %add3A_240 : i32
    %dma_wait3A_242 = tpu.memref_slice %arg3[%add3A_241] : memref<640000xi32, #tpu.memory_space<hbm>> -> memref<40xi32, #tpu.memory_space<hbm>>
    %dma_wait3A_243 = tpu.memref_slice %arg3[%add3A_241] : memref<640000xi32, #tpu.memory_space<hbm>> -> memref<40xi32, #tpu.memory_space<hbm>>
    tpu.wait_dma2 semaphore(%arg31 : memref<!tpu.dma_semaphore, #tpu.memory_space<semaphore_mem>>) src(%dma_wait3A_243 : memref<40xi32, #tpu.memory_space<hbm>>) dst(%arg5 : memref<40xi32, #tpu.memory_space<vmem>>)
    %add3A_244 = arith.constant 320000 : i32
    %add3A_245 = arith.addi %add3A_244, %add3A_241 : i32
    %dma_wait3A_246 = tpu.memref_slice %arg3[%add3A_245] : memref<640000xi32, #tpu.memory_space<hbm>> -> memref<40xi32, #tpu.memory_space<hbm>>
    %dma_wait3A_247 = tpu.memref_slice %arg3[%add3A_245] : memref<640000xi32, #tpu.memory_space<hbm>> -> memref<40xi32, #tpu.memory_space<hbm>>
    tpu.wait_dma2 semaphore(%arg31 : memref<!tpu.dma_semaphore, #tpu.memory_space<semaphore_mem>>) src(%dma_wait3A_247 : memref<40xi32, #tpu.memory_space<hbm>>) dst(%arg13 : memref<40xi32, #tpu.memory_space<vmem>>)
    %dma_start3A_248 = arith.constant 0 : i32
    %dma_start3A_249 = arith.constant 0 : i32
    %dma_start3A_250 = tpu.memref_slice %arg2[%dma_start3A_248, %dma_start3A_249] : memref<10000x128xf32, #tpu.memory_space<hbm>> -> memref<10000x128xf32, #tpu.memory_space<hbm>>
    tpu.enqueue_indirect_dma source(%dma_start3A_250 : memref<10000x128xf32, #tpu.memory_space<hbm>>) target(%arg21 : memref<40x128xf32, #tpu.memory_space<vmem>>) offsets(%arg5 : memref<40xi32, #tpu.memory_space<vmem>>) semaphore(%arg39 : memref<!tpu.dma_semaphore, #tpu.memory_space<semaphore_mem>>)
    %scan3A_251 = arith.constant 0 : i32
    %scan3A_252 = arith.constant 30 : i32
    %scan3A_253 = arith.addi %scan3A_251, %scan3A_252 : i32
    %scan3A_254 = arith.constant 1 : i32
    scf.for %scan3A_334 = %scan3A_251 to %scan3A_253 step %scan3A_254  : i32 {
      %mul3A_335 = arith.constant 8 : i32
      %mul3A_336 = arith.muli %mul3A_335, %scan3A_334 : i32
      %add3A_337 = arith.constant 3 : i32
      %add3A_338 = arith.addi %mul3A_336, %add3A_337 : i32
      %add3A_339 = arith.constant 0 : i32
      %add3A_340 = arith.addi %add3A_338, %add3A_339 : i32
      %dma_wait3A_341 = arith.constant 0 : i32
      %dma_wait3A_342 = arith.constant 0 : i32
      %dma_wait3A_343 = tpu.memref_slice %arg2[%dma_wait3A_341, %dma_wait3A_342] : memref<10000x128xf32, #tpu.memory_space<hbm>> -> memref<10000x128xf32, #tpu.memory_space<hbm>>
      tpu.wait_indirect_dma semaphore(%arg42 : memref<!tpu.dma_semaphore, #tpu.memory_space<semaphore_mem>>) src(%dma_wait3A_343 : memref<10000x128xf32, #tpu.memory_space<hbm>>) dst(%arg24 : memref<40x128xf32, #tpu.memory_space<vmem>>)
      %dma_start3A_344 = arith.constant 0 : i32
      %dma_start3A_345 = arith.constant 0 : i32
      %dma_start3A_346 = tpu.memref_slice %arg30[%dma_start3A_344, %dma_start3A_345] : memref<10240x128xf32, #tpu.memory_space<vmem_shared>> -> memref<10240x128xf32, #tpu.memory_space<vmem_shared>>
      tpu.enqueue_indirect_dma source(%arg24 : memref<40x128xf32, #tpu.memory_space<vmem>>) target(%dma_start3A_346 : memref<10240x128xf32, #tpu.memory_space<vmem_shared>>) offsets(%arg16 : memref<40xi32, #tpu.memory_space<vmem>>) semaphore(%arg50 : memref<!tpu.dma_semaphore, #tpu.memory_space<semaphore_mem>>) {add = true}
      %dma_wait3A_347 = arith.constant 0 : i32
      %dma_wait3A_348 = arith.constant 0 : i32
      %dma_wait3A_349 = tpu.memref_slice %arg30[%dma_wait3A_347, %dma_wait3A_348] : memref<10240x128xf32, #tpu.memory_space<vmem_shared>> -> memref<10240x128xf32, #tpu.memory_space<vmem_shared>>
      tpu.wait_indirect_dma semaphore(%arg49 : memref<!tpu.dma_semaphore, #tpu.memory_space<semaphore_mem>>) src(%arg23 : memref<40x128xf32, #tpu.memory_space<vmem>>) dst(%dma_wait3A_349 : memref<10240x128xf32, #tpu.memory_space<vmem_shared>>)
      %add3A_350 = arith.constant 8 : i32
      %add3A_351 = arith.addi %add3A_340, %add3A_350 : i32
      %sub3A = arith.constant 1 : i32
      %sub3A_352 = arith.subi %add3A_351, %sub3A : i32
      %mul3A_353 = arith.constant 40 : i32
      %mul3A_354 = arith.muli %sub3A_352, %mul3A_353 : i32
      %add3A_355 = arith.addi %mul3A_2, %mul3A_354 : i32
      %dma_start3A_356 = tpu.memref_slice %arg3[%add3A_355] : memref<640000xi32, #tpu.memory_space<hbm>> -> memref<40xi32, #tpu.memory_space<hbm>>
      %dma_start3A_357 = tpu.memref_slice %arg3[%add3A_355] : memref<640000xi32, #tpu.memory_space<hbm>> -> memref<40xi32, #tpu.memory_space<hbm>>
      tpu.enqueue_dma source(%dma_start3A_357 : memref<40xi32, #tpu.memory_space<hbm>>) target(%arg7 : memref<40xi32, #tpu.memory_space<vmem>>) target_semaphore(%arg33 : memref<!tpu.dma_semaphore, #tpu.memory_space<semaphore_mem>>)
      %add3A_358 = arith.constant 320000 : i32
      %add3A_359 = arith.addi %add3A_358, %add3A_355 : i32
      %dma_start3A_360 = tpu.memref_slice %arg3[%add3A_359] : memref<640000xi32, #tpu.memory_space<hbm>> -> memref<40xi32, #tpu.memory_space<hbm>>
      %dma_start3A_361 = tpu.memref_slice %arg3[%add3A_359] : memref<640000xi32, #tpu.memory_space<hbm>> -> memref<40xi32, #tpu.memory_space<hbm>>
      tpu.enqueue_dma source(%dma_start3A_361 : memref<40xi32, #tpu.memory_space<hbm>>) target(%arg15 : memref<40xi32, #tpu.memory_space<vmem>>) target_semaphore(%arg33 : memref<!tpu.dma_semaphore, #tpu.memory_space<semaphore_mem>>)
      %add3A_362 = arith.constant 8 : i32
      %add3A_363 = arith.addi %add3A_340, %add3A_362 : i32
      %sub3A_364 = arith.constant 2 : i32
      %sub3A_365 = arith.subi %add3A_363, %sub3A_364 : i32
      %mul3A_366 = arith.constant 40 : i32
      %mul3A_367 = arith.muli %sub3A_365, %mul3A_366 : i32
      %add3A_368 = arith.addi %mul3A_2, %mul3A_367 : i32
      %dma_wait3A_369 = tpu.memref_slice %arg3[%add3A_368] : memref<640000xi32, #tpu.memory_space<hbm>> -> memref<40xi32, #tpu.memory_space<hbm>>
      %dma_wait3A_370 = tpu.memref_slice %arg3[%add3A_368] : memref<640000xi32, #tpu.memory_space<hbm>> -> memref<40xi32, #tpu.memory_space<hbm>>
      tpu.wait_dma2 semaphore(%arg32 : memref<!tpu.dma_semaphore, #tpu.memory_space<semaphore_mem>>) src(%dma_wait3A_370 : memref<40xi32, #tpu.memory_space<hbm>>) dst(%arg6 : memref<40xi32, #tpu.memory_space<vmem>>)
      %add3A_371 = arith.constant 320000 : i32
      %add3A_372 = arith.addi %add3A_371, %add3A_368 : i32
      %dma_wait3A_373 = tpu.memref_slice %arg3[%add3A_372] : memref<640000xi32, #tpu.memory_space<hbm>> -> memref<40xi32, #tpu.memory_space<hbm>>
      %dma_wait3A_374 = tpu.memref_slice %arg3[%add3A_372] : memref<640000xi32, #tpu.memory_space<hbm>> -> memref<40xi32, #tpu.memory_space<hbm>>
      tpu.wait_dma2 semaphore(%arg32 : memref<!tpu.dma_semaphore, #tpu.memory_space<semaphore_mem>>) src(%dma_wait3A_374 : memref<40xi32, #tpu.memory_space<hbm>>) dst(%arg14 : memref<40xi32, #tpu.memory_space<vmem>>)
      %dma_start3A_375 = arith.constant 0 : i32
      %dma_start3A_376 = arith.constant 0 : i32
      %dma_start3A_377 = tpu.memref_slice %arg2[%dma_start3A_375, %dma_start3A_376] : memref<10000x128xf32, #tpu.memory_space<hbm>> -> memref<10000x128xf32, #tpu.memory_space<hbm>>
      tpu.enqueue_indirect_dma source(%dma_start3A_377 : memref<10000x128xf32, #tpu.memory_space<hbm>>) target(%arg22 : memref<40x128xf32, #tpu.memory_space<vmem>>) offsets(%arg6 : memref<40xi32, #tpu.memory_space<vmem>>) semaphore(%arg40 : memref<!tpu.dma_semaphore, #tpu.memory_space<semaphore_mem>>)
      %add3A_378 = arith.constant 1 : i32
      %add3A_379 = arith.addi %add3A_338, %add3A_378 : i32
      %dma_wait3A_380 = arith.constant 0 : i32
      %dma_wait3A_381 = arith.constant 0 : i32
      %dma_wait3A_382 = tpu.memref_slice %arg2[%dma_wait3A_380, %dma_wait3A_381] : memref<10000x128xf32, #tpu.memory_space<hbm>> -> memref<10000x128xf32, #tpu.memory_space<hbm>>
      tpu.wait_indirect_dma semaphore(%arg43 : memref<!tpu.dma_semaphore, #tpu.memory_space<semaphore_mem>>) src(%dma_wait3A_382 : memref<10000x128xf32, #tpu.memory_space<hbm>>) dst(%arg25 : memref<40x128xf32, #tpu.memory_space<vmem>>)
      %dma_start3A_383 = arith.constant 0 : i32
      %dma_start3A_384 = arith.constant 0 : i32
      %dma_start3A_385 = tpu.memref_slice %arg30[%dma_start3A_383, %dma_start3A_384] : memref<10240x128xf32, #tpu.memory_space<vmem_shared>> -> memref<10240x128xf32, #tpu.memory_space<vmem_shared>>
      tpu.enqueue_indirect_dma source(%arg25 : memref<40x128xf32, #tpu.memory_space<vmem>>) target(%dma_start3A_385 : memref<10240x128xf32, #tpu.memory_space<vmem_shared>>) offsets(%arg17 : memref<40xi32, #tpu.memory_space<vmem>>) semaphore(%arg51 : memref<!tpu.dma_semaphore, #tpu.memory_space<semaphore_mem>>) {add = true}
      %dma_wait3A_386 = arith.constant 0 : i32
      %dma_wait3A_387 = arith.constant 0 : i32
      %dma_wait3A_388 = tpu.memref_slice %arg30[%dma_wait3A_386, %dma_wait3A_387] : memref<10240x128xf32, #tpu.memory_space<vmem_shared>> -> memref<10240x128xf32, #tpu.memory_space<vmem_shared>>
      tpu.wait_indirect_dma semaphore(%arg50 : memref<!tpu.dma_semaphore, #tpu.memory_space<semaphore_mem>>) src(%arg24 : memref<40x128xf32, #tpu.memory_space<vmem>>) dst(%dma_wait3A_388 : memref<10240x128xf32, #tpu.memory_space<vmem_shared>>)
      %add3A_389 = arith.constant 8 : i32
      %add3A_390 = arith.addi %add3A_379, %add3A_389 : i32
      %sub3A_391 = arith.constant 1 : i32
      %sub3A_392 = arith.subi %add3A_390, %sub3A_391 : i32
      %mul3A_393 = arith.constant 40 : i32
      %mul3A_394 = arith.muli %sub3A_392, %mul3A_393 : i32
      %add3A_395 = arith.addi %mul3A_2, %mul3A_394 : i32
      %dma_start3A_396 = tpu.memref_slice %arg3[%add3A_395] : memref<640000xi32, #tpu.memory_space<hbm>> -> memref<40xi32, #tpu.memory_space<hbm>>
      %dma_start3A_397 = tpu.memref_slice %arg3[%add3A_395] : memref<640000xi32, #tpu.memory_space<hbm>> -> memref<40xi32, #tpu.memory_space<hbm>>
      tpu.enqueue_dma source(%dma_start3A_397 : memref<40xi32, #tpu.memory_space<hbm>>) target(%arg8 : memref<40xi32, #tpu.memory_space<vmem>>) target_semaphore(%arg34 : memref<!tpu.dma_semaphore, #tpu.memory_space<semaphore_mem>>)
      %add3A_398 = arith.constant 320000 : i32
      %add3A_399 = arith.addi %add3A_398, %add3A_395 : i32
      %dma_start3A_400 = tpu.memref_slice %arg3[%add3A_399] : memref<640000xi32, #tpu.memory_space<hbm>> -> memref<40xi32, #tpu.memory_space<hbm>>
      %dma_start3A_401 = tpu.memref_slice %arg3[%add3A_399] : memref<640000xi32, #tpu.memory_space<hbm>> -> memref<40xi32, #tpu.memory_space<hbm>>
      tpu.enqueue_dma source(%dma_start3A_401 : memref<40xi32, #tpu.memory_space<hbm>>) target(%arg16 : memref<40xi32, #tpu.memory_space<vmem>>) target_semaphore(%arg34 : memref<!tpu.dma_semaphore, #tpu.memory_space<semaphore_mem>>)
      %add3A_402 = arith.constant 8 : i32
      %add3A_403 = arith.addi %add3A_379, %add3A_402 : i32
      %sub3A_404 = arith.constant 2 : i32
      %sub3A_405 = arith.subi %add3A_403, %sub3A_404 : i32
      %mul3A_406 = arith.constant 40 : i32
      %mul3A_407 = arith.muli %sub3A_405, %mul3A_406 : i32
      %add3A_408 = arith.addi %mul3A_2, %mul3A_407 : i32
      %dma_wait3A_409 = tpu.memref_slice %arg3[%add3A_408] : memref<640000xi32, #tpu.memory_space<hbm>> -> memref<40xi32, #tpu.memory_space<hbm>>
      %dma_wait3A_410 = tpu.memref_slice %arg3[%add3A_408] : memref<640000xi32, #tpu.memory_space<hbm>> -> memref<40xi32, #tpu.memory_space<hbm>>
      tpu.wait_dma2 semaphore(%arg33 : memref<!tpu.dma_semaphore, #tpu.memory_space<semaphore_mem>>) src(%dma_wait3A_410 : memref<40xi32, #tpu.memory_space<hbm>>) dst(%arg7 : memref<40xi32, #tpu.memory_space<vmem>>)
      %add3A_411 = arith.constant 320000 : i32
      %add3A_412 = arith.addi %add3A_411, %add3A_408 : i32
      %dma_wait3A_413 = tpu.memref_slice %arg3[%add3A_412] : memref<640000xi32, #tpu.memory_space<hbm>> -> memref<40xi32, #tpu.memory_space<hbm>>
      %dma_wait3A_414 = tpu.memref_slice %arg3[%add3A_412] : memref<640000xi32, #tpu.memory_space<hbm>> -> memref<40xi32, #tpu.memory_space<hbm>>
      tpu.wait_dma2 semaphore(%arg33 : memref<!tpu.dma_semaphore, #tpu.memory_space<semaphore_mem>>) src(%dma_wait3A_414 : memref<40xi32, #tpu.memory_space<hbm>>) dst(%arg15 : memref<40xi32, #tpu.memory_space<vmem>>)
      %dma_start3A_415 = arith.constant 0 : i32
      %dma_start3A_416 = arith.constant 0 : i32
      %dma_start3A_417 = tpu.memref_slice %arg2[%dma_start3A_415, %dma_start3A_416] : memref<10000x128xf32, #tpu.memory_space<hbm>> -> memref<10000x128xf32, #tpu.memory_space<hbm>>
      tpu.enqueue_indirect_dma source(%dma_start3A_417 : memref<10000x128xf32, #tpu.memory_space<hbm>>) target(%arg23 : memref<40x128xf32, #tpu.memory_space<vmem>>) offsets(%arg7 : memref<40xi32, #tpu.memory_space<vmem>>) semaphore(%arg41 : memref<!tpu.dma_semaphore, #tpu.memory_space<semaphore_mem>>)
      %add3A_418 = arith.constant 2 : i32
      %add3A_419 = arith.addi %add3A_338, %add3A_418 : i32
      %dma_wait3A_420 = arith.constant 0 : i32
      %dma_wait3A_421 = arith.constant 0 : i32
      %dma_wait3A_422 = tpu.memref_slice %arg2[%dma_wait3A_420, %dma_wait3A_421] : memref<10000x128xf32, #tpu.memory_space<hbm>> -> memref<10000x128xf32, #tpu.memory_space<hbm>>
      tpu.wait_indirect_dma semaphore(%arg44 : memref<!tpu.dma_semaphore, #tpu.memory_space<semaphore_mem>>) src(%dma_wait3A_422 : memref<10000x128xf32, #tpu.memory_space<hbm>>) dst(%arg26 : memref<40x128xf32, #tpu.memory_space<vmem>>)
      %dma_start3A_423 = arith.constant 0 : i32
      %dma_start3A_424 = arith.constant 0 : i32
      %dma_start3A_425 = tpu.memref_slice %arg30[%dma_start3A_423, %dma_start3A_424] : memref<10240x128xf32, #tpu.memory_space<vmem_shared>> -> memref<10240x128xf32, #tpu.memory_space<vmem_shared>>
      tpu.enqueue_indirect_dma source(%arg26 : memref<40x128xf32, #tpu.memory_space<vmem>>) target(%dma_start3A_425 : memref<10240x128xf32, #tpu.memory_space<vmem_shared>>) offsets(%arg18 : memref<40xi32, #tpu.memory_space<vmem>>) semaphore(%arg52 : memref<!tpu.dma_semaphore, #tpu.memory_space<semaphore_mem>>) {add = true}
      %dma_wait3A_426 = arith.constant 0 : i32
      %dma_wait3A_427 = arith.constant 0 : i32
      %dma_wait3A_428 = tpu.memref_slice %arg30[%dma_wait3A_426, %dma_wait3A_427] : memref<10240x128xf32, #tpu.memory_space<vmem_shared>> -> memref<10240x128xf32, #tpu.memory_space<vmem_shared>>
      tpu.wait_indirect_dma semaphore(%arg51 : memref<!tpu.dma_semaphore, #tpu.memory_space<semaphore_mem>>) src(%arg25 : memref<40x128xf32, #tpu.memory_space<vmem>>) dst(%dma_wait3A_428 : memref<10240x128xf32, #tpu.memory_space<vmem_shared>>)
      %add3A_429 = arith.constant 8 : i32
      %add3A_430 = arith.addi %add3A_419, %add3A_429 : i32
      %sub3A_431 = arith.constant 1 : i32
      %sub3A_432 = arith.subi %add3A_430, %sub3A_431 : i32
      %mul3A_433 = arith.constant 40 : i32
      %mul3A_434 = arith.muli %sub3A_432, %mul3A_433 : i32
      %add3A_435 = arith.addi %mul3A_2, %mul3A_434 : i32
      %dma_start3A_436 = tpu.memref_slice %arg3[%add3A_435] : memref<640000xi32, #tpu.memory_space<hbm>> -> memref<40xi32, #tpu.memory_space<hbm>>
      %dma_start3A_437 = tpu.memref_slice %arg3[%add3A_435] : memref<640000xi32, #tpu.memory_space<hbm>> -> memref<40xi32, #tpu.memory_space<hbm>>
      tpu.enqueue_dma source(%dma_start3A_437 : memref<40xi32, #tpu.memory_space<hbm>>) target(%arg9 : memref<40xi32, #tpu.memory_space<vmem>>) target_semaphore(%arg35 : memref<!tpu.dma_semaphore, #tpu.memory_space<semaphore_mem>>)
      %add3A_438 = arith.constant 320000 : i32
      %add3A_439 = arith.addi %add3A_438, %add3A_435 : i32
      %dma_start3A_440 = tpu.memref_slice %arg3[%add3A_439] : memref<640000xi32, #tpu.memory_space<hbm>> -> memref<40xi32, #tpu.memory_space<hbm>>
      %dma_start3A_441 = tpu.memref_slice %arg3[%add3A_439] : memref<640000xi32, #tpu.memory_space<hbm>> -> memref<40xi32, #tpu.memory_space<hbm>>
      tpu.enqueue_dma source(%dma_start3A_441 : memref<40xi32, #tpu.memory_space<hbm>>) target(%arg17 : memref<40xi32, #tpu.memory_space<vmem>>) target_semaphore(%arg35 : memref<!tpu.dma_semaphore, #tpu.memory_space<semaphore_mem>>)
      %add3A_442 = arith.constant 8 : i32
      %add3A_443 = arith.addi %add3A_419, %add3A_442 : i32
      %sub3A_444 = arith.constant 2 : i32
      %sub3A_445 = arith.subi %add3A_443, %sub3A_444 : i32
      %mul3A_446 = arith.constant 40 : i32
      %mul3A_447 = arith.muli %sub3A_445, %mul3A_446 : i32
      %add3A_448 = arith.addi %mul3A_2, %mul3A_447 : i32
      %dma_wait3A_449 = tpu.memref_slice %arg3[%add3A_448] : memref<640000xi32, #tpu.memory_space<hbm>> -> memref<40xi32, #tpu.memory_space<hbm>>
      %dma_wait3A_450 = tpu.memref_slice %arg3[%add3A_448] : memref<640000xi32, #tpu.memory_space<hbm>> -> memref<40xi32, #tpu.memory_space<hbm>>
      tpu.wait_dma2 semaphore(%arg34 : memref<!tpu.dma_semaphore, #tpu.memory_space<semaphore_mem>>) src(%dma_wait3A_450 : memref<40xi32, #tpu.memory_space<hbm>>) dst(%arg8 : memref<40xi32, #tpu.memory_space<vmem>>)
      %add3A_451 = arith.constant 320000 : i32
      %add3A_452 = arith.addi %add3A_451, %add3A_448 : i32
      %dma_wait3A_453 = tpu.memref_slice %arg3[%add3A_452] : memref<640000xi32, #tpu.memory_space<hbm>> -> memref<40xi32, #tpu.memory_space<hbm>>
      %dma_wait3A_454 = tpu.memref_slice %arg3[%add3A_452] : memref<640000xi32, #tpu.memory_space<hbm>> -> memref<40xi32, #tpu.memory_space<hbm>>
      tpu.wait_dma2 semaphore(%arg34 : memref<!tpu.dma_semaphore, #tpu.memory_space<semaphore_mem>>) src(%dma_wait3A_454 : memref<40xi32, #tpu.memory_space<hbm>>) dst(%arg16 : memref<40xi32, #tpu.memory_space<vmem>>)
      %dma_start3A_455 = arith.constant 0 : i32
      %dma_start3A_456 = arith.constant 0 : i32
      %dma_start3A_457 = tpu.memref_slice %arg2[%dma_start3A_455, %dma_start3A_456] : memref<10000x128xf32, #tpu.memory_space<hbm>> -> memref<10000x128xf32, #tpu.memory_space<hbm>>
      tpu.enqueue_indirect_dma source(%dma_start3A_457 : memref<10000x128xf32, #tpu.memory_space<hbm>>) target(%arg24 : memref<40x128xf32, #tpu.memory_space<vmem>>) offsets(%arg8 : memref<40xi32, #tpu.memory_space<vmem>>) semaphore(%arg42 : memref<!tpu.dma_semaphore, #tpu.memory_space<semaphore_mem>>)
      %add3A_458 = arith.constant 3 : i32
      %add3A_459 = arith.addi %add3A_338, %add3A_458 : i32
      %dma_wait3A_460 = arith.constant 0 : i32
      %dma_wait3A_461 = arith.constant 0 : i32
      %dma_wait3A_462 = tpu.memref_slice %arg2[%dma_wait3A_460, %dma_wait3A_461] : memref<10000x128xf32, #tpu.memory_space<hbm>> -> memref<10000x128xf32, #tpu.memory_space<hbm>>
      tpu.wait_indirect_dma semaphore(%arg45 : memref<!tpu.dma_semaphore, #tpu.memory_space<semaphore_mem>>) src(%dma_wait3A_462 : memref<10000x128xf32, #tpu.memory_space<hbm>>) dst(%arg27 : memref<40x128xf32, #tpu.memory_space<vmem>>)
      %dma_start3A_463 = arith.constant 0 : i32
      %dma_start3A_464 = arith.constant 0 : i32
      %dma_start3A_465 = tpu.memref_slice %arg30[%dma_start3A_463, %dma_start3A_464] : memref<10240x128xf32, #tpu.memory_space<vmem_shared>> -> memref<10240x128xf32, #tpu.memory_space<vmem_shared>>
      tpu.enqueue_indirect_dma source(%arg27 : memref<40x128xf32, #tpu.memory_space<vmem>>) target(%dma_start3A_465 : memref<10240x128xf32, #tpu.memory_space<vmem_shared>>) offsets(%arg19 : memref<40xi32, #tpu.memory_space<vmem>>) semaphore(%arg53 : memref<!tpu.dma_semaphore, #tpu.memory_space<semaphore_mem>>) {add = true}
      %dma_wait3A_466 = arith.constant 0 : i32
      %dma_wait3A_467 = arith.constant 0 : i32
      %dma_wait3A_468 = tpu.memref_slice %arg30[%dma_wait3A_466, %dma_wait3A_467] : memref<10240x128xf32, #tpu.memory_space<vmem_shared>> -> memref<10240x128xf32, #tpu.memory_space<vmem_shared>>
      tpu.wait_indirect_dma semaphore(%arg52 : memref<!tpu.dma_semaphore, #tpu.memory_space<semaphore_mem>>) src(%arg26 : memref<40x128xf32, #tpu.memory_space<vmem>>) dst(%dma_wait3A_468 : memref<10240x128xf32, #tpu.memory_space<vmem_shared>>)
      %add3A_469 = arith.constant 8 : i32
      %add3A_470 = arith.addi %add3A_459, %add3A_469 : i32
      %sub3A_471 = arith.constant 1 : i32
      %sub3A_472 = arith.subi %add3A_470, %sub3A_471 : i32
      %mul3A_473 = arith.constant 40 : i32
      %mul3A_474 = arith.muli %sub3A_472, %mul3A_473 : i32
      %add3A_475 = arith.addi %mul3A_2, %mul3A_474 : i32
      %dma_start3A_476 = tpu.memref_slice %arg3[%add3A_475] : memref<640000xi32, #tpu.memory_space<hbm>> -> memref<40xi32, #tpu.memory_space<hbm>>
      %dma_start3A_477 = tpu.memref_slice %arg3[%add3A_475] : memref<640000xi32, #tpu.memory_space<hbm>> -> memref<40xi32, #tpu.memory_space<hbm>>
      tpu.enqueue_dma source(%dma_start3A_477 : memref<40xi32, #tpu.memory_space<hbm>>) target(%arg10 : memref<40xi32, #tpu.memory_space<vmem>>) target_semaphore(%arg36 : memref<!tpu.dma_semaphore, #tpu.memory_space<semaphore_mem>>)
      %add3A_478 = arith.constant 320000 : i32
      %add3A_479 = arith.addi %add3A_478, %add3A_475 : i32
      %dma_start3A_480 = tpu.memref_slice %arg3[%add3A_479] : memref<640000xi32, #tpu.memory_space<hbm>> -> memref<40xi32, #tpu.memory_space<hbm>>
      %dma_start3A_481 = tpu.memref_slice %arg3[%add3A_479] : memref<640000xi32, #tpu.memory_space<hbm>> -> memref<40xi32, #tpu.memory_space<hbm>>
      tpu.enqueue_dma source(%dma_start3A_481 : memref<40xi32, #tpu.memory_space<hbm>>) target(%arg18 : memref<40xi32, #tpu.memory_space<vmem>>) target_semaphore(%arg36 : memref<!tpu.dma_semaphore, #tpu.memory_space<semaphore_mem>>)
      %add3A_482 = arith.constant 8 : i32
      %add3A_483 = arith.addi %add3A_459, %add3A_482 : i32
      %sub3A_484 = arith.constant 2 : i32
      %sub3A_485 = arith.subi %add3A_483, %sub3A_484 : i32
      %mul3A_486 = arith.constant 40 : i32
      %mul3A_487 = arith.muli %sub3A_485, %mul3A_486 : i32
      %add3A_488 = arith.addi %mul3A_2, %mul3A_487 : i32
      %dma_wait3A_489 = tpu.memref_slice %arg3[%add3A_488] : memref<640000xi32, #tpu.memory_space<hbm>> -> memref<40xi32, #tpu.memory_space<hbm>>
      %dma_wait3A_490 = tpu.memref_slice %arg3[%add3A_488] : memref<640000xi32, #tpu.memory_space<hbm>> -> memref<40xi32, #tpu.memory_space<hbm>>
      tpu.wait_dma2 semaphore(%arg35 : memref<!tpu.dma_semaphore, #tpu.memory_space<semaphore_mem>>) src(%dma_wait3A_490 : memref<40xi32, #tpu.memory_space<hbm>>) dst(%arg9 : memref<40xi32, #tpu.memory_space<vmem>>)
      %add3A_491 = arith.constant 320000 : i32
      %add3A_492 = arith.addi %add3A_491, %add3A_488 : i32
      %dma_wait3A_493 = tpu.memref_slice %arg3[%add3A_492] : memref<640000xi32, #tpu.memory_space<hbm>> -> memref<40xi32, #tpu.memory_space<hbm>>
      %dma_wait3A_494 = tpu.memref_slice %arg3[%add3A_492] : memref<640000xi32, #tpu.memory_space<hbm>> -> memref<40xi32, #tpu.memory_space<hbm>>
      tpu.wait_dma2 semaphore(%arg35 : memref<!tpu.dma_semaphore, #tpu.memory_space<semaphore_mem>>) src(%dma_wait3A_494 : memref<40xi32, #tpu.memory_space<hbm>>) dst(%arg17 : memref<40xi32, #tpu.memory_space<vmem>>)
      %dma_start3A_495 = arith.constant 0 : i32
      %dma_start3A_496 = arith.constant 0 : i32
      %dma_start3A_497 = tpu.memref_slice %arg2[%dma_start3A_495, %dma_start3A_496] : memref<10000x128xf32, #tpu.memory_space<hbm>> -> memref<10000x128xf32, #tpu.memory_space<hbm>>
      tpu.enqueue_indirect_dma source(%dma_start3A_497 : memref<10000x128xf32, #tpu.memory_space<hbm>>) target(%arg25 : memref<40x128xf32, #tpu.memory_space<vmem>>) offsets(%arg9 : memref<40xi32, #tpu.memory_space<vmem>>) semaphore(%arg43 : memref<!tpu.dma_semaphore, #tpu.memory_space<semaphore_mem>>)
      %add3A_498 = arith.constant 4 : i32
      %add3A_499 = arith.addi %add3A_338, %add3A_498 : i32
      %dma_wait3A_500 = arith.constant 0 : i32
      %dma_wait3A_501 = arith.constant 0 : i32
      %dma_wait3A_502 = tpu.memref_slice %arg2[%dma_wait3A_500, %dma_wait3A_501] : memref<10000x128xf32, #tpu.memory_space<hbm>> -> memref<10000x128xf32, #tpu.memory_space<hbm>>
      tpu.wait_indirect_dma semaphore(%arg46 : memref<!tpu.dma_semaphore, #tpu.memory_space<semaphore_mem>>) src(%dma_wait3A_502 : memref<10000x128xf32, #tpu.memory_space<hbm>>) dst(%arg28 : memref<40x128xf32, #tpu.memory_space<vmem>>)
      %dma_start3A_503 = arith.constant 0 : i32
      %dma_start3A_504 = arith.constant 0 : i32
      %dma_start3A_505 = tpu.memref_slice %arg30[%dma_start3A_503, %dma_start3A_504] : memref<10240x128xf32, #tpu.memory_space<vmem_shared>> -> memref<10240x128xf32, #tpu.memory_space<vmem_shared>>
      tpu.enqueue_indirect_dma source(%arg28 : memref<40x128xf32, #tpu.memory_space<vmem>>) target(%dma_start3A_505 : memref<10240x128xf32, #tpu.memory_space<vmem_shared>>) offsets(%arg20 : memref<40xi32, #tpu.memory_space<vmem>>) semaphore(%arg54 : memref<!tpu.dma_semaphore, #tpu.memory_space<semaphore_mem>>) {add = true}
      %dma_wait3A_506 = arith.constant 0 : i32
      %dma_wait3A_507 = arith.constant 0 : i32
      %dma_wait3A_508 = tpu.memref_slice %arg30[%dma_wait3A_506, %dma_wait3A_507] : memref<10240x128xf32, #tpu.memory_space<vmem_shared>> -> memref<10240x128xf32, #tpu.memory_space<vmem_shared>>
      tpu.wait_indirect_dma semaphore(%arg53 : memref<!tpu.dma_semaphore, #tpu.memory_space<semaphore_mem>>) src(%arg27 : memref<40x128xf32, #tpu.memory_space<vmem>>) dst(%dma_wait3A_508 : memref<10240x128xf32, #tpu.memory_space<vmem_shared>>)
      %add3A_509 = arith.constant 8 : i32
      %add3A_510 = arith.addi %add3A_499, %add3A_509 : i32
      %sub3A_511 = arith.constant 1 : i32
      %sub3A_512 = arith.subi %add3A_510, %sub3A_511 : i32
      %mul3A_513 = arith.constant 40 : i32
      %mul3A_514 = arith.muli %sub3A_512, %mul3A_513 : i32
      %add3A_515 = arith.addi %mul3A_2, %mul3A_514 : i32
      %dma_start3A_516 = tpu.memref_slice %arg3[%add3A_515] : memref<640000xi32, #tpu.memory_space<hbm>> -> memref<40xi32, #tpu.memory_space<hbm>>
      %dma_start3A_517 = tpu.memref_slice %arg3[%add3A_515] : memref<640000xi32, #tpu.memory_space<hbm>> -> memref<40xi32, #tpu.memory_space<hbm>>
      tpu.enqueue_dma source(%dma_start3A_517 : memref<40xi32, #tpu.memory_space<hbm>>) target(%arg11 : memref<40xi32, #tpu.memory_space<vmem>>) target_semaphore(%arg37 : memref<!tpu.dma_semaphore, #tpu.memory_space<semaphore_mem>>)
      %add3A_518 = arith.constant 320000 : i32
      %add3A_519 = arith.addi %add3A_518, %add3A_515 : i32
      %dma_start3A_520 = tpu.memref_slice %arg3[%add3A_519] : memref<640000xi32, #tpu.memory_space<hbm>> -> memref<40xi32, #tpu.memory_space<hbm>>
      %dma_start3A_521 = tpu.memref_slice %arg3[%add3A_519] : memref<640000xi32, #tpu.memory_space<hbm>> -> memref<40xi32, #tpu.memory_space<hbm>>
      tpu.enqueue_dma source(%dma_start3A_521 : memref<40xi32, #tpu.memory_space<hbm>>) target(%arg19 : memref<40xi32, #tpu.memory_space<vmem>>) target_semaphore(%arg37 : memref<!tpu.dma_semaphore, #tpu.memory_space<semaphore_mem>>)
      %add3A_522 = arith.constant 8 : i32
      %add3A_523 = arith.addi %add3A_499, %add3A_522 : i32
      %sub3A_524 = arith.constant 2 : i32
      %sub3A_525 = arith.subi %add3A_523, %sub3A_524 : i32
      %mul3A_526 = arith.constant 40 : i32
      %mul3A_527 = arith.muli %sub3A_525, %mul3A_526 : i32
      %add3A_528 = arith.addi %mul3A_2, %mul3A_527 : i32
      %dma_wait3A_529 = tpu.memref_slice %arg3[%add3A_528] : memref<640000xi32, #tpu.memory_space<hbm>> -> memref<40xi32, #tpu.memory_space<hbm>>
      %dma_wait3A_530 = tpu.memref_slice %arg3[%add3A_528] : memref<640000xi32, #tpu.memory_space<hbm>> -> memref<40xi32, #tpu.memory_space<hbm>>
      tpu.wait_dma2 semaphore(%arg36 : memref<!tpu.dma_semaphore, #tpu.memory_space<semaphore_mem>>) src(%dma_wait3A_530 : memref<40xi32, #tpu.memory_space<hbm>>) dst(%arg10 : memref<40xi32, #tpu.memory_space<vmem>>)
      %add3A_531 = arith.constant 320000 : i32
      %add3A_532 = arith.addi %add3A_531, %add3A_528 : i32
      %dma_wait3A_533 = tpu.memref_slice %arg3[%add3A_532] : memref<640000xi32, #tpu.memory_space<hbm>> -> memref<40xi32, #tpu.memory_space<hbm>>
      %dma_wait3A_534 = tpu.memref_slice %arg3[%add3A_532] : memref<640000xi32, #tpu.memory_space<hbm>> -> memref<40xi32, #tpu.memory_space<hbm>>
      tpu.wait_dma2 semaphore(%arg36 : memref<!tpu.dma_semaphore, #tpu.memory_space<semaphore_mem>>) src(%dma_wait3A_534 : memref<40xi32, #tpu.memory_space<hbm>>) dst(%arg18 : memref<40xi32, #tpu.memory_space<vmem>>)
      %dma_start3A_535 = arith.constant 0 : i32
      %dma_start3A_536 = arith.constant 0 : i32
      %dma_start3A_537 = tpu.memref_slice %arg2[%dma_start3A_535, %dma_start3A_536] : memref<10000x128xf32, #tpu.memory_space<hbm>> -> memref<10000x128xf32, #tpu.memory_space<hbm>>
      tpu.enqueue_indirect_dma source(%dma_start3A_537 : memref<10000x128xf32, #tpu.memory_space<hbm>>) target(%arg26 : memref<40x128xf32, #tpu.memory_space<vmem>>) offsets(%arg10 : memref<40xi32, #tpu.memory_space<vmem>>) semaphore(%arg44 : memref<!tpu.dma_semaphore, #tpu.memory_space<semaphore_mem>>)
      %add3A_538 = arith.constant 5 : i32
      %add3A_539 = arith.addi %add3A_338, %add3A_538 : i32
      %dma_wait3A_540 = arith.constant 0 : i32
      %dma_wait3A_541 = arith.constant 0 : i32
      %dma_wait3A_542 = tpu.memref_slice %arg2[%dma_wait3A_540, %dma_wait3A_541] : memref<10000x128xf32, #tpu.memory_space<hbm>> -> memref<10000x128xf32, #tpu.memory_space<hbm>>
      tpu.wait_indirect_dma semaphore(%arg39 : memref<!tpu.dma_semaphore, #tpu.memory_space<semaphore_mem>>) src(%dma_wait3A_542 : memref<10000x128xf32, #tpu.memory_space<hbm>>) dst(%arg21 : memref<40x128xf32, #tpu.memory_space<vmem>>)
      %dma_start3A_543 = arith.constant 0 : i32
      %dma_start3A_544 = arith.constant 0 : i32
      %dma_start3A_545 = tpu.memref_slice %arg30[%dma_start3A_543, %dma_start3A_544] : memref<10240x128xf32, #tpu.memory_space<vmem_shared>> -> memref<10240x128xf32, #tpu.memory_space<vmem_shared>>
      tpu.enqueue_indirect_dma source(%arg21 : memref<40x128xf32, #tpu.memory_space<vmem>>) target(%dma_start3A_545 : memref<10240x128xf32, #tpu.memory_space<vmem_shared>>) offsets(%arg13 : memref<40xi32, #tpu.memory_space<vmem>>) semaphore(%arg47 : memref<!tpu.dma_semaphore, #tpu.memory_space<semaphore_mem>>) {add = true}
      %dma_wait3A_546 = arith.constant 0 : i32
      %dma_wait3A_547 = arith.constant 0 : i32
      %dma_wait3A_548 = tpu.memref_slice %arg30[%dma_wait3A_546, %dma_wait3A_547] : memref<10240x128xf32, #tpu.memory_space<vmem_shared>> -> memref<10240x128xf32, #tpu.memory_space<vmem_shared>>
      tpu.wait_indirect_dma semaphore(%arg54 : memref<!tpu.dma_semaphore, #tpu.memory_space<semaphore_mem>>) src(%arg28 : memref<40x128xf32, #tpu.memory_space<vmem>>) dst(%dma_wait3A_548 : memref<10240x128xf32, #tpu.memory_space<vmem_shared>>)
      %add3A_549 = arith.constant 8 : i32
      %add3A_550 = arith.addi %add3A_539, %add3A_549 : i32
      %sub3A_551 = arith.constant 1 : i32
      %sub3A_552 = arith.subi %add3A_550, %sub3A_551 : i32
      %mul3A_553 = arith.constant 40 : i32
      %mul3A_554 = arith.muli %sub3A_552, %mul3A_553 : i32
      %add3A_555 = arith.addi %mul3A_2, %mul3A_554 : i32
      %dma_start3A_556 = tpu.memref_slice %arg3[%add3A_555] : memref<640000xi32, #tpu.memory_space<hbm>> -> memref<40xi32, #tpu.memory_space<hbm>>
      %dma_start3A_557 = tpu.memref_slice %arg3[%add3A_555] : memref<640000xi32, #tpu.memory_space<hbm>> -> memref<40xi32, #tpu.memory_space<hbm>>
      tpu.enqueue_dma source(%dma_start3A_557 : memref<40xi32, #tpu.memory_space<hbm>>) target(%arg12 : memref<40xi32, #tpu.memory_space<vmem>>) target_semaphore(%arg38 : memref<!tpu.dma_semaphore, #tpu.memory_space<semaphore_mem>>)
      %add3A_558 = arith.constant 320000 : i32
      %add3A_559 = arith.addi %add3A_558, %add3A_555 : i32
      %dma_start3A_560 = tpu.memref_slice %arg3[%add3A_559] : memref<640000xi32, #tpu.memory_space<hbm>> -> memref<40xi32, #tpu.memory_space<hbm>>
      %dma_start3A_561 = tpu.memref_slice %arg3[%add3A_559] : memref<640000xi32, #tpu.memory_space<hbm>> -> memref<40xi32, #tpu.memory_space<hbm>>
      tpu.enqueue_dma source(%dma_start3A_561 : memref<40xi32, #tpu.memory_space<hbm>>) target(%arg20 : memref<40xi32, #tpu.memory_space<vmem>>) target_semaphore(%arg38 : memref<!tpu.dma_semaphore, #tpu.memory_space<semaphore_mem>>)
      %add3A_562 = arith.constant 8 : i32
      %add3A_563 = arith.addi %add3A_539, %add3A_562 : i32
      %sub3A_564 = arith.constant 2 : i32
      %sub3A_565 = arith.subi %add3A_563, %sub3A_564 : i32
      %mul3A_566 = arith.constant 40 : i32
      %mul3A_567 = arith.muli %sub3A_565, %mul3A_566 : i32
      %add3A_568 = arith.addi %mul3A_2, %mul3A_567 : i32
      %dma_wait3A_569 = tpu.memref_slice %arg3[%add3A_568] : memref<640000xi32, #tpu.memory_space<hbm>> -> memref<40xi32, #tpu.memory_space<hbm>>
      %dma_wait3A_570 = tpu.memref_slice %arg3[%add3A_568] : memref<640000xi32, #tpu.memory_space<hbm>> -> memref<40xi32, #tpu.memory_space<hbm>>
      tpu.wait_dma2 semaphore(%arg37 : memref<!tpu.dma_semaphore, #tpu.memory_space<semaphore_mem>>) src(%dma_wait3A_570 : memref<40xi32, #tpu.memory_space<hbm>>) dst(%arg11 : memref<40xi32, #tpu.memory_space<vmem>>)
      %add3A_571 = arith.constant 320000 : i32
      %add3A_572 = arith.addi %add3A_571, %add3A_568 : i32
      %dma_wait3A_573 = tpu.memref_slice %arg3[%add3A_572] : memref<640000xi32, #tpu.memory_space<hbm>> -> memref<40xi32, #tpu.memory_space<hbm>>
      %dma_wait3A_574 = tpu.memref_slice %arg3[%add3A_572] : memref<640000xi32, #tpu.memory_space<hbm>> -> memref<40xi32, #tpu.memory_space<hbm>>
      tpu.wait_dma2 semaphore(%arg37 : memref<!tpu.dma_semaphore, #tpu.memory_space<semaphore_mem>>) src(%dma_wait3A_574 : memref<40xi32, #tpu.memory_space<hbm>>) dst(%arg19 : memref<40xi32, #tpu.memory_space<vmem>>)
      %dma_start3A_575 = arith.constant 0 : i32
      %dma_start3A_576 = arith.constant 0 : i32
      %dma_start3A_577 = tpu.memref_slice %arg2[%dma_start3A_575, %dma_start3A_576] : memref<10000x128xf32, #tpu.memory_space<hbm>> -> memref<10000x128xf32, #tpu.memory_space<hbm>>
      tpu.enqueue_indirect_dma source(%dma_start3A_577 : memref<10000x128xf32, #tpu.memory_space<hbm>>) target(%arg27 : memref<40x128xf32, #tpu.memory_space<vmem>>) offsets(%arg11 : memref<40xi32, #tpu.memory_space<vmem>>) semaphore(%arg45 : memref<!tpu.dma_semaphore, #tpu.memory_space<semaphore_mem>>)
      %add3A_578 = arith.constant 6 : i32
      %add3A_579 = arith.addi %add3A_338, %add3A_578 : i32
      %dma_wait3A_580 = arith.constant 0 : i32
      %dma_wait3A_581 = arith.constant 0 : i32
      %dma_wait3A_582 = tpu.memref_slice %arg2[%dma_wait3A_580, %dma_wait3A_581] : memref<10000x128xf32, #tpu.memory_space<hbm>> -> memref<10000x128xf32, #tpu.memory_space<hbm>>
      tpu.wait_indirect_dma semaphore(%arg40 : memref<!tpu.dma_semaphore, #tpu.memory_space<semaphore_mem>>) src(%dma_wait3A_582 : memref<10000x128xf32, #tpu.memory_space<hbm>>) dst(%arg22 : memref<40x128xf32, #tpu.memory_space<vmem>>)
      %dma_start3A_583 = arith.constant 0 : i32
      %dma_start3A_584 = arith.constant 0 : i32
      %dma_start3A_585 = tpu.memref_slice %arg30[%dma_start3A_583, %dma_start3A_584] : memref<10240x128xf32, #tpu.memory_space<vmem_shared>> -> memref<10240x128xf32, #tpu.memory_space<vmem_shared>>
      tpu.enqueue_indirect_dma source(%arg22 : memref<40x128xf32, #tpu.memory_space<vmem>>) target(%dma_start3A_585 : memref<10240x128xf32, #tpu.memory_space<vmem_shared>>) offsets(%arg14 : memref<40xi32, #tpu.memory_space<vmem>>) semaphore(%arg48 : memref<!tpu.dma_semaphore, #tpu.memory_space<semaphore_mem>>) {add = true}
      %dma_wait3A_586 = arith.constant 0 : i32
      %dma_wait3A_587 = arith.constant 0 : i32
      %dma_wait3A_588 = tpu.memref_slice %arg30[%dma_wait3A_586, %dma_wait3A_587] : memref<10240x128xf32, #tpu.memory_space<vmem_shared>> -> memref<10240x128xf32, #tpu.memory_space<vmem_shared>>
      tpu.wait_indirect_dma semaphore(%arg47 : memref<!tpu.dma_semaphore, #tpu.memory_space<semaphore_mem>>) src(%arg21 : memref<40x128xf32, #tpu.memory_space<vmem>>) dst(%dma_wait3A_588 : memref<10240x128xf32, #tpu.memory_space<vmem_shared>>)
      %add3A_589 = arith.constant 8 : i32
      %add3A_590 = arith.addi %add3A_579, %add3A_589 : i32
      %sub3A_591 = arith.constant 1 : i32
      %sub3A_592 = arith.subi %add3A_590, %sub3A_591 : i32
      %mul3A_593 = arith.constant 40 : i32
      %mul3A_594 = arith.muli %sub3A_592, %mul3A_593 : i32
      %add3A_595 = arith.addi %mul3A_2, %mul3A_594 : i32
      %dma_start3A_596 = tpu.memref_slice %arg3[%add3A_595] : memref<640000xi32, #tpu.memory_space<hbm>> -> memref<40xi32, #tpu.memory_space<hbm>>
      %dma_start3A_597 = tpu.memref_slice %arg3[%add3A_595] : memref<640000xi32, #tpu.memory_space<hbm>> -> memref<40xi32, #tpu.memory_space<hbm>>
      tpu.enqueue_dma source(%dma_start3A_597 : memref<40xi32, #tpu.memory_space<hbm>>) target(%arg5 : memref<40xi32, #tpu.memory_space<vmem>>) target_semaphore(%arg31 : memref<!tpu.dma_semaphore, #tpu.memory_space<semaphore_mem>>)
      %add3A_598 = arith.constant 320000 : i32
      %add3A_599 = arith.addi %add3A_598, %add3A_595 : i32
      %dma_start3A_600 = tpu.memref_slice %arg3[%add3A_599] : memref<640000xi32, #tpu.memory_space<hbm>> -> memref<40xi32, #tpu.memory_space<hbm>>
      %dma_start3A_601 = tpu.memref_slice %arg3[%add3A_599] : memref<640000xi32, #tpu.memory_space<hbm>> -> memref<40xi32, #tpu.memory_space<hbm>>
      tpu.enqueue_dma source(%dma_start3A_601 : memref<40xi32, #tpu.memory_space<hbm>>) target(%arg13 : memref<40xi32, #tpu.memory_space<vmem>>) target_semaphore(%arg31 : memref<!tpu.dma_semaphore, #tpu.memory_space<semaphore_mem>>)
      %add3A_602 = arith.constant 8 : i32
      %add3A_603 = arith.addi %add3A_579, %add3A_602 : i32
      %sub3A_604 = arith.constant 2 : i32
      %sub3A_605 = arith.subi %add3A_603, %sub3A_604 : i32
      %mul3A_606 = arith.constant 40 : i32
      %mul3A_607 = arith.muli %sub3A_605, %mul3A_606 : i32
      %add3A_608 = arith.addi %mul3A_2, %mul3A_607 : i32
      %dma_wait3A_609 = tpu.memref_slice %arg3[%add3A_608] : memref<640000xi32, #tpu.memory_space<hbm>> -> memref<40xi32, #tpu.memory_space<hbm>>
      %dma_wait3A_610 = tpu.memref_slice %arg3[%add3A_608] : memref<640000xi32, #tpu.memory_space<hbm>> -> memref<40xi32, #tpu.memory_space<hbm>>
      tpu.wait_dma2 semaphore(%arg38 : memref<!tpu.dma_semaphore, #tpu.memory_space<semaphore_mem>>) src(%dma_wait3A_610 : memref<40xi32, #tpu.memory_space<hbm>>) dst(%arg12 : memref<40xi32, #tpu.memory_space<vmem>>)
      %add3A_611 = arith.constant 320000 : i32
      %add3A_612 = arith.addi %add3A_611, %add3A_608 : i32
      %dma_wait3A_613 = tpu.memref_slice %arg3[%add3A_612] : memref<640000xi32, #tpu.memory_space<hbm>> -> memref<40xi32, #tpu.memory_space<hbm>>
      %dma_wait3A_614 = tpu.memref_slice %arg3[%add3A_612] : memref<640000xi32, #tpu.memory_space<hbm>> -> memref<40xi32, #tpu.memory_space<hbm>>
      tpu.wait_dma2 semaphore(%arg38 : memref<!tpu.dma_semaphore, #tpu.memory_space<semaphore_mem>>) src(%dma_wait3A_614 : memref<40xi32, #tpu.memory_space<hbm>>) dst(%arg20 : memref<40xi32, #tpu.memory_space<vmem>>)
      %dma_start3A_615 = arith.constant 0 : i32
      %dma_start3A_616 = arith.constant 0 : i32
      %dma_start3A_617 = tpu.memref_slice %arg2[%dma_start3A_615, %dma_start3A_616] : memref<10000x128xf32, #tpu.memory_space<hbm>> -> memref<10000x128xf32, #tpu.memory_space<hbm>>
      tpu.enqueue_indirect_dma source(%dma_start3A_617 : memref<10000x128xf32, #tpu.memory_space<hbm>>) target(%arg28 : memref<40x128xf32, #tpu.memory_space<vmem>>) offsets(%arg12 : memref<40xi32, #tpu.memory_space<vmem>>) semaphore(%arg46 : memref<!tpu.dma_semaphore, #tpu.memory_space<semaphore_mem>>)
      %add3A_618 = arith.constant 7 : i32
      %add3A_619 = arith.addi %add3A_338, %add3A_618 : i32
      %dma_wait3A_620 = arith.constant 0 : i32
      %dma_wait3A_621 = arith.constant 0 : i32
      %dma_wait3A_622 = tpu.memref_slice %arg2[%dma_wait3A_620, %dma_wait3A_621] : memref<10000x128xf32, #tpu.memory_space<hbm>> -> memref<10000x128xf32, #tpu.memory_space<hbm>>
      tpu.wait_indirect_dma semaphore(%arg41 : memref<!tpu.dma_semaphore, #tpu.memory_space<semaphore_mem>>) src(%dma_wait3A_622 : memref<10000x128xf32, #tpu.memory_space<hbm>>) dst(%arg23 : memref<40x128xf32, #tpu.memory_space<vmem>>)
      %dma_start3A_623 = arith.constant 0 : i32
      %dma_start3A_624 = arith.constant 0 : i32
      %dma_start3A_625 = tpu.memref_slice %arg30[%dma_start3A_623, %dma_start3A_624] : memref<10240x128xf32, #tpu.memory_space<vmem_shared>> -> memref<10240x128xf32, #tpu.memory_space<vmem_shared>>
      tpu.enqueue_indirect_dma source(%arg23 : memref<40x128xf32, #tpu.memory_space<vmem>>) target(%dma_start3A_625 : memref<10240x128xf32, #tpu.memory_space<vmem_shared>>) offsets(%arg15 : memref<40xi32, #tpu.memory_space<vmem>>) semaphore(%arg49 : memref<!tpu.dma_semaphore, #tpu.memory_space<semaphore_mem>>) {add = true}
      %dma_wait3A_626 = arith.constant 0 : i32
      %dma_wait3A_627 = arith.constant 0 : i32
      %dma_wait3A_628 = tpu.memref_slice %arg30[%dma_wait3A_626, %dma_wait3A_627] : memref<10240x128xf32, #tpu.memory_space<vmem_shared>> -> memref<10240x128xf32, #tpu.memory_space<vmem_shared>>
      tpu.wait_indirect_dma semaphore(%arg48 : memref<!tpu.dma_semaphore, #tpu.memory_space<semaphore_mem>>) src(%arg22 : memref<40x128xf32, #tpu.memory_space<vmem>>) dst(%dma_wait3A_628 : memref<10240x128xf32, #tpu.memory_space<vmem_shared>>)
      %add3A_629 = arith.constant 8 : i32
      %add3A_630 = arith.addi %add3A_619, %add3A_629 : i32
      %sub3A_631 = arith.constant 1 : i32
      %sub3A_632 = arith.subi %add3A_630, %sub3A_631 : i32
      %mul3A_633 = arith.constant 40 : i32
      %mul3A_634 = arith.muli %sub3A_632, %mul3A_633 : i32
      %add3A_635 = arith.addi %mul3A_2, %mul3A_634 : i32
      %dma_start3A_636 = tpu.memref_slice %arg3[%add3A_635] : memref<640000xi32, #tpu.memory_space<hbm>> -> memref<40xi32, #tpu.memory_space<hbm>>
      %dma_start3A_637 = tpu.memref_slice %arg3[%add3A_635] : memref<640000xi32, #tpu.memory_space<hbm>> -> memref<40xi32, #tpu.memory_space<hbm>>
      tpu.enqueue_dma source(%dma_start3A_637 : memref<40xi32, #tpu.memory_space<hbm>>) target(%arg6 : memref<40xi32, #tpu.memory_space<vmem>>) target_semaphore(%arg32 : memref<!tpu.dma_semaphore, #tpu.memory_space<semaphore_mem>>)
      %add3A_638 = arith.constant 320000 : i32
      %add3A_639 = arith.addi %add3A_638, %add3A_635 : i32
      %dma_start3A_640 = tpu.memref_slice %arg3[%add3A_639] : memref<640000xi32, #tpu.memory_space<hbm>> -> memref<40xi32, #tpu.memory_space<hbm>>
      %dma_start3A_641 = tpu.memref_slice %arg3[%add3A_639] : memref<640000xi32, #tpu.memory_space<hbm>> -> memref<40xi32, #tpu.memory_space<hbm>>
      tpu.enqueue_dma source(%dma_start3A_641 : memref<40xi32, #tpu.memory_space<hbm>>) target(%arg14 : memref<40xi32, #tpu.memory_space<vmem>>) target_semaphore(%arg32 : memref<!tpu.dma_semaphore, #tpu.memory_space<semaphore_mem>>)
      %add3A_642 = arith.constant 8 : i32
      %add3A_643 = arith.addi %add3A_619, %add3A_642 : i32
      %sub3A_644 = arith.constant 2 : i32
      %sub3A_645 = arith.subi %add3A_643, %sub3A_644 : i32
      %mul3A_646 = arith.constant 40 : i32
      %mul3A_647 = arith.muli %sub3A_645, %mul3A_646 : i32
      %add3A_648 = arith.addi %mul3A_2, %mul3A_647 : i32
      %dma_wait3A_649 = tpu.memref_slice %arg3[%add3A_648] : memref<640000xi32, #tpu.memory_space<hbm>> -> memref<40xi32, #tpu.memory_space<hbm>>
      %dma_wait3A_650 = tpu.memref_slice %arg3[%add3A_648] : memref<640000xi32, #tpu.memory_space<hbm>> -> memref<40xi32, #tpu.memory_space<hbm>>
      tpu.wait_dma2 semaphore(%arg31 : memref<!tpu.dma_semaphore, #tpu.memory_space<semaphore_mem>>) src(%dma_wait3A_650 : memref<40xi32, #tpu.memory_space<hbm>>) dst(%arg5 : memref<40xi32, #tpu.memory_space<vmem>>)
      %add3A_651 = arith.constant 320000 : i32
      %add3A_652 = arith.addi %add3A_651, %add3A_648 : i32
      %dma_wait3A_653 = tpu.memref_slice %arg3[%add3A_652] : memref<640000xi32, #tpu.memory_space<hbm>> -> memref<40xi32, #tpu.memory_space<hbm>>
      %dma_wait3A_654 = tpu.memref_slice %arg3[%add3A_652] : memref<640000xi32, #tpu.memory_space<hbm>> -> memref<40xi32, #tpu.memory_space<hbm>>
      tpu.wait_dma2 semaphore(%arg31 : memref<!tpu.dma_semaphore, #tpu.memory_space<semaphore_mem>>) src(%dma_wait3A_654 : memref<40xi32, #tpu.memory_space<hbm>>) dst(%arg13 : memref<40xi32, #tpu.memory_space<vmem>>)
      %dma_start3A_655 = arith.constant 0 : i32
      %dma_start3A_656 = arith.constant 0 : i32
      %dma_start3A_657 = tpu.memref_slice %arg2[%dma_start3A_655, %dma_start3A_656] : memref<10000x128xf32, #tpu.memory_space<hbm>> -> memref<10000x128xf32, #tpu.memory_space<hbm>>
      tpu.enqueue_indirect_dma source(%dma_start3A_657 : memref<10000x128xf32, #tpu.memory_space<hbm>>) target(%arg21 : memref<40x128xf32, #tpu.memory_space<vmem>>) offsets(%arg5 : memref<40xi32, #tpu.memory_space<vmem>>) semaphore(%arg39 : memref<!tpu.dma_semaphore, #tpu.memory_space<semaphore_mem>>)
    }
    %scan3A_255 = arith.constant 30 : i32
    %dma_wait3A_256 = arith.constant 0 : i32
    %dma_wait3A_257 = arith.constant 0 : i32
    %dma_wait3A_258 = tpu.memref_slice %arg2[%dma_wait3A_256, %dma_wait3A_257] : memref<10000x128xf32, #tpu.memory_space<hbm>> -> memref<10000x128xf32, #tpu.memory_space<hbm>>
    tpu.wait_indirect_dma semaphore(%arg42 : memref<!tpu.dma_semaphore, #tpu.memory_space<semaphore_mem>>) src(%dma_wait3A_258 : memref<10000x128xf32, #tpu.memory_space<hbm>>) dst(%arg24 : memref<40x128xf32, #tpu.memory_space<vmem>>)
    %dma_start3A_259 = arith.constant 0 : i32
    %dma_start3A_260 = arith.constant 0 : i32
    %dma_start3A_261 = tpu.memref_slice %arg30[%dma_start3A_259, %dma_start3A_260] : memref<10240x128xf32, #tpu.memory_space<vmem_shared>> -> memref<10240x128xf32, #tpu.memory_space<vmem_shared>>
    tpu.enqueue_indirect_dma source(%arg24 : memref<40x128xf32, #tpu.memory_space<vmem>>) target(%dma_start3A_261 : memref<10240x128xf32, #tpu.memory_space<vmem_shared>>) offsets(%arg16 : memref<40xi32, #tpu.memory_space<vmem>>) semaphore(%arg50 : memref<!tpu.dma_semaphore, #tpu.memory_space<semaphore_mem>>) {add = true}
    %dma_wait3A_262 = arith.constant 0 : i32
    %dma_wait3A_263 = arith.constant 0 : i32
    %dma_wait3A_264 = tpu.memref_slice %arg30[%dma_wait3A_262, %dma_wait3A_263] : memref<10240x128xf32, #tpu.memory_space<vmem_shared>> -> memref<10240x128xf32, #tpu.memory_space<vmem_shared>>
    tpu.wait_indirect_dma semaphore(%arg49 : memref<!tpu.dma_semaphore, #tpu.memory_space<semaphore_mem>>) src(%arg23 : memref<40x128xf32, #tpu.memory_space<vmem>>) dst(%dma_wait3A_264 : memref<10240x128xf32, #tpu.memory_space<vmem_shared>>)
    %add3A_265 = arith.constant 9960 : i32
    %add3A_266 = arith.addi %mul3A_2, %add3A_265 : i32
    %dma_wait3A_267 = tpu.memref_slice %arg3[%add3A_266] : memref<640000xi32, #tpu.memory_space<hbm>> -> memref<40xi32, #tpu.memory_space<hbm>>
    %dma_wait3A_268 = tpu.memref_slice %arg3[%add3A_266] : memref<640000xi32, #tpu.memory_space<hbm>> -> memref<40xi32, #tpu.memory_space<hbm>>
    tpu.wait_dma2 semaphore(%arg32 : memref<!tpu.dma_semaphore, #tpu.memory_space<semaphore_mem>>) src(%dma_wait3A_268 : memref<40xi32, #tpu.memory_space<hbm>>) dst(%arg6 : memref<40xi32, #tpu.memory_space<vmem>>)
    %add3A_269 = arith.constant 320000 : i32
    %add3A_270 = arith.addi %add3A_269, %add3A_266 : i32
    %dma_wait3A_271 = tpu.memref_slice %arg3[%add3A_270] : memref<640000xi32, #tpu.memory_space<hbm>> -> memref<40xi32, #tpu.memory_space<hbm>>
    %dma_wait3A_272 = tpu.memref_slice %arg3[%add3A_270] : memref<640000xi32, #tpu.memory_space<hbm>> -> memref<40xi32, #tpu.memory_space<hbm>>
    tpu.wait_dma2 semaphore(%arg32 : memref<!tpu.dma_semaphore, #tpu.memory_space<semaphore_mem>>) src(%dma_wait3A_272 : memref<40xi32, #tpu.memory_space<hbm>>) dst(%arg14 : memref<40xi32, #tpu.memory_space<vmem>>)
    %dma_start3A_273 = arith.constant 0 : i32
    %dma_start3A_274 = arith.constant 0 : i32
    %dma_start3A_275 = tpu.memref_slice %arg2[%dma_start3A_273, %dma_start3A_274] : memref<10000x128xf32, #tpu.memory_space<hbm>> -> memref<10000x128xf32, #tpu.memory_space<hbm>>
    tpu.enqueue_indirect_dma source(%dma_start3A_275 : memref<10000x128xf32, #tpu.memory_space<hbm>>) target(%arg22 : memref<40x128xf32, #tpu.memory_space<vmem>>) offsets(%arg6 : memref<40xi32, #tpu.memory_space<vmem>>) semaphore(%arg40 : memref<!tpu.dma_semaphore, #tpu.memory_space<semaphore_mem>>)
    %dma_wait3A_276 = arith.constant 0 : i32
    %dma_wait3A_277 = arith.constant 0 : i32
    %dma_wait3A_278 = tpu.memref_slice %arg2[%dma_wait3A_276, %dma_wait3A_277] : memref<10000x128xf32, #tpu.memory_space<hbm>> -> memref<10000x128xf32, #tpu.memory_space<hbm>>
    tpu.wait_indirect_dma semaphore(%arg43 : memref<!tpu.dma_semaphore, #tpu.memory_space<semaphore_mem>>) src(%dma_wait3A_278 : memref<10000x128xf32, #tpu.memory_space<hbm>>) dst(%arg25 : memref<40x128xf32, #tpu.memory_space<vmem>>)
    %dma_start3A_279 = arith.constant 0 : i32
    %dma_start3A_280 = arith.constant 0 : i32
    %dma_start3A_281 = tpu.memref_slice %arg30[%dma_start3A_279, %dma_start3A_280] : memref<10240x128xf32, #tpu.memory_space<vmem_shared>> -> memref<10240x128xf32, #tpu.memory_space<vmem_shared>>
    tpu.enqueue_indirect_dma source(%arg25 : memref<40x128xf32, #tpu.memory_space<vmem>>) target(%dma_start3A_281 : memref<10240x128xf32, #tpu.memory_space<vmem_shared>>) offsets(%arg17 : memref<40xi32, #tpu.memory_space<vmem>>) semaphore(%arg51 : memref<!tpu.dma_semaphore, #tpu.memory_space<semaphore_mem>>) {add = true}
    %dma_wait3A_282 = arith.constant 0 : i32
    %dma_wait3A_283 = arith.constant 0 : i32
    %dma_wait3A_284 = tpu.memref_slice %arg30[%dma_wait3A_282, %dma_wait3A_283] : memref<10240x128xf32, #tpu.memory_space<vmem_shared>> -> memref<10240x128xf32, #tpu.memory_space<vmem_shared>>
    tpu.wait_indirect_dma semaphore(%arg50 : memref<!tpu.dma_semaphore, #tpu.memory_space<semaphore_mem>>) src(%arg24 : memref<40x128xf32, #tpu.memory_space<vmem>>) dst(%dma_wait3A_284 : memref<10240x128xf32, #tpu.memory_space<vmem_shared>>)
    %dma_wait3A_285 = arith.constant 0 : i32
    %dma_wait3A_286 = arith.constant 0 : i32
    %dma_wait3A_287 = tpu.memref_slice %arg2[%dma_wait3A_285, %dma_wait3A_286] : memref<10000x128xf32, #tpu.memory_space<hbm>> -> memref<10000x128xf32, #tpu.memory_space<hbm>>
    tpu.wait_indirect_dma semaphore(%arg44 : memref<!tpu.dma_semaphore, #tpu.memory_space<semaphore_mem>>) src(%dma_wait3A_287 : memref<10000x128xf32, #tpu.memory_space<hbm>>) dst(%arg26 : memref<40x128xf32, #tpu.memory_space<vmem>>)
    %dma_start3A_288 = arith.constant 0 : i32
    %dma_start3A_289 = arith.constant 0 : i32
    %dma_start3A_290 = tpu.memref_slice %arg30[%dma_start3A_288, %dma_start3A_289] : memref<10240x128xf32, #tpu.memory_space<vmem_shared>> -> memref<10240x128xf32, #tpu.memory_space<vmem_shared>>
    tpu.enqueue_indirect_dma source(%arg26 : memref<40x128xf32, #tpu.memory_space<vmem>>) target(%dma_start3A_290 : memref<10240x128xf32, #tpu.memory_space<vmem_shared>>) offsets(%arg18 : memref<40xi32, #tpu.memory_space<vmem>>) semaphore(%arg52 : memref<!tpu.dma_semaphore, #tpu.memory_space<semaphore_mem>>) {add = true}
    %dma_wait3A_291 = arith.constant 0 : i32
    %dma_wait3A_292 = arith.constant 0 : i32
    %dma_wait3A_293 = tpu.memref_slice %arg30[%dma_wait3A_291, %dma_wait3A_292] : memref<10240x128xf32, #tpu.memory_space<vmem_shared>> -> memref<10240x128xf32, #tpu.memory_space<vmem_shared>>
    tpu.wait_indirect_dma semaphore(%arg51 : memref<!tpu.dma_semaphore, #tpu.memory_space<semaphore_mem>>) src(%arg25 : memref<40x128xf32, #tpu.memory_space<vmem>>) dst(%dma_wait3A_293 : memref<10240x128xf32, #tpu.memory_space<vmem_shared>>)
    %dma_wait3A_294 = arith.constant 0 : i32
    %dma_wait3A_295 = arith.constant 0 : i32
    %dma_wait3A_296 = tpu.memref_slice %arg2[%dma_wait3A_294, %dma_wait3A_295] : memref<10000x128xf32, #tpu.memory_space<hbm>> -> memref<10000x128xf32, #tpu.memory_space<hbm>>
    tpu.wait_indirect_dma semaphore(%arg45 : memref<!tpu.dma_semaphore, #tpu.memory_space<semaphore_mem>>) src(%dma_wait3A_296 : memref<10000x128xf32, #tpu.memory_space<hbm>>) dst(%arg27 : memref<40x128xf32, #tpu.memory_space<vmem>>)
    %dma_start3A_297 = arith.constant 0 : i32
    %dma_start3A_298 = arith.constant 0 : i32
    %dma_start3A_299 = tpu.memref_slice %arg30[%dma_start3A_297, %dma_start3A_298] : memref<10240x128xf32, #tpu.memory_space<vmem_shared>> -> memref<10240x128xf32, #tpu.memory_space<vmem_shared>>
    tpu.enqueue_indirect_dma source(%arg27 : memref<40x128xf32, #tpu.memory_space<vmem>>) target(%dma_start3A_299 : memref<10240x128xf32, #tpu.memory_space<vmem_shared>>) offsets(%arg19 : memref<40xi32, #tpu.memory_space<vmem>>) semaphore(%arg53 : memref<!tpu.dma_semaphore, #tpu.memory_space<semaphore_mem>>) {add = true}
    %dma_wait3A_300 = arith.constant 0 : i32
    %dma_wait3A_301 = arith.constant 0 : i32
    %dma_wait3A_302 = tpu.memref_slice %arg30[%dma_wait3A_300, %dma_wait3A_301] : memref<10240x128xf32, #tpu.memory_space<vmem_shared>> -> memref<10240x128xf32, #tpu.memory_space<vmem_shared>>
    tpu.wait_indirect_dma semaphore(%arg52 : memref<!tpu.dma_semaphore, #tpu.memory_space<semaphore_mem>>) src(%arg26 : memref<40x128xf32, #tpu.memory_space<vmem>>) dst(%dma_wait3A_302 : memref<10240x128xf32, #tpu.memory_space<vmem_shared>>)
    %dma_wait3A_303 = arith.constant 0 : i32
    %dma_wait3A_304 = arith.constant 0 : i32
    %dma_wait3A_305 = tpu.memref_slice %arg2[%dma_wait3A_303, %dma_wait3A_304] : memref<10000x128xf32, #tpu.memory_space<hbm>> -> memref<10000x128xf32, #tpu.memory_space<hbm>>
    tpu.wait_indirect_dma semaphore(%arg46 : memref<!tpu.dma_semaphore, #tpu.memory_space<semaphore_mem>>) src(%dma_wait3A_305 : memref<10000x128xf32, #tpu.memory_space<hbm>>) dst(%arg28 : memref<40x128xf32, #tpu.memory_space<vmem>>)
    %dma_start3A_306 = arith.constant 0 : i32
    %dma_start3A_307 = arith.constant 0 : i32
    %dma_start3A_308 = tpu.memref_slice %arg30[%dma_start3A_306, %dma_start3A_307] : memref<10240x128xf32, #tpu.memory_space<vmem_shared>> -> memref<10240x128xf32, #tpu.memory_space<vmem_shared>>
    tpu.enqueue_indirect_dma source(%arg28 : memref<40x128xf32, #tpu.memory_space<vmem>>) target(%dma_start3A_308 : memref<10240x128xf32, #tpu.memory_space<vmem_shared>>) offsets(%arg20 : memref<40xi32, #tpu.memory_space<vmem>>) semaphore(%arg54 : memref<!tpu.dma_semaphore, #tpu.memory_space<semaphore_mem>>) {add = true}
    %dma_wait3A_309 = arith.constant 0 : i32
    %dma_wait3A_310 = arith.constant 0 : i32
    %dma_wait3A_311 = tpu.memref_slice %arg30[%dma_wait3A_309, %dma_wait3A_310] : memref<10240x128xf32, #tpu.memory_space<vmem_shared>> -> memref<10240x128xf32, #tpu.memory_space<vmem_shared>>
    tpu.wait_indirect_dma semaphore(%arg53 : memref<!tpu.dma_semaphore, #tpu.memory_space<semaphore_mem>>) src(%arg27 : memref<40x128xf32, #tpu.memory_space<vmem>>) dst(%dma_wait3A_311 : memref<10240x128xf32, #tpu.memory_space<vmem_shared>>)
    %dma_wait3A_312 = arith.constant 0 : i32
    %dma_wait3A_313 = arith.constant 0 : i32
    %dma_wait3A_314 = tpu.memref_slice %arg2[%dma_wait3A_312, %dma_wait3A_313] : memref<10000x128xf32, #tpu.memory_space<hbm>> -> memref<10000x128xf32, #tpu.memory_space<hbm>>
    tpu.wait_indirect_dma semaphore(%arg39 : memref<!tpu.dma_semaphore, #tpu.memory_space<semaphore_mem>>) src(%dma_wait3A_314 : memref<10000x128xf32, #tpu.memory_space<hbm>>) dst(%arg21 : memref<40x128xf32, #tpu.memory_space<vmem>>)
    %dma_start3A_315 = arith.constant 0 : i32
    %dma_start3A_316 = arith.constant 0 : i32
    %dma_start3A_317 = tpu.memref_slice %arg30[%dma_start3A_315, %dma_start3A_316] : memref<10240x128xf32, #tpu.memory_space<vmem_shared>> -> memref<10240x128xf32, #tpu.memory_space<vmem_shared>>
    tpu.enqueue_indirect_dma source(%arg21 : memref<40x128xf32, #tpu.memory_space<vmem>>) target(%dma_start3A_317 : memref<10240x128xf32, #tpu.memory_space<vmem_shared>>) offsets(%arg13 : memref<40xi32, #tpu.memory_space<vmem>>) semaphore(%arg47 : memref<!tpu.dma_semaphore, #tpu.memory_space<semaphore_mem>>) {add = true}
    %dma_wait3A_318 = arith.constant 0 : i32
    %dma_wait3A_319 = arith.constant 0 : i32
    %dma_wait3A_320 = tpu.memref_slice %arg30[%dma_wait3A_318, %dma_wait3A_319] : memref<10240x128xf32, #tpu.memory_space<vmem_shared>> -> memref<10240x128xf32, #tpu.memory_space<vmem_shared>>
    tpu.wait_indirect_dma semaphore(%arg54 : memref<!tpu.dma_semaphore, #tpu.memory_space<semaphore_mem>>) src(%arg28 : memref<40x128xf32, #tpu.memory_space<vmem>>) dst(%dma_wait3A_320 : memref<10240x128xf32, #tpu.memory_space<vmem_shared>>)
    %dma_wait3A_321 = arith.constant 0 : i32
    %dma_wait3A_322 = arith.constant 0 : i32
    %dma_wait3A_323 = tpu.memref_slice %arg2[%dma_wait3A_321, %dma_wait3A_322] : memref<10000x128xf32, #tpu.memory_space<hbm>> -> memref<10000x128xf32, #tpu.memory_space<hbm>>
    tpu.wait_indirect_dma semaphore(%arg40 : memref<!tpu.dma_semaphore, #tpu.memory_space<semaphore_mem>>) src(%dma_wait3A_323 : memref<10000x128xf32, #tpu.memory_space<hbm>>) dst(%arg22 : memref<40x128xf32, #tpu.memory_space<vmem>>)
    %dma_start3A_324 = arith.constant 0 : i32
    %dma_start3A_325 = arith.constant 0 : i32
    %dma_start3A_326 = tpu.memref_slice %arg30[%dma_start3A_324, %dma_start3A_325] : memref<10240x128xf32, #tpu.memory_space<vmem_shared>> -> memref<10240x128xf32, #tpu.memory_space<vmem_shared>>
    tpu.enqueue_indirect_dma source(%arg22 : memref<40x128xf32, #tpu.memory_space<vmem>>) target(%dma_start3A_326 : memref<10240x128xf32, #tpu.memory_space<vmem_shared>>) offsets(%arg14 : memref<40xi32, #tpu.memory_space<vmem>>) semaphore(%arg48 : memref<!tpu.dma_semaphore, #tpu.memory_space<semaphore_mem>>) {add = true}
    %dma_wait3A_327 = arith.constant 0 : i32
    %dma_wait3A_328 = arith.constant 0 : i32
    %dma_wait3A_329 = tpu.memref_slice %arg30[%dma_wait3A_327, %dma_wait3A_328] : memref<10240x128xf32, #tpu.memory_space<vmem_shared>> -> memref<10240x128xf32, #tpu.memory_space<vmem_shared>>
    tpu.wait_indirect_dma semaphore(%arg47 : memref<!tpu.dma_semaphore, #tpu.memory_space<semaphore_mem>>) src(%arg21 : memref<40x128xf32, #tpu.memory_space<vmem>>) dst(%dma_wait3A_329 : memref<10240x128xf32, #tpu.memory_space<vmem_shared>>)
    %dma_wait3A_330 = arith.constant 0 : i32
    %dma_wait3A_331 = arith.constant 0 : i32
    %dma_wait3A_332 = tpu.memref_slice %arg30[%dma_wait3A_330, %dma_wait3A_331] : memref<10240x128xf32, #tpu.memory_space<vmem_shared>> -> memref<10240x128xf32, #tpu.memory_space<vmem_shared>>
    tpu.wait_indirect_dma semaphore(%arg48 : memref<!tpu.dma_semaphore, #tpu.memory_space<semaphore_mem>>) src(%arg22 : memref<40x128xf32, #tpu.memory_space<vmem>>) dst(%dma_wait3A_332 : memref<10240x128xf32, #tpu.memory_space<vmem_shared>>)
    %barrier3A_333 = arith.constant 0 : index
    tpu.barrier barrier_id(%barrier3A_333)
    "tpu.region"() ({
      %run_scoped3A = tpu.sem_alloc : memref<!tpu.dma_semaphore, #tpu.memory_space<semaphore_mem>>
      %dma_start3A_334 = arith.constant 0 : i32
      %dma_start3A_335 = tpu.memref_slice %arg4[%arg0, %mul3A_4, %dma_start3A_334] : memref<2x10240x128xf32, #tpu.memory_space<hbm>> -> memref<1x640x128xf32, #tpu.memory_space<hbm>>
      %dma_start3A_336 = tpu.memref_squeeze %dma_start3A_335 : memref<1x640x128xf32, #tpu.memory_space<hbm>> -> memref<640x128xf32, #tpu.memory_space<hbm>>
      %dma_start3A_337 = arith.constant 0 : i32
      %dma_start3A_338 = tpu.memref_slice %arg30[%mul3A_4, %dma_start3A_337] : memref<10240x128xf32, #tpu.memory_space<vmem_shared>> -> memref<640x128xf32, #tpu.memory_space<vmem_shared>>
      tpu.enqueue_dma source(%dma_start3A_338 : memref<640x128xf32, #tpu.memory_space<vmem_shared>>) target(%dma_start3A_336 : memref<640x128xf32, #tpu.memory_space<hbm>>) target_semaphore(%run_scoped3A : memref<!tpu.dma_semaphore, #tpu.memory_space<semaphore_mem>>)
      %dma_wait3A_339 = arith.constant 0 : i32
      %dma_wait3A_340 = tpu.memref_slice %arg4[%arg0, %mul3A_4, %dma_wait3A_339] : memref<2x10240x128xf32, #tpu.memory_space<hbm>> -> memref<1x640x128xf32, #tpu.memory_space<hbm>>
      %dma_wait3A_341 = tpu.memref_squeeze %dma_wait3A_340 : memref<1x640x128xf32, #tpu.memory_space<hbm>> -> memref<640x128xf32, #tpu.memory_space<hbm>>
      %dma_wait3A_342 = arith.constant 0 : i32
      %dma_wait3A_343 = tpu.memref_slice %arg30[%mul3A_4, %dma_wait3A_342] : memref<10240x128xf32, #tpu.memory_space<vmem_shared>> -> memref<640x128xf32, #tpu.memory_space<vmem_shared>>
      tpu.wait_dma2 semaphore(%run_scoped3A : memref<!tpu.dma_semaphore, #tpu.memory_space<semaphore_mem>>) src(%dma_wait3A_343 : memref<640x128xf32, #tpu.memory_space<vmem_shared>>) dst(%dma_wait3A_341 : memref<640x128xf32, #tpu.memory_space<hbm>>)
      tpu.yield
    }) : () -> ()
    return
  }
}

module attributes {stable_mosaic.version = 14 : i64} {
  func.func @_gemm_body(%arg0: i32, %arg1: memref<5000x128xf32, #tpu.memory_space<vmem>>, %arg2: memref<128x128xf32, #tpu.memory_space<vmem>>, %arg3: memref<5000x128xf32, #tpu.memory_space<vmem>>) attributes {dimension_semantics = [#tpu.dimension_semantics<arbitrary>], iteration_bounds = array<i64: 2>, scalar_prefetch = 0 : i64, scratch_operands = 0 : i64, tpu.core_type = #tpu.core_type<tc>, window_params = [{transform_indices = @transform_0, window_bounds = array<i64: 5000, 128>}, {pipeline_mode = #tpu.pipeline_mode<synchronous>, transform_indices = @transform_1, window_bounds = array<i64: 128, 128>}, {transform_indices = @transform_2, window_bounds = array<i64: 5000, 128>}]} {
    %get3A = arith.constant 0 : index
    %get3A_0 = arith.constant 0 : index
    %get3A_1 = vector.load %arg1[%get3A, %get3A_0] : memref<5000x128xf32, #tpu.memory_space<vmem>>, vector<5000x128xf32>
    %get3A_2 = arith.constant 0 : index
    %get3A_3 = arith.constant 0 : index
    %get3A_4 = vector.load %arg2[%get3A_2, %get3A_3] : memref<128x128xf32, #tpu.memory_space<vmem>>, vector<128x128xf32>
    %dot_general3A = arith.constant dense<0.000000e+00> : vector<5000x128xf32>
    %dot_general3A_5 = tpu.matmul %get3A_1, %get3A_4, %dot_general3A {dimension_numbers = #tpu.dot_dimension_numbers<[1], [1], [0], [0], [0, 0, 1, 0], [], []>, transpose_lhs_hint = false} : vector<5000x128xf32>, vector<128x128xf32>, vector<5000x128xf32> -> vector<5000x128xf32>
    %swap3A = arith.constant 0 : index
    %swap3A_6 = arith.constant 0 : index
    %swap3A_7 = vector.load %arg3[%swap3A, %swap3A_6] : memref<5000x128xf32, #tpu.memory_space<vmem>>, vector<5000x128xf32>
    tpu.vector_store %arg3[%swap3A, %swap3A_6], %dot_general3A_5 {strides = array<i32>} : memref<5000x128xf32, #tpu.memory_space<vmem>>, vector<5000x128xf32>,
    return
  }
  func.func @transform_0(%arg0: i32) -> (i32, i32) {
    %c0_i32 = arith.constant 0 : i32
    %c0_i32_0 = arith.constant 0 : i32
    return %arg0, %c0_i32 : i32, i32
  }
  func.func @transform_1(%arg0: i32) -> (i32, i32) {
    %c0_i32 = arith.constant 0 : i32
    %c0_i32_0 = arith.constant 0 : i32
    %c0_i32_1 = arith.constant 0 : i32
    return %c0_i32, %c0_i32_0 : i32, i32
  }
  func.func @transform_2(%arg0: i32) -> (i32, i32) {
    %c0_i32 = arith.constant 0 : i32
    %c0_i32_0 = arith.constant 0 : i32
    return %arg0, %c0_i32 : i32, i32
  }
}

module attributes {stable_mosaic.version = 14 : i64} {
  func.func @_add_body(%arg0: i32, %arg1: memref<2x5000x128xf32, #tpu.memory_space<vmem>>, %arg2: memref<5000x128xf32, #tpu.memory_space<vmem>>) attributes {dimension_semantics = [#tpu.dimension_semantics<arbitrary>], iteration_bounds = array<i64: 2>, scalar_prefetch = 0 : i64, scratch_operands = 0 : i64, tpu.core_type = #tpu.core_type<tc>, window_params = [{transform_indices = @transform_0, window_bounds = array<i64: 2, 5000, 128>}, {transform_indices = @transform_1, window_bounds = array<i64: 5000, 128>}]} {
    %get3A = arith.constant 0 : index
    %get3A_0 = arith.constant 0 : index
    %get3A_1 = arith.constant 0 : index
    %get3A_2 = vector.load %arg1[%get3A, %get3A_0, %get3A_1] : memref<2x5000x128xf32, #tpu.memory_space<vmem>>, vector<1x5000x128xf32>
    %get3A_3 = vector.shape_cast %get3A_2 : vector<1x5000x128xf32> to vector<5000x128xf32>
    %get3A_4 = arith.constant 1 : index
    %get3A_5 = arith.constant 0 : index
    %get3A_6 = arith.constant 0 : index
    %get3A_7 = vector.load %arg1[%get3A_4, %get3A_5, %get3A_6] : memref<2x5000x128xf32, #tpu.memory_space<vmem>>, vector<1x5000x128xf32>
    %get3A_8 = vector.shape_cast %get3A_7 : vector<1x5000x128xf32> to vector<5000x128xf32>
    %add3A = arith.addf %get3A_3, %get3A_8 : vector<5000x128xf32>
    %swap3A = arith.constant 0 : index
    %swap3A_9 = arith.constant 0 : index
    %swap3A_10 = vector.load %arg2[%swap3A, %swap3A_9] : memref<5000x128xf32, #tpu.memory_space<vmem>>, vector<5000x128xf32>
    tpu.vector_store %arg2[%swap3A, %swap3A_9], %add3A {strides = array<i32>} : memref<5000x128xf32, #tpu.memory_space<vmem>>, vector<5000x128xf32>,
    return
  }
  func.func @transform_0(%arg0: i32) -> (i32, i32, i32) {
    %c0_i32 = arith.constant 0 : i32
    %c0_i32_0 = arith.constant 0 : i32
    %c0_i32_1 = arith.constant 0 : i32
    return %c0_i32, %arg0, %c0_i32_0 : i32, i32, i32
  }
  func.func @transform_1(%arg0: i32) -> (i32, i32) {
    %c0_i32 = arith.constant 0 : i32
    %c0_i32_0 = arith.constant 0 : i32
    return %arg0, %c0_i32 : i32, i32
  }
}

</mosaic_0001>

<sc_bundles>
// kernel: kernel.5.cloned.1.call-start
scs
__scs_entry_jumppad:
0x0: {  	(pc) =	sbr.rel $0x88, $3  }
0x1: {  	(tag) =	ssettag $0x0;
	lr =	simm.s32 $0x1  }
0x2: {  	[smem:$0x3F9E] =	sst lr;
	_ =	strace $0xD0000000  }
0x3: {  	_ = 	snop  }
0x4: {  	_ = 	snop  }
0x5: {  	_ = 	snop  }
0x6: {  	_ = 	snop  }
0x7: {  	_ = 	snop  }
__scs_overlays_trampoline_lowered:
0x8: {  	[smem:$0x3FAD] =	sst s0  }
0x9: {  	[smem:$0x3FAE] =	sst s1  }
0xa: {  	[smem:$0x3FAF] =	sst s2  }
0xb: {  	[smem:$0x3FB0] =	sst s3  }
0xc: {  	[smem:$0x3FB1] =	sst s4  }
0xd: {  	[smem:$0x3FB2] =	sst s5  }
0xe: {  	[smem:$0x3FB3] =	sst s6  }
0xf: {  	[smem:$0x3FB4] =	sst s7  }
0x10: {  	[smem:$0x3FB5] =	sst s8  }
0x11: {  	[smem:$0x3FB6] =	sst s9;
	s0 =	simm.s32 @!p0 $0x0  }
0x12: {  	s1 =	sld [smem:$0x3F9C];
	s0 =	simm.s32 @p0 $0x1  }
0x13: {  	[smem:$0x3FB7] =	sst s0;
	s0 =	simm.s32 @!p1 $0x0  }
0x14: {  	s2 =	sld [smem:$0x3F9B];
	s0 =	simm.s32 @p1 $0x1  }
0x15: {  	[smem:$0x3FB8] =	sst s0;
	s0 =	simm.s32 @!p2 $0x0  }
0x16: {  	s3 =	sld [smem:$0x3FDB];
	s0 =	simm.s32 @p2 $0x1  }
0x17: {  	s4 =	simm.s32 $0x1BF5;
	[smem:$0x3FBA] =	sst s0  }
0x18: {  	s0 =	sld [smem:$0x3F9D];
	_ =	swait.ge [sflag:s4], $0x0  }
0x19: {  	s7 =	sld [smem:$0x3F9E]  }
0x1a: {  	s8 =	sadd.s32 $0xFFFFE003, lr  }
0x1b: {  	s9 =	sadd.s32 $0xFFFFFEF7, lr;
	s5 =	simm.s32 $0xFFFFFFFF;
	p2 =	slt.u32 s8, $0xFFFFF086  }
0x1c: {  	p1 =	slt.u32 s9, $0xF7A;
	s5 =	simm.s32 @!p2 $0x0  }
0x1d: {  	s5 =	simm.s32 @p1 $0x1;
	p0 =	seq.s32 s7, s2  }
0x1e: {  	s7 =	smul.u32 @!p0 $0xF7A, s2;
	p2 =	seq.s32 @!p0 s5, $0x0  }
0x1f: {  	s9 =	smul.u32 $0xF7A, s1;
	s8 =	simm.s32 @!p0 $0x1BF5;
	p2 =	por !p2, p0  }
0x20: {  	[sflag:s8] =	ssyncset.s32 @!p0 $0xFFFFF086;
	s6 =	sadd.s32 @!p0 s3, s7;
	s7 =	simm.s32 @!p0 $0x108  }
0x21: {  	s3 =	sadd.s32 s3, s9;
	s6 =	sadd.s32 @!p0 $0x88, s6;
	s7 =	simm.s32 @p2 $0x1082  }
0x22: {  	[simem:s7], [sflag:s8] =	dma.local @!p0 [hbm:s6], $0xF7A  }
0x23: {  	s9 =	sor.u32 $0xD0000000, s2;
	s6 =	simm.s32 $0x108;
	_ =	swait.ge @!p0 [sflag:s8], $0x0  }
0x24: {  	s3 =	sadd.s32 $0x88, s3;
	s6 =	simm.s32 @!p1 $0x1082;
	[sflag:s4] =	ssyncset.s32 $0xFFFFF086  }
0x25: {  	[simem:s6], [sflag:s4] =	dma.local [hbm:s3], $0xF7A  }
0x26: {  	[smem:$0x3F9E] =	sst s1;
	(tag) =	ssettag s2;
	_ =	strace s9  }
0x27: {  	s1 =	sld [smem:$0x3FAE]  }
0x28: {  	s2 =	sld [smem:$0x3FAF]  }
0x29: {  	s4 =	sld [smem:$0x3FB1]  }
0x2a: {  	p0 =	seq.s32 s5, $0x0;
	s5 =	sld [smem:$0x3FB2]  }
0x2b: {  	s6 =	sld [smem:$0x3FB3]  }
0x2c: {  	s7 =	sld [smem:$0x3FB4]  }
0x2d: {  	s3 =	simm.s32 $0x108;
	s8 =	sld [smem:$0x3FB5]  }
0x2e: {  	s3 =	simm.s32 @!p0 $0x1082;
	s9 =	sld [smem:$0x3FB6]  }
0x2f: {  	lr =	sadd.s32 s0, s3;
	s0 =	sld [smem:$0x3FAD]  }
0x30: {  	s3 =	sld [smem:$0x3FB0]  }
0x31: {  	[smem:$0x3FB9] =	sst s10  }
0x32: {  	s10 =	sld [smem:$0x3FB7];
	_ =	sdelay $0x3  }
0x33: {  	p0 =	seq.s32 s10, $0x1;
	s10 =	sld [smem:$0x3FB9];
	_ =	sdelay $0x3  }
0x34: {  	[smem:$0x3FB9] =	sst s10  }
0x35: {  	s10 =	sld [smem:$0x3FB8];
	_ =	sdelay $0x3  }
0x36: {  	p1 =	seq.s32 s10, $0x1;
	s10 =	sld [smem:$0x3FB9];
	_ =	sdelay $0x3  }
0x37: {  	[smem:$0x3FB9] =	sst s10  }
0x38: {  	s10 =	sld [smem:$0x3FBA]  }
0x39: {  	_ = 	snop;
	(pc) =	sbr.ind lr, $3  }
0x3a: {  	_ = 	snop  }
0x3b: {  	_ = 	snop  }
0x3c: {  	p2 =	seq.s32 s10, $0x1;
	s10 =	sld [smem:$0x3FB9]  }
0x3d: {  	_ =	shalt  }
0x3e: {  	_ =	shalt  }
0x3f: {  	_ =	shalt  }
0x40: {  	_ =	shalt  }
0x41: {  	_ =	shalt  }
0x42: {  	_ =	shalt  }
0x43: {  	_ =	shalt  }
0x44: {  	_ =	shalt  }
0x45: {  	_ =	shalt  }
0x46: {  	_ =	shalt  }
0x47: {  	_ =	shalt  }
0x48: {  	_ =	shalt  }
0x49: {  	_ =	shalt  }
0x4a: {  	_ =	shalt  }
0x4b: {  	_ =	shalt  }
0x4c: {  	_ =	shalt  }
0x4d: {  	_ =	shalt  }
0x4e: {  	_ =	shalt  }
0x4f: {  	_ =	shalt  }
0x50: {  	_ =	shalt  }
0x51: {  	_ =	shalt  }
0x52: {  	_ =	shalt  }
0x53: {  	_ =	shalt  }
0x54: {  	_ =	shalt  }
0x55: {  	_ =	shalt  }
0x56: {  	_ =	shalt  }
0x57: {  	_ =	shalt  }
0x58: {  	_ =	shalt  }
0x59: {  	_ =	shalt  }
0x5a: {  	_ =	shalt  }
0x5b: {  	_ =	shalt  }
0x5c: {  	_ =	shalt  }
0x5d: {  	_ =	shalt  }
0x5e: {  	_ =	shalt  }
0x5f: {  	_ =	shalt  }
0x60: {  	_ =	shalt  }
0x61: {  	_ =	shalt  }
0x62: {  	_ =	shalt  }
0x63: {  	_ =	shalt  }
0x64: {  	_ =	shalt  }
0x65: {  	_ =	shalt  }
0x66: {  	_ =	shalt  }
0x67: {  	_ =	shalt  }
0x68: {  	_ =	shalt  }
0x69: {  	_ =	shalt  }
0x6a: {  	_ =	shalt  }
0x6b: {  	_ =	shalt  }
0x6c: {  	_ =	shalt  }
0x6d: {  	_ =	shalt  }
0x6e: {  	_ =	shalt  }
0x6f: {  	_ =	shalt  }
0x70: {  	_ =	shalt  }
0x71: {  	_ =	shalt  }
0x72: {  	_ =	shalt  }
0x73: {  	_ =	shalt  }
0x74: {  	_ =	shalt  }
0x75: {  	_ =	shalt  }
0x76: {  	_ =	shalt  }
0x77: {  	_ =	shalt  }
0x78: {  	_ =	shalt  }
0x79: {  	_ =	shalt  }
0x7a: {  	_ =	shalt  }
0x7b: {  	_ =	shalt  }
0x7c: {  	_ =	shalt  }
0x7d: {  	_ =	shalt  }
0x7e: {  	_ =	shalt  }
0x7f: {  	_ =	shalt  }
0x80: {  	_ =	shalt  }
0x81: {  	_ =	shalt  }
0x82: {  	_ =	shalt  }
0x83: {  	_ =	shalt  }
0x84: {  	_ =	shalt  }
0x85: {  	_ =	shalt  }
0x86: {  	_ =	shalt  }
0x87: {  	_ =	shalt  }
.Lfunc_end0:
.L_simem_size_0:
called_computation_lowered:
.L_overlay_start_0:
0x88: {  	s2 =	sld [smem:$0x3FD9]  }
0x89: {  	s3 =	sld [smem:$0x3FFE];
	_ =	sdelay $0x1  }
0x8a: {  	s1 =	srdreg.scid  }
0x8b: {  	s0 =	sand.u32 $0x1, s1  }
0x8c: {  	s17 =	sshll.u32 s0, $0xA;
	s2 =	sadd.s32 s3, s2  }
0x8d: {  	s2 =	sadd.s32 s2, s17  }
0x8e: {  	[smem:$0x3FC5] =	sst s2  }
0x8f: {  	_ = 	snop  }
0x90: {  	s2 =	sld [smem:$0x3FD0];
	(tm) =	ssettm $0x1  }
0x91: {  	s18 =	sld [smem:$0x3FFB];
	_ =	sdelay $0x3  }
0x92: {  	_ =	strace s18  }
0x93: {  	s3 =	sld [smem:$0x3FFC];
	_ =	sdelay $0x3  }
0x94: {  	_ =	strace s3  }
0x95: {  	s3 =	sld [smem:$0x3FFD];
	_ =	sdelay $0x3  }
0x96: {  	_ =	strace s3  }
0x97: {  	_ =	strace $0x8FFFFFFF  }
0x98: {  	s19 =	sld [smem:$0x3FDB];
	_ =	sdelay $0x1  }
0x99: {  	s4 =	simm.s32 $_scs_section_size  }
0x9a: {  	s5 =	simm.s32 $_size__tile_overlayer_lowered;
	s6 =	simm.s32 $_tile_overlayer_lowered  }
0x9b: {  	s22 =	simm.s32 $0x1BFF;
	s21 =	sshll.u32 s6, $0x1;
	s3 =	sadd.s32 s4, s19  }
0x9c: {  	s7 =	simm.s32 $0x0;
	s20 =	sshll.u32 s5, $0x1;
	s5 =	sadd.s32 s21, s3  }
0x9d: {  	[timem:s7], [sflag:s22] =	dma.local [hbm:s5], s20  }
0x9e: {  	_ =	swait.ge [sflag:s22], s20  }
0x9f: {  	s4 =	ssub.s32 $0x0, s20;
	[sflag:s22] =	ssyncset.done $0x0  }
0xa0: {  	[sflag:s22] =	ssyncadd.s32 s4;
	_ =	sdelay $0x1  }
0xa1: {  	s23 =	simm.s32 $0x1B8B  }
0xa2: {  	_ =	swait.ge [sflag:s23], $0x1  }
0xa3: {  	[sflag:s23] =	ssyncset.done $0x0  }
0xa4: {  	s25 =	simm.s32 $0x1B8E;
	s24 =	sld [smem:$0x3FFE];
	[sflag:s23] =	ssyncadd.s32 $0xFFFFFFFF  }
0xa5: {  	s26 =	simm.s32 $execute0_lowered;
	[smem:$0x3FD2] =	sst s25  }
0xa6: {  	s5 =	sshll.u32 s26, $0x1;
	_ =	strace $0x80000046;
	[dreg:$0x1] =	wrdreg $0xFFFFFFFF  }
0xa7: {  	s28 =	simm.s32 $_size_execute0_lowered;
	s3 =	sadd.s32 s3, s5;
	[dreg:$0x0] =	wrdreg $0x0  }
0xa8: {  	s5 =	sshll.u32 s28, $0x1;
	[dreg:$0x2] =	wrdreg s3  }
0xa9: {  	[dreg:$0x3] =	wrdreg s5  }
0xaa: {  	[dreg:$0x4] =	wrdreg $0xC0  }
0xab: {  	_ =	task [dreg:s7], $0x5FFFF  }
0xac: {  	[dreg:$0x1] =	wrdreg $0xFFFFFFFF  }
0xad: {  	[dreg:$0x0] =	wrdreg $0x60  }
0xae: {  	[dreg:$0x2] =	wrdreg s2  }
0xaf: {  	[dreg:$0x3] =	wrdreg s24  }
0xb0: {  	[dreg:$0x4] =	wrdreg $0xB8000  }
0xb1: {  	[dreg:$0x5] =	wrdreg $0x9  }
0xb2: {  	_ =	task.clear_ibuf [dreg:s7], $0x6FFFF;
	_ =	strace $0x90000046  }
0xb3: {  	s29 =	simm.s32 $0x9;
	_ =	strace $0x80000048  }
0xb4: {  	_ =	swait.ge [sflag:s29], $0x1  }
0xb5: {  	[sflag:s29] =	ssyncadd.s32 $0xFFFFFFFF  }
0xb6: {  	_ =	strace $0x90000048  }
0xb7: {  	_ =	sfence  }
0xb8: {  	s30 =	sld [smem:$0x0];
	_ =	sdelay $0x2  }
0xb9: {  	s31 =	sshll.u32 s1, $0xD;
	s1 =	sshrl.u32 s1, $0x2  }
0xba: {  	s3 =	sand.u32 $0x4000, s31;
	s1 =	sadd.s32 s1, s30  }
0xbb: {  	s0 =	sor.u32 s3, s0;
	s1 =	sshll.u32 s1, $0x11  }
0xbc: {  	s0 =	sor.u32 s1, s0  }
0xbd: {  	s0 =	sadd.s32 $0x8F2B, s0  }
0xbe: {  	[sflag:s0] =	ssyncadd.remote.s32 $0x1  }
0xbf: {  	_ =	sfence.sel $0xFFFF  }
0xc0: {  	[dreg:$0x0] =	wrdreg $0xFFFFFFFF;
	(pc) =	sbr.abs _section_cstart, $3  }
0xc1: {  	[dreg:$0x1] =	wrdreg $0xFFFFFFFF  }
0xc2: {  	_ =	task.clear_ibuf [dreg:s7], $0x2FFFF;
	_ =	strace $0x9FFFFFFF  }
0xc3: {  	(tm) =	ssettm $0x7FFFFFFF  }
tec
execute0_lowered:
.L_overlay_start_1:
0x0: {  	(tag) =	ssettag $0x1  }
0x1: {  	s2 =	rddreg [dreg:$0x0]  }
0x2: {  	s0 =	rddreg [dreg:$0x1]  }
0x3: {  	s14 =	rddreg [dreg:$0x2]  }
0x4: {  	s3 =	srdreg.scid;
	s12 =	stileid.u32  }
0x5: {  	s4 =	simm.s32 $0x0;
	s7 =	sand.u32 $0x1, s3;
	s5 =	smul.u32 $0x14000, s12  }
0x6: {  	[smem:$0x7FF] =	sst s4;
	s3 =	smul.u32 $0x140000, s7;
	s6 =	sshll.u32 s7, $0x4  }
0x7: {  	s8 =	ssub.s32 $0x2, s7;
	s7 =	smul.u32 $0x27100, s7;
	s17 =	sor.u32 s12, s6  }
0x8: {  	_ =	strace $0x80000047;
	s3 =	sadd.s32 s5, s3;
	s6 =	smul.u32 $0x2710, s17  }
0x9: {  	s9 =	sshrl.u32 s8, $0x1;
	s5 =	sadd.s32 $0xC00, s0;
	s3 =	sshrl.u32 s3, $0x3  }
0xa: {  	s0 =	sadd.s32 s3, s0;
	s3 =	ssub.s32 s8, s9;
	s18 =	sshrl.u32 s6, $0x3  }
0xb: {  	s19 =	sadd.s32 $0x28, s6;
	s10 =	sadd.s32 $0x4E228, s6;
	s0 =	sadd.s32 $0x14600, s0  }
0xc: {  	s26 =	sadd.s32 $0x78, s6;
	s13 =	sadd.s32 s5, s18;
	[smem:$0x7E6] =	sst s0  }
0xd: {  	s20 =	sshrl.u32 s19, $0x3;
	s22 =	sadd.s32 $0x9C40, s13;
	[dreg:$0x14] =	wrdreg s13  }
0xe: {  	s21 =	sshrl.u32 s10, $0x3;
	s8 =	sadd.s32 s5, s20;
	[dreg:$0x15] =	wrdreg s22  }
0xf: {  	s1 =	sadd.s32 $0x4E278, s6;
	s23 =	sadd.s32 s5, s21;
	[dreg:$0x16] =	wrdreg s8  }
0x10: {  	s16 =	sadd.s32 $0xC8, s6;
	s24 =	sadd.s32 $0xA, s13;
	[dreg:$0x17] =	wrdreg s23  }
0x11: {  	s9 =	sshrl.u32 s1, $0x3;
	s25 =	sadd.s32 $0x9C4A, s13;
	[dreg:$0x18] =	wrdreg s24  }
0x12: {  	s10 =	smul.u32 $0x2710, s12;
	s11 =	sadd.s32 $0x14, s13;
	[dreg:$0x19] =	wrdreg s25  }
0x13: {  	s15 =	sadd.s32 $0x9C54, s13;
	s8 =	sshrl.u32 s26, $0x3;
	[dreg:$0x1c] =	wrdreg s11  }
0x14: {  	[dreg:$0x1d] =	wrdreg s15;
	s11 =	sadd.s32 $0x4E2C8, s6;
	s8 =	sadd.s32 s5, s8  }
0x15: {  	s18 =	sshrl.u32 s11, $0x3;
	[dreg:$0x1a] =	wrdreg s8;
	s8 =	sadd.s32 s5, s9  }
0x16: {  	s17 =	sshrl.u32 s16, $0x3;
	s20 =	sadd.s32 s5, s18;
	[dreg:$0x1b] =	wrdreg s8  }
0x17: {  	s8 =	sadd.s32 s10, s7;
	s7 =	sadd.s32 s5, s17;
	[dreg:$0x1f] =	wrdreg s20  }
0x18: {  	s19 =	sadd.s32 $0x2A8, s8;
	[dreg:$0x1e] =	wrdreg s7  }
0x19: {  	s7 =	smul.u32 $0x50000, s12;
	s22 =	sadd.s32 $0x4E4A8, s8;
	s24 =	sadd.s32 $0x280, s8  }
0x1a: {  	s25 =	sadd.s32 $0x4E480, s8;
	s11 =	sadd.s32 $0x258, s8;
	s15 =	sadd.s32 $0x4E458, s8  }
0x1b: {  	s16 =	sadd.s32 $0x230, s8;
	s20 =	sadd.s32 $0x4E430, s8;
	s21 =	sshrl.u32 s19, $0x3  }
0x1c: {  	s23 =	sshrl.u32 s22, $0x3;
	s10 =	sshrl.u32 s24, $0x3;
	s1 =	sshrl.u32 s25, $0x3  }
0x1d: {  	s12 =	sshrl.u32 s11, $0x3;
	s18 =	sshrl.u32 s16, $0x3;
	s9 =	sadd.s32 s21, s5  }
0x1e: {  	s22 =	sadd.s32 $0x208, s8;
	s26 =	sadd.s32 s10, s5;
	[dreg:$0x4] =	wrdreg s9  }
0x1f: {  	s10 =	sadd.s32 s1, s5;
	s19 =	sadd.s32 s18, s5;
	[dreg:$0x6] =	wrdreg s26  }
0x20: {  	s21 =	sshrl.u32 s20, $0x3;
	s1 =	sadd.s32 $0x1E0, s8;
	[dreg:$0x7] =	wrdreg s10  }
0x21: {  	s9 =	sadd.s32 s23, s5;
	s10 =	sshrl.u32 s15, $0x3;
	[dreg:$0xa] =	wrdreg s19  }
0x22: {  	s23 =	sadd.s32 $0x4E408, s8;
	s11 =	sshrl.u32 s1, $0x3;
	s15 =	sadd.s32 $0x118, s6  }
0x23: {  	s19 =	sadd.s32 $0x4E3B8, s8;
	s1 =	smax.u32 s3, $0x1;
	[dreg:$0x5] =	wrdreg s9  }
0x24: {  	s9 =	sadd.s32 s12, s5;
	s17 =	sadd.s32 s10, s5;
	[smem:$0x7E7] =	sst s1  }
0x25: {  	s10 =	sshrl.u32 s22, $0x3;
	s25 =	sshrl.u32 s23, $0x3;
	[dreg:$0x8] =	wrdreg s9  }
0x26: {  	s12 =	sadd.s32 $0x4E3E0, s8;
	[dreg:$0x9] =	wrdreg s17;
	s9 =	sadd.s32 s21, s5  }
0x27: {  	s22 =	sadd.s32 $0x4E318, s6;
	s24 =	sadd.s32 s10, s5;
	[dreg:$0xb] =	wrdreg s9  }
0x28: {  	s23 =	sadd.s32 $0x168, s6;
	s26 =	sadd.s32 s25, s5;
	[dreg:$0xc] =	wrdreg s24  }
0x29: {  	s6 =	sadd.s32 $0x4E368, s6;
	s25 =	sadd.s32 $0x9C5E, s13;
	[dreg:$0xd] =	wrdreg s26  }
0x2a: {  	s10 =	sshrl.u32 s12, $0x3;
	s9 =	sadd.s32 s11, s5;
	[smem:$0x7E5] =	sst s25  }
0x2b: {  	s6 =	sshrl.u32 s6, $0x3;
	s16 =	sadd.s32 s10, s5;
	[dreg:$0xe] =	wrdreg s9  }
0x2c: {  	s17 =	sadd.s32 $0x1B8, s8;
	s6 =	sadd.s32 s5, s6;
	[dreg:$0xf] =	wrdreg s16  }
0x2d: {  	s21 =	sadd.s32 $0x190, s8;
	s24 =	sadd.s32 $0x1E, s13;
	[smem:$0x7E3] =	sst s6  }
0x2e: {  	s18 =	sshrl.u32 s17, $0x3;
	s25 =	sadd.s32 $0x28, s13;
	[smem:$0x7E4] =	sst s24  }
0x2f: {  	s10 =	sshrl.u32 s19, $0x3;
	s9 =	sadd.s32 s18, s5;
	[smem:$0x7FB] =	sst s25  }
0x30: {  	s11 =	sshrl.u32 s15, $0x3;
	s20 =	sadd.s32 s10, s5;
	[dreg:$0x10] =	wrdreg s9  }
0x31: {  	s26 =	sshrl.u32 s7, $0x2;
	s11 =	sadd.s32 s5, s11;
	[dreg:$0x11] =	wrdreg s20  }
0x32: {  	s28 =	sadd.s32 s26, s14;
	s26 =	sadd.s32 $0x9C68, s13;
	[smem:$0x7E0] =	sst s11  }
0x33: {  	s10 =	sshrl.u32 s21, $0x3;
	[smem:$0x7FC] =	sst s26  }
0x34: {  	s10 =	sadd.s32 s10, s5;
	[smem:$0x7FD] =	sst s28  }
0x35: {  	s3 =	sadd.s32 $0x1000, s28;
	[dreg:$0x12] =	wrdreg s10  }
0x36: {  	s6 =	sadd.s32 $0x3000, s28;
	[smem:$0x7E8] =	sst s3  }
0x37: {  	s7 =	sadd.s32 $0x4000, s28;
	[smem:$0x7EA] =	sst s6  }
0x38: {  	s11 =	sadd.s32 $0x8000, s28;
	[smem:$0x7EB] =	sst s7  }
0x39: {  	s29 =	simm.s32 $0x180;
	s12 =	sadd.s32 $0x9000, s28;
	[smem:$0x7EF] =	sst s11  }
0x3a: {  	s30 =	simm.s32 $0x580;
	s15 =	sadd.s32 $0xA000, s28;
	[smem:$0x7F0] =	sst s12  }
0x3b: {  	s31 =	simm.s32 $0x19;
	s16 =	sadd.s32 $0xB000, s28;
	[smem:$0x7F1] =	sst s15  }
0x3c: {  	s0 =	simm.s32 $0x200;
	s17 =	sadd.s32 $0xC000, s28;
	[smem:$0x7F2] =	sst s16  }
0x3d: {  	s1 =	simm.s32 $0x8;
	s18 =	sadd.s32 $0xD000, s28;
	[smem:$0x7F3] =	sst s17  }
0x3e: {  	s8 =	sadd.s32 $0x4E390, s8;
	s19 =	sadd.s32 $0xE000, s28;
	[smem:$0x7F4] =	sst s18  }
0x3f: {  	s8 =	sshrl.u32 s8, $0x3;
	s20 =	sadd.s32 $0xF000, s28;
	[smem:$0x7F5] =	sst s19  }
0x40: {  	s25 =	simm.s32 $0x500;
	s21 =	sadd.s32 $0x10000, s28;
	[smem:$0x7F6] =	sst s20  }
0x41: {  	s9 =	sshrl.u32 s22, $0x3;
	s22 =	sadd.s32 $0x11000, s28;
	[smem:$0x7F7] =	sst s21  }
0x42: {  	s13 =	simm.s32 $0x300;
	s24 =	sadd.s32 $0x13000, s28;
	[smem:$0x7F8] =	sst s22  }
0x43: {  	s9 =	sadd.s32 s5, s9;
	s10 =	sadd.s32 $0x7000, s28;
	[smem:$0x7FA] =	sst s24  }
0x44: {  	s20 =	simm.s32 $0x400;
	s22 =	simm.s32 $0x80;
	s24 =	simm.s32 $0x480  }
0x45: {  	s3 =	simm.s32 $0x600;
	s6 =	simm.s32 $0x280;
	s11 =	simm.s32 $0x680  }
0x46: {  	s15 =	simm.s32 $0x700;
	s12 =	simm.s32 $0x3;
	s17 =	simm.s32 $0x3000  }
0x47: {  	s16 =	simm.s32 $0x4;
	s19 =	simm.s32 $0x5800;
	[smem:$0x7E1] =	sst s9  }
0x48: {  	s9 =	sshrl.u32 s23, $0x3;
	[smem:$0x7EE] =	sst s10;
	s23 =	sadd.s32 $0x12000, s28  }
0x49: {  	s18 =	simm.s32 $0x6;
	s9 =	sadd.s32 s5, s9;
	[smem:$0x7F9] =	sst s23  }
0x4a: {  	s21 =	simm.s32 $0x7;
	s5 =	sadd.s32 s8, s5;
	[smem:$0x7E2] =	sst s9  }
0x4b: {  	s10 =	simm.s32 $0x28;
	s8 =	sadd.s32 $0x5000, s28;
	[dreg:$0x13] =	wrdreg s5  }
0x4c: {  	s23 =	simm.s32 $0x6C00;
	s5 =	sadd.s32 $0x2000, s28;
	[smem:$0x7EC] =	sst s8  }
0x4d: {  	s9 =	sadd.s32 $0x6000, s28;
	s8 =	simm.s32 $0x0;
	[smem:$0x7E9] =	sst s5  }
0x4e: {  	v0 =	vimm.f32 $0.0e+00;
	[smem:$0x7ED] =	sst s9;
	s9 =	simm.s32 $0x1;
	s5 =	simm.s32 $0x5  }
.LBB2_1:
0x4f: {  	[smem:$0x7DF] =	sst s8  }
0x50: {  	s7 =	rddreg [dreg:$0x14]  }
0x51: {  	s8 =	rddreg [dreg:$0x15]  }
0x52: {  	[tilespmem:s4], [sflag:$0x1] =	stream.linear.gather [hbm4b:s7+s4], $0x28, $0x38;
	[tilespmem:$0x1F800] =	vst v63  }
0x53: {  	s26 =	rddreg [dreg:$0x16]  }
0x54: {  	[tilespmem:s20], [sflag:$0x1] =	stream.linear.gather [hbm4b:s8+s4], $0x28, $0x38;
	[tilespmem:$0x1F800] =	vst v63  }
0x55: {  	s8 =	rddreg [dreg:$0x17]  }
0x56: {  	[tilespmem:s22], [sflag:$0x2] =	stream.linear.gather [hbm4b:s26+s4], $0x28, $0x38;
	[tilespmem:$0x1F800] =	vst v63  }
0x57: {  	s20 =	rddreg [dreg:$0x18]  }
0x58: {  	[tilespmem:s24], [sflag:$0x2] =	stream.linear.gather [hbm4b:s8+s4], $0x28, $0x38;
	[tilespmem:$0x1F800] =	vst v63  }
0x59: {  	s22 =	rddreg [dreg:$0x19];
	s24 =	simm.s32 $0x100  }
0x5a: {  	[tilespmem:s24], [sflag:$0x3] =	stream.linear.gather [hbm4b:s20+s4], $0x28, $0x38;
	[tilespmem:$0x1F800] =	vst v63  }
0x5b: {  	s26 =	rddreg [dreg:$0x1b]  }
0x5c: {  	[tilespmem:s25], [sflag:$0x3] =	stream.linear.gather [hbm4b:s22+s4], $0x28, $0x38;
	[tilespmem:$0x1F800] =	vst v63  }
0x5d: {  	s25 =	rddreg [dreg:$0x1a]  }
0x5e: {  	[tilespmem:s29], [sflag:$0x4] =	stream.linear.gather [hbm4b:s25+s4], $0x28, $0x38;
	[tilespmem:$0x1F800] =	vst v63  }
0x5f: {  	s8 =	rddreg [dreg:$0x1c]  }
0x60: {  	[tilespmem:s30], [sflag:$0x4] =	stream.linear.gather [hbm4b:s26+s4], $0x28, $0x38;
	[tilespmem:$0x1F800] =	vst v63  }
0x61: {  	s20 =	rddreg [dreg:$0x1d]  }
0x62: {  	[tilespmem:s0], [sflag:$0x5] =	stream.linear.gather [hbm4b:s8+s4], $0x28, $0x38;
	[tilespmem:$0x1F800] =	vst v63  }
0x63: {  	s22 =	rddreg [dreg:$0x1e]  }
0x64: {  	[tilespmem:s3], [sflag:$0x5] =	stream.linear.gather [hbm4b:s20+s4], $0x28, $0x38;
	[tilespmem:$0x1F800] =	vst v63  }
0x65: {  	s25 =	rddreg [dreg:$0x1f]  }
0x66: {  	[tilespmem:s6], [sflag:$0x6] =	stream.linear.gather [hbm4b:s22+s4], $0x28, $0x38;
	[tilespmem:$0x1F800] =	vst v63  }
0x67: {  	s26 =	sld [smem:$0x7E4]  }
0x68: {  	[tilespmem:s11], [sflag:$0x6] =	stream.linear.gather [hbm4b:s25+s4], $0x28, $0x38;
	[tilespmem:$0x1F800] =	vst v63  }
0x69: {  	s30 =	sld [smem:$0x7E5]  }
0x6a: {  	[tilespmem:s13], [sflag:$0x7] =	stream.linear.gather [hbm4b:s26+s4], $0x28, $0x38;
	[tilespmem:$0x1F800] =	vst v63  }
0x6b: {  	s20 =	simm.s32 $0x0;
	s22 =	simm.s32 $0x200  }
0x6c: {  	[tilespmem:s15], [sflag:$0x7] =	stream.linear.gather [hbm4b:s30+s4], $0x28, $0x38;
	[tilespmem:$0x1F800] =	vst v63  }
.LBB2_2:
0x6d: {  	p0 =	sne.s32 s22, $0x3E00;
	[tilespmem:s20+$0xA870] =	vst v0  }
0x6e: {  	[tilespmem:s20+$0xA800] =	vst v0  }
0x6f: {  	[tilespmem:s20+$0xA810] =	vst v0  }
.Ltmp0:
0x70: {  	[tilespmem:s20+$0xA820] =	vst v0;
	(pc) =	sbr.rel @p0 .LBB2_2-.Ltmp0, $4  }
0x71: {  	[tilespmem:s20+$0xA830] =	vst v0  }
0x72: {  	[tilespmem:s20+$0xA840] =	vst v0  }
0x73: {  	[tilespmem:s20+$0xA850] =	vst v0  }
0x74: {  	[tilespmem:s20+$0xA860] =	vst v0;
	s20 =	sshra.s32 s22, $0x2;
	s22 =	sadd.s32 $0x200, s22  }
0x75: {  	[tilespmem:s20+$0xA870] =	vst v0  }
0x76: {  	[tilespmem:s20+$0xA800] =	vst v0  }
0x77: {  	[tilespmem:s20+$0xA810] =	vst v0  }
0x78: {  	[tilespmem:s20+$0xA820] =	vst v0  }
0x79: {  	[tilespmem:s20+$0xA830] =	vst v0  }
0x7a: {  	[tilespmem:s20+$0xA840] =	vst v0  }
0x7b: {  	[tilespmem:s20+$0xA850] =	vst v0  }
0x7c: {  	[tilespmem:s20+$0xA860] =	vst v0;
	s3 =	simm.s32 $0xA800  }
0x7d: {  	[spmem:s28] =	stream.linear.scatter [tilespmem:s3], [sflag:$0x19], $0x1000, $0x38;
	[tilespmem:$0x1F800] =	vst v63  }
0x7e: {  	_ =	swait.ge [sflag:s31], $0x1000  }
0x7f: {  	s7 =	sld [smem:$0x7E8]  }
0x80: {  	[sflag:s31] =	ssyncset.done $0x0  }
0x81: {  	[sflag:s31] =	ssyncadd.s32 $0xFFFFF000  }
0x82: {  	[spmem:s7] =	stream.linear.scatter [tilespmem:s3], [sflag:$0x19], $0x1000, $0x38;
	[tilespmem:$0x1F800] =	vst v63  }
0x83: {  	_ =	swait.ge [sflag:s31], $0x1000  }
0x84: {  	s8 =	sld [smem:$0x7E9]  }
0x85: {  	[sflag:s31] =	ssyncset.done $0x0  }
0x86: {  	[sflag:s31] =	ssyncadd.s32 $0xFFFFF000  }
0x87: {  	[spmem:s8] =	stream.linear.scatter [tilespmem:s3], [sflag:$0x19], $0x1000, $0x38;
	[tilespmem:$0x1F800] =	vst v63  }
0x88: {  	_ =	swait.ge [sflag:s31], $0x1000  }
0x89: {  	s11 =	sld [smem:$0x7EA]  }
0x8a: {  	[sflag:s31] =	ssyncset.done $0x0  }
0x8b: {  	[sflag:s31] =	ssyncadd.s32 $0xFFFFF000  }
0x8c: {  	[spmem:s11] =	stream.linear.scatter [tilespmem:s3], [sflag:$0x19], $0x1000, $0x38;
	[tilespmem:$0x1F800] =	vst v63  }
0x8d: {  	_ =	swait.ge [sflag:s31], $0x1000  }
0x8e: {  	s15 =	sld [smem:$0x7EB]  }
0x8f: {  	[sflag:s31] =	ssyncset.done $0x0  }
0x90: {  	[sflag:s31] =	ssyncadd.s32 $0xFFFFF000  }
0x91: {  	[spmem:s15] =	stream.linear.scatter [tilespmem:s3], [sflag:$0x19], $0x1000, $0x38;
	[tilespmem:$0x1F800] =	vst v63  }
0x92: {  	_ =	swait.ge [sflag:s31], $0x1000  }
0x93: {  	s20 =	sld [smem:$0x7EC]  }
0x94: {  	[sflag:s31] =	ssyncset.done $0x0  }
0x95: {  	[sflag:s31] =	ssyncadd.s32 $0xFFFFF000  }
0x96: {  	[spmem:s20] =	stream.linear.scatter [tilespmem:s3], [sflag:$0x19], $0x1000, $0x38;
	[tilespmem:$0x1F800] =	vst v63  }
0x97: {  	_ =	swait.ge [sflag:s31], $0x1000  }
0x98: {  	s22 =	sld [smem:$0x7ED]  }
0x99: {  	[sflag:s31] =	ssyncset.done $0x0  }
0x9a: {  	[sflag:s31] =	ssyncadd.s32 $0xFFFFF000  }
0x9b: {  	[spmem:s22] =	stream.linear.scatter [tilespmem:s3], [sflag:$0x19], $0x1000, $0x38;
	[tilespmem:$0x1F800] =	vst v63  }
0x9c: {  	_ =	swait.ge [sflag:s31], $0x1000  }
0x9d: {  	s25 =	sld [smem:$0x7EE]  }
0x9e: {  	[sflag:s31] =	ssyncset.done $0x0  }
0x9f: {  	[sflag:s31] =	ssyncadd.s32 $0xFFFFF000  }
0xa0: {  	[spmem:s25] =	stream.linear.scatter [tilespmem:s3], [sflag:$0x19], $0x1000, $0x38;
	[tilespmem:$0x1F800] =	vst v63  }
0xa1: {  	_ =	swait.ge [sflag:s31], $0x1000  }
0xa2: {  	s26 =	sld [smem:$0x7EF]  }
0xa3: {  	[sflag:s31] =	ssyncset.done $0x0  }
0xa4: {  	[sflag:s31] =	ssyncadd.s32 $0xFFFFF000  }
0xa5: {  	[spmem:s26] =	stream.linear.scatter [tilespmem:s3], [sflag:$0x19], $0x1000, $0x38;
	[tilespmem:$0x1F800] =	vst v63  }
0xa6: {  	_ =	swait.ge [sflag:s31], $0x1000  }
0xa7: {  	s30 =	sld [smem:$0x7F0]  }
0xa8: {  	[sflag:s31] =	ssyncset.done $0x0  }
0xa9: {  	[sflag:s31] =	ssyncadd.s32 $0xFFFFF000  }
0xaa: {  	[spmem:s30] =	stream.linear.scatter [tilespmem:s3], [sflag:$0x19], $0x1000, $0x38;
	[tilespmem:$0x1F800] =	vst v63  }
0xab: {  	_ =	swait.ge [sflag:s31], $0x1000  }
0xac: {  	s8 =	sld [smem:$0x7F1]  }
0xad: {  	[sflag:s31] =	ssyncset.done $0x0  }
0xae: {  	[sflag:s31] =	ssyncadd.s32 $0xFFFFF000  }
0xaf: {  	[spmem:s8] =	stream.linear.scatter [tilespmem:s3], [sflag:$0x19], $0x1000, $0x38;
	[tilespmem:$0x1F800] =	vst v63  }
0xb0: {  	_ =	swait.ge [sflag:s31], $0x1000  }
0xb1: {  	s11 =	sld [smem:$0x7F2]  }
0xb2: {  	[sflag:s31] =	ssyncset.done $0x0  }
0xb3: {  	[sflag:s31] =	ssyncadd.s32 $0xFFFFF000  }
0xb4: {  	[spmem:s11] =	stream.linear.scatter [tilespmem:s3], [sflag:$0x19], $0x1000, $0x38;
	[tilespmem:$0x1F800] =	vst v63  }
0xb5: {  	_ =	swait.ge [sflag:s31], $0x1000  }
0xb6: {  	s15 =	sld [smem:$0x7F3]  }
0xb7: {  	[sflag:s31] =	ssyncset.done $0x0  }
0xb8: {  	[sflag:s31] =	ssyncadd.s32 $0xFFFFF000  }
0xb9: {  	[spmem:s15] =	stream.linear.scatter [tilespmem:s3], [sflag:$0x19], $0x1000, $0x38;
	[tilespmem:$0x1F800] =	vst v63  }
0xba: {  	_ =	swait.ge [sflag:s31], $0x1000  }
0xbb: {  	s20 =	sld [smem:$0x7F4]  }
0xbc: {  	[sflag:s31] =	ssyncset.done $0x0  }
0xbd: {  	[sflag:s31] =	ssyncadd.s32 $0xFFFFF000  }
0xbe: {  	[spmem:s20] =	stream.linear.scatter [tilespmem:s3], [sflag:$0x19], $0x1000, $0x38;
	[tilespmem:$0x1F800] =	vst v63  }
0xbf: {  	_ =	swait.ge [sflag:s31], $0x1000  }
0xc0: {  	s22 =	sld [smem:$0x7F5]  }
0xc1: {  	[sflag:s31] =	ssyncset.done $0x0  }
0xc2: {  	[sflag:s31] =	ssyncadd.s32 $0xFFFFF000  }
0xc3: {  	[spmem:s22] =	stream.linear.scatter [tilespmem:s3], [sflag:$0x19], $0x1000, $0x38;
	[tilespmem:$0x1F800] =	vst v63  }
0xc4: {  	_ =	swait.ge [sflag:s31], $0x1000  }
0xc5: {  	s25 =	sld [smem:$0x7F6]  }
0xc6: {  	[sflag:s31] =	ssyncset.done $0x0  }
0xc7: {  	[sflag:s31] =	ssyncadd.s32 $0xFFFFF000  }
0xc8: {  	[spmem:s25] =	stream.linear.scatter [tilespmem:s3], [sflag:$0x19], $0x1000, $0x38;
	[tilespmem:$0x1F800] =	vst v63  }
0xc9: {  	_ =	swait.ge [sflag:s31], $0x1000  }
0xca: {  	s26 =	sld [smem:$0x7F7]  }
0xcb: {  	[sflag:s31] =	ssyncset.done $0x0  }
0xcc: {  	[sflag:s31] =	ssyncadd.s32 $0xFFFFF000  }
0xcd: {  	[spmem:s26] =	stream.linear.scatter [tilespmem:s3], [sflag:$0x19], $0x1000, $0x38;
	[tilespmem:$0x1F800] =	vst v63  }
0xce: {  	_ =	swait.ge [sflag:s31], $0x1000  }
0xcf: {  	s30 =	sld [smem:$0x7F8]  }
0xd0: {  	[sflag:s31] =	ssyncset.done $0x0  }
0xd1: {  	[sflag:s31] =	ssyncadd.s32 $0xFFFFF000  }
0xd2: {  	[spmem:s30] =	stream.linear.scatter [tilespmem:s3], [sflag:$0x19], $0x1000, $0x38;
	[tilespmem:$0x1F800] =	vst v63  }
0xd3: {  	_ =	swait.ge [sflag:s31], $0x1000  }
0xd4: {  	s8 =	sld [smem:$0x7F9]  }
0xd5: {  	[sflag:s31] =	ssyncset.done $0x0  }
0xd6: {  	[sflag:s31] =	ssyncadd.s32 $0xFFFFF000  }
0xd7: {  	[spmem:s8] =	stream.linear.scatter [tilespmem:s3], [sflag:$0x19], $0x1000, $0x38;
	[tilespmem:$0x1F800] =	vst v63  }
0xd8: {  	_ =	swait.ge [sflag:s31], $0x1000  }
0xd9: {  	s11 =	sld [smem:$0x7FA]  }
0xda: {  	[sflag:s31] =	ssyncset.done $0x0  }
0xdb: {  	[sflag:s31] =	ssyncadd.s32 $0xFFFFF000  }
0xdc: {  	[spmem:s11] =	stream.linear.scatter [tilespmem:s3], [sflag:$0x19], $0x1000, $0x38;
	[tilespmem:$0x1F800] =	vst v63  }
0xdd: {  	_ =	swait.ge [sflag:s31], $0x1000  }
0xde: {  	[sflag:s31] =	ssyncset.done $0x0  }
0xdf: {  	[sflag:s31] =	ssyncadd.s32 $0xFFFFF000  }
0xe0: {  	_ =	swait.ge [sflag:s9], $0x28  }
0xe1: {  	[sflag:s9] =	ssyncset.done $0x0  }
0xe2: {  	[sflag:s9] =	ssyncadd.s32 $0xFFFFFFD8  }
0xe3: {  	_ =	swait.ge [sflag:s9], $0x28  }
0xe4: {  	s28 =	simm.s32 $0x800;
	[sflag:s9] =	ssyncset.done $0x0  }
0xe5: {  	s20 =	simm.s32 $0x0;
	s26 =	simm.s32 $0x2;
	[sflag:s9] =	ssyncadd.s32 $0xFFFFFFD8  }
0xe6: {  	[tilespmem:s28], [sflag:$0x9] =	stream.indirect.gather [hbm4b:s2+s10], $0x80, s20, s10, $0xb8;
	[tilespmem:$0x1F800] =	vst v63  }
0xe7: {  	_ =	swait.ge [sflag:s26], $0x28  }
0xe8: {  	[sflag:s26] =	ssyncset.done $0x0  }
0xe9: {  	[sflag:s26] =	ssyncadd.s32 $0xFFFFFFD8  }
0xea: {  	_ =	swait.ge [sflag:s26], $0x28  }
0xeb: {  	[sflag:s26] =	ssyncset.done $0x0  }
0xec: {  	s15 =	simm.s32 $0x80;
	s22 =	simm.s32 $0x1C00;
	[sflag:s26] =	ssyncadd.s32 $0xFFFFFFD8  }
0xed: {  	[tilespmem:s22], [sflag:$0xA] =	stream.indirect.gather [hbm4b:s2+s10], $0x80, s15, s10, $0xb8;
	[tilespmem:$0x1F800] =	vst v63  }
0xee: {  	_ =	swait.ge [sflag:s12], $0x28  }
0xef: {  	[sflag:s12] =	ssyncset.done $0x0  }
0xf0: {  	[sflag:s12] =	ssyncadd.s32 $0xFFFFFFD8  }
0xf1: {  	_ =	swait.ge [sflag:s12], $0x28  }
0xf2: {  	[sflag:s12] =	ssyncset.done $0x0  }
0xf3: {  	[sflag:s12] =	ssyncadd.s32 $0xFFFFFFD8  }
0xf4: {  	[tilespmem:s17], [sflag:$0xB] =	stream.indirect.gather [hbm4b:s2+s10], $0x80, s24, s10, $0xb8;
	[tilespmem:$0x1F800] =	vst v63  }
0xf5: {  	_ =	swait.ge [sflag:s16], $0x28  }
0xf6: {  	[sflag:s16] =	ssyncset.done $0x0  }
0xf7: {  	[sflag:s16] =	ssyncadd.s32 $0xFFFFFFD8  }
0xf8: {  	_ =	swait.ge [sflag:s16], $0x28  }
0xf9: {  	[sflag:s16] =	ssyncset.done $0x0  }
0xfa: {  	s25 =	simm.s32 $0x4400;
	[sflag:s16] =	ssyncadd.s32 $0xFFFFFFD8  }
0xfb: {  	[tilespmem:s25], [sflag:$0xC] =	stream.indirect.gather [hbm4b:s2+s10], $0x80, s29, s10, $0xb8;
	[tilespmem:$0x1F800] =	vst v63  }
0xfc: {  	_ =	swait.ge [sflag:s5], $0x28  }
0xfd: {  	[sflag:s5] =	ssyncset.done $0x0  }
0xfe: {  	[sflag:s5] =	ssyncadd.s32 $0xFFFFFFD8  }
0xff: {  	_ =	swait.ge [sflag:s5], $0x28  }
0x100: {  	[sflag:s5] =	ssyncset.done $0x0  }
0x101: {  	[sflag:s5] =	ssyncadd.s32 $0xFFFFFFD8  }
0x102: {  	[tilespmem:s19], [sflag:$0xD] =	stream.indirect.gather [hbm4b:s2+s10], $0x80, s0, s10, $0xb8;
	[tilespmem:$0x1F800] =	vst v63  }
0x103: {  	_ =	swait.ge [sflag:s18], $0x28  }
0x104: {  	[sflag:s18] =	ssyncset.done $0x0  }
0x105: {  	[sflag:s18] =	ssyncadd.s32 $0xFFFFFFD8  }
0x106: {  	_ =	swait.ge [sflag:s18], $0x28  }
0x107: {  	[sflag:s18] =	ssyncset.done $0x0  }
0x108: {  	[sflag:s18] =	ssyncadd.s32 $0xFFFFFFD8  }
0x109: {  	[tilespmem:s23], [sflag:$0xE] =	stream.indirect.gather [hbm4b:s2+s10], $0x80, s6, s10, $0xb8;
	[tilespmem:$0x1F800] =	vst v63  }
0x10a: {  	s6 =	simm.s32 $0x9;
	[bflag:$0x0] =	sbarrier.arrive $0xFFFF  }
0x10b: {  	_ =	swait.ge [sflag:s6], $0x1400  }
0x10c: {  	[sflag:s6] =	ssyncset.done $0x0  }
0x10d: {  	s25 =	simm.s32 $0x400;
	s29 =	sld [smem:$0x7E0];
	[sflag:s6] =	ssyncadd.s32 $0xFFFFEC00  }
0x10e: {  	[spmem:s14] =	stream.indirect.scatter.add.f32 [tilespmem:s28], [sflag:$0x11], $0x80, s25, s10, $0xb8;
	[tilespmem:$0x1F800] =	vst v63  }
0x10f: {  	s30 =	simm.s32 $0x380;
	s11 =	sld [smem:$0x7E1]  }
0x110: {  	[tilespmem:s30], [sflag:$0x8] =	stream.linear.gather [hbm4b:s29+s20], $0x28, $0x38;
	[tilespmem:$0x1F800] =	vst v63  }
0x111: {  	s12 =	simm.s32 $0x780  }
0x112: {  	[tilespmem:s12], [sflag:$0x8] =	stream.linear.gather [hbm4b:s11+s20], $0x28, $0x38;
	[tilespmem:$0x1F800] =	vst v63  }
0x113: {  	_ =	swait.ge [sflag:s21], $0x28  }
0x114: {  	[sflag:s21] =	ssyncset.done $0x0  }
0x115: {  	[sflag:s21] =	ssyncadd.s32 $0xFFFFFFD8  }
0x116: {  	_ =	swait.ge [sflag:s21], $0x28  }
0x117: {  	[sflag:s21] =	ssyncset.done $0x0  }
0x118: {  	s8 =	simm.s32 $0xA;
	s15 =	simm.s32 $0x8000;
	[sflag:s21] =	ssyncadd.s32 $0xFFFFFFD8  }
0x119: {  	[tilespmem:s15], [sflag:$0xF] =	stream.indirect.gather [hbm4b:s2+s10], $0x80, s13, s10, $0xb8;
	[tilespmem:$0x1F800] =	vst v63  }
0x11a: {  	_ =	swait.ge [sflag:s8], $0x1400  }
0x11b: {  	s16 =	simm.s32 $0x480;
	[sflag:s8] =	ssyncset.done $0x0  }
0x11c: {  	s5 =	simm.s32 $0x1C00;
	s11 =	simm.s32 $0x11;
	[sflag:s8] =	ssyncadd.s32 $0xFFFFEC00  }
0x11d: {  	[spmem:s14] =	stream.indirect.scatter.add.f32 [tilespmem:s5], [sflag:$0x12], $0x80, s16, s10, $0xb8;
	[tilespmem:$0x1F800] =	vst v63  }
0x11e: {  	_ =	swait.ge [sflag:s11], $0x1400  }
0x11f: {  	s21 =	sld [smem:$0x7FB]  }
0x120: {  	[sflag:s11] =	ssyncset.done $0x0  }
0x121: {  	s22 =	sld [smem:$0x7FC];
	[sflag:s11] =	ssyncadd.s32 $0xFFFFEC00  }
0x122: {  	[tilespmem:s20], [sflag:$0x1] =	stream.linear.gather [hbm4b:s21+s20], $0x28, $0x38;
	[tilespmem:$0x1F800] =	vst v63  }
0x123: {  	_ = 	snop  }
0x124: {  	[tilespmem:s25], [sflag:$0x1] =	stream.linear.gather [hbm4b:s22+s20], $0x28, $0x38;
	[tilespmem:$0x1F800] =	vst v63  }
0x125: {  	_ =	swait.ge [sflag:s1], $0x28  }
0x126: {  	[sflag:s1] =	ssyncset.done $0x0  }
0x127: {  	[sflag:s1] =	ssyncadd.s32 $0xFFFFFFD8  }
0x128: {  	_ =	swait.ge [sflag:s1], $0x28  }
0x129: {  	s31 =	simm.s32 $0x380;
	[sflag:s1] =	ssyncset.done $0x0  }
0x12a: {  	s24 =	simm.s32 $0x9400;
	s30 =	simm.s32 $0xB;
	[sflag:s1] =	ssyncadd.s32 $0xFFFFFFD8  }
0x12b: {  	[tilespmem:s24], [sflag:$0x10] =	stream.indirect.gather [hbm4b:s2+s10], $0x80, s31, s10, $0xb8;
	[tilespmem:$0x1F800] =	vst v63  }
0x12c: {  	_ =	swait.ge [sflag:s30], $0x1400  }
0x12d: {  	[sflag:s30] =	ssyncset.done $0x0  }
0x12e: {  	s29 =	simm.s32 $0x500;
	s13 =	simm.s32 $0x12;
	[sflag:s30] =	ssyncadd.s32 $0xFFFFEC00  }
0x12f: {  	[spmem:s14] =	stream.indirect.scatter.add.f32 [tilespmem:s17], [sflag:$0x13], $0x80, s29, s10, $0xb8;
	[tilespmem:$0x1F800] =	vst v63  }
0x130: {  	_ =	swait.ge [sflag:s13], $0x1400  }
0x131: {  	s3 =	sld [smem:$0x7E2]  }
0x132: {  	[sflag:s13] =	ssyncset.done $0x0  }
0x133: {  	s1 =	simm.s32 $0x80;
	s16 =	sld [smem:$0x7E3];
	[sflag:s13] =	ssyncadd.s32 $0xFFFFEC00  }
0x134: {  	[tilespmem:s1], [sflag:$0x2] =	stream.linear.gather [hbm4b:s3+s20], $0x28, $0x38;
	[tilespmem:$0x1F800] =	vst v63  }
0x135: {  	s18 =	simm.s32 $0x480  }
0x136: {  	[tilespmem:s18], [sflag:$0x2] =	stream.linear.gather [hbm4b:s16+s20], $0x28, $0x38;
	[tilespmem:$0x1F800] =	vst v63  }
0x137: {  	_ =	swait.ge [sflag:s9], $0x28  }
0x138: {  	[sflag:s9] =	ssyncset.done $0x0  }
0x139: {  	[sflag:s9] =	ssyncadd.s32 $0xFFFFFFD8  }
0x13a: {  	_ =	swait.ge [sflag:s9], $0x28  }
0x13b: {  	[sflag:s9] =	ssyncset.done $0x0  }
0x13c: {  	s18 =	simm.s32 $0xC;
	[sflag:s9] =	ssyncadd.s32 $0xFFFFFFD8  }
0x13d: {  	[tilespmem:s28], [sflag:$0x9] =	stream.indirect.gather [hbm4b:s2+s10], $0x80, s20, s10, $0xb8;
	[tilespmem:$0x1F800] =	vst v63  }
0x13e: {  	_ =	swait.ge [sflag:s18], $0x1400  }
0x13f: {  	s7 =	simm.s32 $0x4400;
	[sflag:s18] =	ssyncset.done $0x0  }
0x140: {  	s3 =	simm.s32 $0x580;
	s20 =	simm.s32 $0x13;
	[sflag:s18] =	ssyncadd.s32 $0xFFFFEC00  }
0x141: {  	[spmem:s14] =	stream.indirect.scatter.add.f32 [tilespmem:s7], [sflag:$0x14], $0x80, s3, s10, $0xb8;
	[tilespmem:$0x1F800] =	vst v63  }
0x142: {  	_ =	swait.ge [sflag:s20], $0x1400  }
0x143: {  	s15 =	simm.s32 $0x100;
	s21 =	rddreg [dreg:$0x12];
	[sflag:s20] =	ssyncset.done $0x0  }
0x144: {  	s22 =	rddreg [dreg:$0x13];
	[sflag:s20] =	ssyncadd.s32 $0xFFFFEC00;
	s20 =	sadd.s32 $0x0, s21  }
0x145: {  	[tilespmem:s15], [sflag:$0x3] =	stream.linear.gather [hbm4b:s20+s4], $0x28, $0x38;
	[tilespmem:$0x1F800] =	vst v63  }
0x146: {  	s12 =	simm.s32 $0x500;
	s22 =	sadd.s32 $0x0, s22  }
0x147: {  	[tilespmem:s12], [sflag:$0x3] =	stream.linear.gather [hbm4b:s22+s4], $0x28, $0x38;
	[tilespmem:$0x1F800] =	vst v63  }
0x148: {  	_ =	swait.ge [sflag:s26], $0x28  }
0x149: {  	[sflag:s26] =	ssyncset.done $0x0  }
0x14a: {  	[sflag:s26] =	ssyncadd.s32 $0xFFFFFFD8  }
0x14b: {  	_ =	swait.ge [sflag:s26], $0x28  }
0x14c: {  	[sflag:s26] =	ssyncset.done $0x0  }
0x14d: {  	[sflag:s26] =	ssyncadd.s32 $0xFFFFFFD8;
	s26 =	simm.s32 $0xD  }
0x14e: {  	[tilespmem:s5], [sflag:$0xA] =	stream.indirect.gather [hbm4b:s2+s10], $0x80, s1, s10, $0xb8;
	[tilespmem:$0x1F800] =	vst v63  }
0x14f: {  	_ =	swait.ge [sflag:s26], $0x1400  }
0x150: {  	[sflag:s26] =	ssyncset.done $0x0  }
0x151: {  	s0 =	simm.s32 $0x14;
	s12 =	simm.s32 $0x600;
	[sflag:s26] =	ssyncadd.s32 $0xFFFFEC00  }
0x152: {  	[spmem:s14] =	stream.indirect.scatter.add.f32 [tilespmem:s19], [sflag:$0x15], $0x80, s12, s10, $0xb8;
	[tilespmem:$0x1F800] =	vst v63  }
0x153: {  	_ =	swait.ge [sflag:s0], $0x1400  }
0x154: {  	s31 =	simm.s32 $0x180;
	s20 =	rddreg [dreg:$0x10];
	[sflag:s0] =	ssyncset.done $0x0  }
0x155: {  	s22 =	rddreg [dreg:$0x11];
	[sflag:s0] =	ssyncadd.s32 $0xFFFFEC00;
	s20 =	sadd.s32 $0x0, s20  }
0x156: {  	[tilespmem:s31], [sflag:$0x4] =	stream.linear.gather [hbm4b:s20+s4], $0x28, $0x38;
	[tilespmem:$0x1F800] =	vst v63  }
0x157: {  	s16 =	simm.s32 $0x3;
	s0 =	sadd.s32 $0x0, s22  }
0x158: {  	[tilespmem:s3], [sflag:$0x4] =	stream.linear.gather [hbm4b:s0+s4], $0x28, $0x38;
	[tilespmem:$0x1F800] =	vst v63  }
0x159: {  	_ =	swait.ge [sflag:s16], $0x28  }
0x15a: {  	[sflag:s16] =	ssyncset.done $0x0  }
0x15b: {  	[sflag:s16] =	ssyncadd.s32 $0xFFFFFFD8  }
0x15c: {  	_ =	swait.ge [sflag:s16], $0x28  }
0x15d: {  	[sflag:s16] =	ssyncset.done $0x0  }
0x15e: {  	[sflag:s16] =	ssyncadd.s32 $0xFFFFFFD8  }
0x15f: {  	[tilespmem:s17], [sflag:$0xB] =	stream.indirect.gather [hbm4b:s2+s10], $0x80, s15, s10, $0xb8;
	[tilespmem:$0x1F800] =	vst v63  }
0x160: {  	s15 =	simm.s32 $0xE  }
0x161: {  	_ =	swait.ge [sflag:s15], $0x1400  }
0x162: {  	[sflag:s15] =	ssyncset.done $0x0  }
0x163: {  	s20 =	simm.s32 $0x15;
	s3 =	simm.s32 $0x680;
	[sflag:s15] =	ssyncadd.s32 $0xFFFFEC00  }
0x164: {  	[spmem:s14] =	stream.indirect.scatter.add.f32 [tilespmem:s23], [sflag:$0x16], $0x80, s3, s10, $0xb8;
	[tilespmem:$0x1F800] =	vst v63  }
0x165: {  	_ =	swait.ge [sflag:s20], $0x1400  }
0x166: {  	s24 =	simm.s32 $0x200;
	s22 =	rddreg [dreg:$0xe];
	[sflag:s20] =	ssyncset.done $0x0  }
0x167: {  	s15 =	rddreg [dreg:$0xf];
	[sflag:s20] =	ssyncadd.s32 $0xFFFFEC00;
	s20 =	sadd.s32 $0x0, s22  }
0x168: {  	[tilespmem:s24], [sflag:$0x5] =	stream.linear.gather [hbm4b:s20+s4], $0x28, $0x38;
	[tilespmem:$0x1F800] =	vst v63  }
0x169: {  	s18 =	simm.s32 $0x4;
	s0 =	sadd.s32 $0x0, s15  }
0x16a: {  	[tilespmem:s12], [sflag:$0x5] =	stream.linear.gather [hbm4b:s0+s4], $0x28, $0x38;
	[tilespmem:$0x1F800] =	vst v63  }
0x16b: {  	_ =	swait.ge [sflag:s18], $0x28  }
0x16c: {  	[sflag:s18] =	ssyncset.done $0x0  }
0x16d: {  	[sflag:s18] =	ssyncadd.s32 $0xFFFFFFD8  }
0x16e: {  	_ =	swait.ge [sflag:s18], $0x28  }
0x16f: {  	[sflag:s18] =	ssyncset.done $0x0  }
0x170: {  	s12 =	simm.s32 $0xF;
	[sflag:s18] =	ssyncadd.s32 $0xFFFFFFD8  }
0x171: {  	[tilespmem:s7], [sflag:$0xC] =	stream.indirect.gather [hbm4b:s2+s10], $0x80, s31, s10, $0xb8;
	[tilespmem:$0x1F800] =	vst v63  }
0x172: {  	_ =	swait.ge [sflag:s12], $0x1400  }
0x173: {  	s15 =	simm.s32 $0x8000;
	[sflag:s12] =	ssyncset.done $0x0  }
0x174: {  	s20 =	simm.s32 $0x16;
	[sflag:s12] =	ssyncadd.s32 $0xFFFFEC00;
	s12 =	simm.s32 $0x700  }
0x175: {  	[spmem:s14] =	stream.indirect.scatter.add.f32 [tilespmem:s15], [sflag:$0x17], $0x80, s12, s10, $0xb8;
	[tilespmem:$0x1F800] =	vst v63  }
0x176: {  	_ =	swait.ge [sflag:s20], $0x1400  }
0x177: {  	s29 =	simm.s32 $0x280;
	s22 =	rddreg [dreg:$0xc];
	[sflag:s20] =	ssyncset.done $0x0  }
0x178: {  	s15 =	rddreg [dreg:$0xd];
	[sflag:s20] =	ssyncadd.s32 $0xFFFFEC00;
	s20 =	sadd.s32 $0x0, s22  }
0x179: {  	[tilespmem:s29], [sflag:$0x6] =	stream.linear.gather [hbm4b:s20+s4], $0x28, $0x38;
	[tilespmem:$0x1F800] =	vst v63  }
0x17a: {  	s5 =	simm.s32 $0x5;
	s15 =	sadd.s32 $0x0, s15  }
0x17b: {  	[tilespmem:s3], [sflag:$0x6] =	stream.linear.gather [hbm4b:s15+s4], $0x28, $0x38;
	[tilespmem:$0x1F800] =	vst v63  }
0x17c: {  	_ =	swait.ge [sflag:s5], $0x28  }
0x17d: {  	[sflag:s5] =	ssyncset.done $0x0  }
0x17e: {  	[sflag:s5] =	ssyncadd.s32 $0xFFFFFFD8  }
0x17f: {  	_ =	swait.ge [sflag:s5], $0x28  }
0x180: {  	[sflag:s5] =	ssyncset.done $0x0  }
0x181: {  	s20 =	simm.s32 $0x10;
	[sflag:s5] =	ssyncadd.s32 $0xFFFFFFD8  }
0x182: {  	[tilespmem:s19], [sflag:$0xD] =	stream.indirect.gather [hbm4b:s2+s10], $0x80, s24, s10, $0xb8;
	[tilespmem:$0x1F800] =	vst v63  }
0x183: {  	_ =	swait.ge [sflag:s20], $0x1400  }
0x184: {  	s22 =	simm.s32 $0x17;
	[sflag:s20] =	ssyncset.done $0x0  }
0x185: {  	s15 =	simm.s32 $0x9400;
	s19 =	simm.s32 $0x780;
	[sflag:s20] =	ssyncadd.s32 $0xFFFFEC00  }
0x186: {  	[spmem:s14] =	stream.indirect.scatter.add.f32 [tilespmem:s15], [sflag:$0x18], $0x80, s19, s10, $0xb8;
	[tilespmem:$0x1F800] =	vst v63  }
0x187: {  	_ =	swait.ge [sflag:s22], $0x1400  }
0x188: {  	s24 =	rddreg [dreg:$0xa]  }
0x189: {  	[sflag:s22] =	ssyncset.done $0x0;
	s3 =	rddreg [dreg:$0xb]  }
0x18a: {  	[sflag:s22] =	ssyncadd.s32 $0xFFFFEC00;
	s20 =	sadd.s32 $0x0, s24;
	s24 =	simm.s32 $0x300  }
0x18b: {  	[tilespmem:s24], [sflag:$0x7] =	stream.linear.gather [hbm4b:s20+s4], $0x28, $0x38;
	[tilespmem:$0x1F800] =	vst v63  }
0x18c: {  	s21 =	simm.s32 $0x6;
	s3 =	sadd.s32 $0x0, s3  }
0x18d: {  	[tilespmem:s12], [sflag:$0x7] =	stream.linear.gather [hbm4b:s3+s4], $0x28, $0x38;
	[tilespmem:$0x1F800] =	vst v63  }
0x18e: {  	_ =	swait.ge [sflag:s21], $0x28  }
0x18f: {  	[sflag:s21] =	ssyncset.done $0x0  }
0x190: {  	[sflag:s21] =	ssyncadd.s32 $0xFFFFFFD8  }
0x191: {  	_ =	swait.ge [sflag:s21], $0x28  }
0x192: {  	[sflag:s21] =	ssyncset.done $0x0  }
0x193: {  	[sflag:s21] =	ssyncadd.s32 $0xFFFFFFD8  }
0x194: {  	[tilespmem:s23], [sflag:$0xE] =	stream.indirect.gather [hbm4b:s2+s10], $0x80, s29, s10, $0xb8;
	[tilespmem:$0x1F800] =	vst v63  }
0x195: {  	_ =	swait.ge [sflag:s6], $0x1400  }
0x196: {  	[sflag:s6] =	ssyncset.done $0x0  }
0x197: {  	s20 =	simm.s32 $0x18;
	[sflag:s6] =	ssyncadd.s32 $0xFFFFEC00  }
0x198: {  	[spmem:s14] =	stream.indirect.scatter.add.f32 [tilespmem:s28], [sflag:$0x11], $0x80, s25, s10, $0xb8;
	[tilespmem:$0x1F800] =	vst v63  }
0x199: {  	_ =	swait.ge [sflag:s20], $0x1400  }
0x19a: {  	s29 =	simm.s32 $0x380;
	s22 =	rddreg [dreg:$0x8];
	[sflag:s20] =	ssyncset.done $0x0  }
0x19b: {  	s23 =	rddreg [dreg:$0x9];
	[sflag:s20] =	ssyncadd.s32 $0xFFFFEC00;
	s20 =	sadd.s32 $0x0, s22  }
0x19c: {  	[tilespmem:s29], [sflag:$0x8] =	stream.linear.gather [hbm4b:s20+s4], $0x28, $0x38;
	[tilespmem:$0x1F800] =	vst v63  }
0x19d: {  	s26 =	simm.s32 $0x7;
	s6 =	sadd.s32 $0x0, s23  }
0x19e: {  	[tilespmem:s19], [sflag:$0x8] =	stream.linear.gather [hbm4b:s6+s4], $0x28, $0x38;
	[tilespmem:$0x1F800] =	vst v63  }
0x19f: {  	_ =	swait.ge [sflag:s26], $0x28  }
0x1a0: {  	[sflag:s26] =	ssyncset.done $0x0  }
0x1a1: {  	[sflag:s26] =	ssyncadd.s32 $0xFFFFFFD8  }
0x1a2: {  	_ =	swait.ge [sflag:s26], $0x28  }
0x1a3: {  	[sflag:s26] =	ssyncset.done $0x0  }
0x1a4: {  	s31 =	simm.s32 $0x8000;
	[sflag:s26] =	ssyncadd.s32 $0xFFFFFFD8  }
0x1a5: {  	[tilespmem:s31], [sflag:$0xF] =	stream.indirect.gather [hbm4b:s2+s10], $0x80, s24, s10, $0xb8;
	[tilespmem:$0x1F800] =	vst v63  }
0x1a6: {  	_ =	swait.ge [sflag:s8], $0x1400  }
0x1a7: {  	[sflag:s8] =	ssyncset.done $0x0  }
0x1a8: {  	s0 =	simm.s32 $0x480;
	[sflag:s8] =	ssyncadd.s32 $0xFFFFEC00;
	s8 =	simm.s32 $0x1C00  }
0x1a9: {  	[spmem:s14] =	stream.indirect.scatter.add.f32 [tilespmem:s8], [sflag:$0x12], $0x80, s0, s10, $0xb8;
	[tilespmem:$0x1F800] =	vst v63  }
0x1aa: {  	_ =	swait.ge [sflag:s11], $0x1400  }
0x1ab: {  	s12 =	rddreg [dreg:$0x6];
	[sflag:s11] =	ssyncset.done $0x0  }
0x1ac: {  	s19 =	rddreg [dreg:$0x7];
	[sflag:s11] =	ssyncadd.s32 $0xFFFFEC00;
	s20 =	sadd.s32 $0x0, s12  }
0x1ad: {  	[tilespmem:s4], [sflag:$0x1] =	stream.linear.gather [hbm4b:s20+s4], $0x28, $0x38;
	[tilespmem:$0x1F800] =	vst v63  }
0x1ae: {  	s1 =	simm.s32 $0x8;
	s23 =	sadd.s32 $0x0, s19  }
0x1af: {  	[tilespmem:s25], [sflag:$0x1] =	stream.linear.gather [hbm4b:s23+s4], $0x28, $0x38;
	[tilespmem:$0x1F800] =	vst v63  }
0x1b0: {  	_ =	swait.ge [sflag:s1], $0x28  }
0x1b1: {  	[sflag:s1] =	ssyncset.done $0x0  }
0x1b2: {  	[sflag:s1] =	ssyncadd.s32 $0xFFFFFFD8  }
0x1b3: {  	_ =	swait.ge [sflag:s1], $0x28  }
0x1b4: {  	[sflag:s1] =	ssyncset.done $0x0  }
0x1b5: {  	[sflag:s1] =	ssyncadd.s32 $0xFFFFFFD8  }
0x1b6: {  	[tilespmem:s15], [sflag:$0x10] =	stream.indirect.gather [hbm4b:s2+s10], $0x80, s29, s10, $0xb8;
	[tilespmem:$0x1F800] =	vst v63  }
0x1b7: {  	_ =	swait.ge [sflag:s30], $0x1400  }
0x1b8: {  	[sflag:s30] =	ssyncset.done $0x0  }
0x1b9: {  	s24 =	simm.s32 $0x500;
	[sflag:s30] =	ssyncadd.s32 $0xFFFFEC00  }
0x1ba: {  	[spmem:s14] =	stream.indirect.scatter.add.f32 [tilespmem:s17], [sflag:$0x13], $0x80, s24, s10, $0xb8;
	[tilespmem:$0x1F800] =	vst v63  }
0x1bb: {  	_ =	swait.ge [sflag:s13], $0x1400  }
0x1bc: {  	s30 =	simm.s32 $0x80;
	s25 =	rddreg [dreg:$0x4];
	[sflag:s13] =	ssyncset.done $0x0  }
0x1bd: {  	s29 =	rddreg [dreg:$0x5];
	[sflag:s13] =	ssyncadd.s32 $0xFFFFEC00;
	s20 =	sadd.s32 $0x0, s25  }
0x1be: {  	[tilespmem:s30], [sflag:$0x2] =	stream.linear.gather [hbm4b:s20+s4], $0x28, $0x38;
	[tilespmem:$0x1F800] =	vst v63  }
0x1bf: {  	s31 =	sadd.s32 $0x0, s29  }
0x1c0: {  	[tilespmem:s0], [sflag:$0x2] =	stream.linear.gather [hbm4b:s31+s4], $0x28, $0x38;
	[tilespmem:$0x1F800] =	vst v63  }
0x1c1: {  	_ =	swait.ge [sflag:s9], $0x28  }
0x1c2: {  	[sflag:s9] =	ssyncset.done $0x0  }
0x1c3: {  	[sflag:s9] =	ssyncadd.s32 $0xFFFFFFD8  }
0x1c4: {  	_ =	swait.ge [sflag:s9], $0x28  }
0x1c5: {  	[sflag:s9] =	ssyncset.done $0x0  }
0x1c6: {  	s20 =	simm.s32 $0x28;
	[sflag:s9] =	ssyncadd.s32 $0xFFFFFFD8  }
.LBB2_4:
0x1c7: {  	[tilespmem:s28], [sflag:$0x9] =	stream.indirect.gather [hbm4b:s2+s10], $0x80, s4, s10, $0xb8;
	[tilespmem:$0x1F800] =	vst v63  }
0x1c8: {  	s0 =	simm.s32 $0xC  }
0x1c9: {  	_ =	swait.ge [sflag:s0], $0x1400  }
0x1ca: {  	[sflag:s0] =	ssyncset.done $0x0  }
0x1cb: {  	s8 =	simm.s32 $0x580;
	s9 =	simm.s32 $0x13;
	[sflag:s0] =	ssyncadd.s32 $0xFFFFEC00  }
0x1cc: {  	[spmem:s14] =	stream.indirect.scatter.add.f32 [tilespmem:s7], [sflag:$0x14], $0x80, s8, s10, $0xb8;
	[tilespmem:$0x1F800] =	vst v63  }
0x1cd: {  	s22 =	smov.u32 s20;
	_ =	swait.ge [sflag:s9], $0x1400  }
0x1ce: {  	s12 =	simm.s32 $0x100;
	s28 =	rddreg [dreg:$0x12];
	[sflag:s9] =	ssyncset.done $0x0  }
0x1cf: {  	s11 =	rddreg [dreg:$0x13];
	[sflag:s9] =	ssyncadd.s32 $0xFFFFEC00;
	s28 =	sadd.s32 s22, s28  }
0x1d0: {  	[tilespmem:s12], [sflag:$0x3] =	stream.linear.gather [hbm4b:s28+s4], $0x28, $0x38;
	[tilespmem:$0x1F800] =	vst v63  }
0x1d1: {  	s24 =	simm.s32 $0x500;
	s3 =	simm.s32 $0x2;
	s7 =	sadd.s32 s22, s11  }
0x1d2: {  	[tilespmem:s24], [sflag:$0x3] =	stream.linear.gather [hbm4b:s7+s4], $0x28, $0x38;
	[tilespmem:$0x1F800] =	vst v63  }
0x1d3: {  	_ =	swait.ge [sflag:s3], $0x28  }
0x1d4: {  	[sflag:s3] =	ssyncset.done $0x0  }
0x1d5: {  	[sflag:s3] =	ssyncadd.s32 $0xFFFFFFD8  }
0x1d6: {  	_ =	swait.ge [sflag:s3], $0x28  }
0x1d7: {  	s17 =	simm.s32 $0x1C00;
	[sflag:s3] =	ssyncset.done $0x0  }
0x1d8: {  	s13 =	simm.s32 $0x80;
	s15 =	simm.s32 $0xD;
	[sflag:s3] =	ssyncadd.s32 $0xFFFFFFD8  }
0x1d9: {  	[tilespmem:s17], [sflag:$0xA] =	stream.indirect.gather [hbm4b:s2+s10], $0x80, s13, s10, $0xb8;
	[tilespmem:$0x1F800] =	vst v63  }
0x1da: {  	_ =	swait.ge [sflag:s15], $0x1400  }
0x1db: {  	s23 =	simm.s32 $0x5800;
	[sflag:s15] =	ssyncset.done $0x0  }
0x1dc: {  	s30 =	simm.s32 $0x14;
	s9 =	simm.s32 $0x600;
	[sflag:s15] =	ssyncadd.s32 $0xFFFFEC00  }
0x1dd: {  	[spmem:s14] =	stream.indirect.scatter.add.f32 [tilespmem:s23], [sflag:$0x15], $0x80, s9, s10, $0xb8;
	[tilespmem:$0x1F800] =	vst v63  }
0x1de: {  	_ =	swait.ge [sflag:s30], $0x1400  }
0x1df: {  	s3 =	simm.s32 $0x180;
	s6 =	rddreg [dreg:$0x10];
	[sflag:s30] =	ssyncset.done $0x0  }
0x1e0: {  	s28 =	rddreg [dreg:$0x11];
	[sflag:s30] =	ssyncadd.s32 $0xFFFFEC00;
	s7 =	sadd.s32 s22, s6  }
0x1e1: {  	[tilespmem:s3], [sflag:$0x4] =	stream.linear.gather [hbm4b:s7+s4], $0x28, $0x38;
	[tilespmem:$0x1F800] =	vst v63  }
0x1e2: {  	s11 =	sadd.s32 s22, s28  }
0x1e3: {  	[tilespmem:s8], [sflag:$0x4] =	stream.linear.gather [hbm4b:s11+s4], $0x28, $0x38;
	[tilespmem:$0x1F800] =	vst v63  }
0x1e4: {  	_ =	swait.ge [sflag:s16], $0x28  }
0x1e5: {  	[sflag:s16] =	ssyncset.done $0x0  }
0x1e6: {  	[sflag:s16] =	ssyncadd.s32 $0xFFFFFFD8  }
0x1e7: {  	_ =	swait.ge [sflag:s16], $0x28  }
0x1e8: {  	[sflag:s16] =	ssyncset.done $0x0  }
0x1e9: {  	s17 =	simm.s32 $0x3000;
	[sflag:s16] =	ssyncadd.s32 $0xFFFFFFD8  }
0x1ea: {  	[tilespmem:s17], [sflag:$0xB] =	stream.indirect.gather [hbm4b:s2+s10], $0x80, s12, s10, $0xb8;
	[tilespmem:$0x1F800] =	vst v63  }
0x1eb: {  	s12 =	simm.s32 $0xE  }
0x1ec: {  	_ =	swait.ge [sflag:s12], $0x1400  }
0x1ed: {  	s13 =	simm.s32 $0x15;
	[sflag:s12] =	ssyncset.done $0x0  }
0x1ee: {  	s23 =	simm.s32 $0x6C00;
	s11 =	simm.s32 $0x680;
	[sflag:s12] =	ssyncadd.s32 $0xFFFFEC00  }
0x1ef: {  	[spmem:s14] =	stream.indirect.scatter.add.f32 [tilespmem:s23], [sflag:$0x16], $0x80, s11, s10, $0xb8;
	[tilespmem:$0x1F800] =	vst v63  }
0x1f0: {  	_ =	swait.ge [sflag:s13], $0x1400  }
0x1f1: {  	s0 =	simm.s32 $0x200;
	s15 =	rddreg [dreg:$0xe];
	[sflag:s13] =	ssyncset.done $0x0  }
0x1f2: {  	s28 =	rddreg [dreg:$0xf];
	[sflag:s13] =	ssyncadd.s32 $0xFFFFEC00;
	s7 =	sadd.s32 s22, s15  }
0x1f3: {  	[tilespmem:s0], [sflag:$0x5] =	stream.linear.gather [hbm4b:s7+s4], $0x28, $0x38;
	[tilespmem:$0x1F800] =	vst v63  }
0x1f4: {  	s30 =	sadd.s32 s22, s28  }
0x1f5: {  	[tilespmem:s9], [sflag:$0x5] =	stream.linear.gather [hbm4b:s30+s4], $0x28, $0x38;
	[tilespmem:$0x1F800] =	vst v63  }
0x1f6: {  	_ =	swait.ge [sflag:s18], $0x28  }
0x1f7: {  	[sflag:s18] =	ssyncset.done $0x0  }
0x1f8: {  	[sflag:s18] =	ssyncadd.s32 $0xFFFFFFD8  }
0x1f9: {  	_ =	swait.ge [sflag:s18], $0x28  }
0x1fa: {  	[sflag:s18] =	ssyncset.done $0x0  }
0x1fb: {  	s19 =	simm.s32 $0x4400;
	s8 =	simm.s32 $0xF;
	[sflag:s18] =	ssyncadd.s32 $0xFFFFFFD8  }
0x1fc: {  	[tilespmem:s19], [sflag:$0xC] =	stream.indirect.gather [hbm4b:s2+s10], $0x80, s3, s10, $0xb8;
	[tilespmem:$0x1F800] =	vst v63  }
0x1fd: {  	_ =	swait.ge [sflag:s8], $0x1400  }
0x1fe: {  	s29 =	simm.s32 $0x8000;
	[sflag:s8] =	ssyncset.done $0x0  }
0x1ff: {  	s15 =	simm.s32 $0x700;
	s9 =	simm.s32 $0x16;
	[sflag:s8] =	ssyncadd.s32 $0xFFFFEC00  }
0x200: {  	[spmem:s14] =	stream.indirect.scatter.add.f32 [tilespmem:s29], [sflag:$0x17], $0x80, s15, s10, $0xb8;
	[tilespmem:$0x1F800] =	vst v63  }
0x201: {  	_ =	swait.ge [sflag:s9], $0x1400  }
0x202: {  	s8 =	simm.s32 $0x280;
	s13 =	rddreg [dreg:$0xc];
	[sflag:s9] =	ssyncset.done $0x0  }
0x203: {  	s28 =	rddreg [dreg:$0xd];
	[sflag:s9] =	ssyncadd.s32 $0xFFFFEC00;
	s7 =	sadd.s32 s22, s13  }
0x204: {  	[tilespmem:s8], [sflag:$0x6] =	stream.linear.gather [hbm4b:s7+s4], $0x28, $0x38;
	[tilespmem:$0x1F800] =	vst v63  }
0x205: {  	s30 =	sadd.s32 s22, s28  }
0x206: {  	[tilespmem:s11], [sflag:$0x6] =	stream.linear.gather [hbm4b:s30+s4], $0x28, $0x38;
	[tilespmem:$0x1F800] =	vst v63  }
0x207: {  	_ =	swait.ge [sflag:s5], $0x28  }
0x208: {  	[sflag:s5] =	ssyncset.done $0x0  }
0x209: {  	[sflag:s5] =	ssyncadd.s32 $0xFFFFFFD8  }
0x20a: {  	_ =	swait.ge [sflag:s5], $0x28  }
0x20b: {  	[sflag:s5] =	ssyncset.done $0x0  }
0x20c: {  	s19 =	simm.s32 $0x5800;
	s3 =	simm.s32 $0x10;
	[sflag:s5] =	ssyncadd.s32 $0xFFFFFFD8  }
0x20d: {  	[tilespmem:s19], [sflag:$0xD] =	stream.indirect.gather [hbm4b:s2+s10], $0x80, s0, s10, $0xb8;
	[tilespmem:$0x1F800] =	vst v63  }
0x20e: {  	_ =	swait.ge [sflag:s3], $0x1400  }
0x20f: {  	s7 =	simm.s32 $0x17;
	[sflag:s3] =	ssyncset.done $0x0  }
0x210: {  	s30 =	simm.s32 $0x9400;
	[sflag:s3] =	ssyncadd.s32 $0xFFFFEC00;
	s3 =	simm.s32 $0x780  }
0x211: {  	[spmem:s14] =	stream.indirect.scatter.add.f32 [tilespmem:s30], [sflag:$0x18], $0x80, s3, s10, $0xb8;
	[tilespmem:$0x1F800] =	vst v63  }
0x212: {  	_ =	swait.ge [sflag:s7], $0x1400  }
0x213: {  	s9 =	rddreg [dreg:$0xa]  }
0x214: {  	[sflag:s7] =	ssyncset.done $0x0;
	s28 =	rddreg [dreg:$0xb]  }
0x215: {  	[sflag:s7] =	ssyncadd.s32 $0xFFFFEC00;
	s7 =	sadd.s32 s22, s9;
	s9 =	simm.s32 $0x300  }
0x216: {  	[tilespmem:s9], [sflag:$0x7] =	stream.linear.gather [hbm4b:s7+s4], $0x28, $0x38;
	[tilespmem:$0x1F800] =	vst v63  }
0x217: {  	s11 =	sadd.s32 s22, s28  }
0x218: {  	[tilespmem:s15], [sflag:$0x7] =	stream.linear.gather [hbm4b:s11+s4], $0x28, $0x38;
	[tilespmem:$0x1F800] =	vst v63  }
0x219: {  	_ =	swait.ge [sflag:s21], $0x28  }
0x21a: {  	[sflag:s21] =	ssyncset.done $0x0  }
0x21b: {  	[sflag:s21] =	ssyncadd.s32 $0xFFFFFFD8  }
0x21c: {  	_ =	swait.ge [sflag:s21], $0x28  }
0x21d: {  	[sflag:s21] =	ssyncset.done $0x0  }
0x21e: {  	s0 =	simm.s32 $0x9;
	[sflag:s21] =	ssyncadd.s32 $0xFFFFFFD8  }
0x21f: {  	[tilespmem:s23], [sflag:$0xE] =	stream.indirect.gather [hbm4b:s2+s10], $0x80, s8, s10, $0xb8;
	[tilespmem:$0x1F800] =	vst v63  }
0x220: {  	_ =	swait.ge [sflag:s0], $0x1400  }
0x221: {  	s25 =	simm.s32 $0x800;
	[sflag:s0] =	ssyncset.done $0x0  }
0x222: {  	s7 =	simm.s32 $0x18;
	s11 =	simm.s32 $0x400;
	[sflag:s0] =	ssyncadd.s32 $0xFFFFEC00  }
0x223: {  	[spmem:s14] =	stream.indirect.scatter.add.f32 [tilespmem:s25], [sflag:$0x11], $0x80, s11, s10, $0xb8;
	[tilespmem:$0x1F800] =	vst v63  }
0x224: {  	_ =	swait.ge [sflag:s7], $0x1400  }
0x225: {  	s0 =	simm.s32 $0x380;
	s8 =	rddreg [dreg:$0x8];
	[sflag:s7] =	ssyncset.done $0x0  }
0x226: {  	s28 =	rddreg [dreg:$0x9];
	[sflag:s7] =	ssyncadd.s32 $0xFFFFEC00;
	s7 =	sadd.s32 s22, s8  }
0x227: {  	[tilespmem:s0], [sflag:$0x8] =	stream.linear.gather [hbm4b:s7+s4], $0x28, $0x38;
	[tilespmem:$0x1F800] =	vst v63  }
0x228: {  	s15 =	sadd.s32 s22, s28  }
0x229: {  	[tilespmem:s3], [sflag:$0x8] =	stream.linear.gather [hbm4b:s15+s4], $0x28, $0x38;
	[tilespmem:$0x1F800] =	vst v63  }
0x22a: {  	_ =	swait.ge [sflag:s26], $0x28  }
0x22b: {  	[sflag:s26] =	ssyncset.done $0x0  }
0x22c: {  	[sflag:s26] =	ssyncadd.s32 $0xFFFFFFD8  }
0x22d: {  	_ =	swait.ge [sflag:s26], $0x28  }
0x22e: {  	[sflag:s26] =	ssyncset.done $0x0  }
0x22f: {  	s7 =	simm.s32 $0xA;
	[sflag:s26] =	ssyncadd.s32 $0xFFFFFFD8  }
0x230: {  	[tilespmem:s29], [sflag:$0xF] =	stream.indirect.gather [hbm4b:s2+s10], $0x80, s9, s10, $0xb8;
	[tilespmem:$0x1F800] =	vst v63  }
0x231: {  	_ =	swait.ge [sflag:s7], $0x1400  }
0x232: {  	s25 =	simm.s32 $0x1C00;
	[sflag:s7] =	ssyncset.done $0x0  }
0x233: {  	s3 =	simm.s32 $0x11;
	[sflag:s7] =	ssyncadd.s32 $0xFFFFEC00;
	s7 =	simm.s32 $0x480  }
0x234: {  	[spmem:s14] =	stream.indirect.scatter.add.f32 [tilespmem:s25], [sflag:$0x12], $0x80, s7, s10, $0xb8;
	[tilespmem:$0x1F800] =	vst v63  }
0x235: {  	_ =	swait.ge [sflag:s3], $0x1400  }
0x236: {  	s7 =	rddreg [dreg:$0x6];
	[sflag:s3] =	ssyncset.done $0x0  }
0x237: {  	s28 =	rddreg [dreg:$0x7];
	[sflag:s3] =	ssyncadd.s32 $0xFFFFEC00;
	s7 =	sadd.s32 s22, s7  }
0x238: {  	[tilespmem:s4], [sflag:$0x1] =	stream.linear.gather [hbm4b:s7+s4], $0x28, $0x38;
	[tilespmem:$0x1F800] =	vst v63  }
0x239: {  	s7 =	sadd.s32 s22, s28  }
0x23a: {  	[tilespmem:s11], [sflag:$0x1] =	stream.linear.gather [hbm4b:s7+s4], $0x28, $0x38;
	[tilespmem:$0x1F800] =	vst v63  }
0x23b: {  	_ =	swait.ge [sflag:s1], $0x28  }
0x23c: {  	[sflag:s1] =	ssyncset.done $0x0  }
0x23d: {  	[sflag:s1] =	ssyncadd.s32 $0xFFFFFFD8  }
0x23e: {  	_ =	swait.ge [sflag:s1], $0x28  }
0x23f: {  	[sflag:s1] =	ssyncset.done $0x0  }
0x240: {  	s11 =	simm.s32 $0xB;
	[sflag:s1] =	ssyncadd.s32 $0xFFFFFFD8  }
0x241: {  	[tilespmem:s30], [sflag:$0x10] =	stream.indirect.gather [hbm4b:s2+s10], $0x80, s0, s10, $0xb8;
	[tilespmem:$0x1F800] =	vst v63  }
0x242: {  	_ =	swait.ge [sflag:s11], $0x1400  }
0x243: {  	[sflag:s11] =	ssyncset.done $0x0  }
0x244: {  	s30 =	simm.s32 $0x12;
	[sflag:s11] =	ssyncadd.s32 $0xFFFFEC00  }
0x245: {  	[spmem:s14] =	stream.indirect.scatter.add.f32 [tilespmem:s17], [sflag:$0x13], $0x80, s24, s10, $0xb8;
	[tilespmem:$0x1F800] =	vst v63  }
0x246: {  	p0 =	sne.s32 s20, $0x488;
	s20 =	sadd.s32 $0x28, s20;
	_ =	swait.ge [sflag:s30], $0x1400  }
0x247: {  	s11 =	simm.s32 $0x80;
	s0 =	rddreg [dreg:$0x4];
	[sflag:s30] =	ssyncset.done $0x0  }
0x248: {  	s28 =	rddreg [dreg:$0x5];
	[sflag:s30] =	ssyncadd.s32 $0xFFFFEC00;
	s7 =	sadd.s32 s22, s0  }
0x249: {  	[tilespmem:s11], [sflag:$0x2] =	stream.linear.gather [hbm4b:s7+s4], $0x28, $0x38;
	[tilespmem:$0x1F800] =	vst v63  }
0x24a: {  	s9 =	simm.s32 $0x1;
	s30 =	sadd.s32 s22, s28;
	s22 =	simm.s32 $0x480  }
0x24b: {  	[tilespmem:s22], [sflag:$0x2] =	stream.linear.gather [hbm4b:s30+s4], $0x28, $0x38;
	[tilespmem:$0x1F800] =	vst v63  }
0x24c: {  	s31 =	simm.s32 $0x680;
	s6 =	simm.s32 $0x580;
	_ =	swait.ge [sflag:s9], $0x28  }
.Ltmp1:
0x24d: {  	s12 =	simm.s32 $0x600;
	[sflag:s9] =	ssyncset.done $0x0;
	(pc) =	sbr.rel @p0 .LBB2_4-.Ltmp1, $4  }
0x24e: {  	s13 =	simm.s32 $0x700;
	s8 =	simm.s32 $0x780;
	[sflag:s9] =	ssyncadd.s32 $0xFFFFFFD8  }
0x24f: {  	s15 =	simm.s32 $0x8000;
	s29 =	simm.s32 $0x9400;
	_ =	swait.ge [sflag:s9], $0x28  }
0x250: {  	s3 =	simm.s32 $0x400;
	s24 =	simm.s32 $0x80;
	[sflag:s9] =	ssyncset.done $0x0  }
0x251: {  	s28 =	simm.s32 $0x800;
	s7 =	simm.s32 $0x4400;
	[sflag:s9] =	ssyncadd.s32 $0xFFFFFFD8  }
0x252: {  	[tilespmem:s28], [sflag:$0x9] =	stream.indirect.gather [hbm4b:s2+s10], $0x80, s4, s10, $0xb8;
	[tilespmem:$0x1F800] =	vst v63  }
0x253: {  	s0 =	simm.s32 $0xC  }
0x254: {  	_ =	swait.ge [sflag:s0], $0x1400  }
0x255: {  	[sflag:s0] =	ssyncset.done $0x0  }
0x256: {  	s18 =	simm.s32 $0x13;
	[sflag:s0] =	ssyncadd.s32 $0xFFFFEC00  }
0x257: {  	[spmem:s14] =	stream.indirect.scatter.add.f32 [tilespmem:s7], [sflag:$0x14], $0x80, s6, s10, $0xb8;
	[tilespmem:$0x1F800] =	vst v63  }
0x258: {  	_ =	swait.ge [sflag:s18], $0x1400  }
0x259: {  	[sflag:s18] =	ssyncset.done $0x0  }
0x25a: {  	s20 =	simm.s32 $0x2;
	[sflag:s18] =	ssyncadd.s32 $0xFFFFEC00  }
0x25b: {  	_ =	swait.ge [sflag:s20], $0x28  }
0x25c: {  	[sflag:s20] =	ssyncset.done $0x0  }
0x25d: {  	[sflag:s20] =	ssyncadd.s32 $0xFFFFFFD8  }
0x25e: {  	_ =	swait.ge [sflag:s20], $0x28  }
0x25f: {  	[sflag:s20] =	ssyncset.done $0x0  }
0x260: {  	s21 =	simm.s32 $0xD;
	[sflag:s20] =	ssyncadd.s32 $0xFFFFFFD8  }
0x261: {  	[tilespmem:s25], [sflag:$0xA] =	stream.indirect.gather [hbm4b:s2+s10], $0x80, s24, s10, $0xb8;
	[tilespmem:$0x1F800] =	vst v63  }
0x262: {  	_ =	swait.ge [sflag:s21], $0x1400  }
0x263: {  	[sflag:s21] =	ssyncset.done $0x0  }
0x264: {  	s24 =	simm.s32 $0x14;
	[sflag:s21] =	ssyncadd.s32 $0xFFFFEC00  }
0x265: {  	[spmem:s14] =	stream.indirect.scatter.add.f32 [tilespmem:s19], [sflag:$0x15], $0x80, s12, s10, $0xb8;
	[tilespmem:$0x1F800] =	vst v63  }
0x266: {  	_ =	swait.ge [sflag:s24], $0x1400  }
0x267: {  	[sflag:s24] =	ssyncset.done $0x0  }
0x268: {  	s26 =	simm.s32 $0xE;
	[sflag:s24] =	ssyncadd.s32 $0xFFFFEC00  }
0x269: {  	_ =	swait.ge [sflag:s26], $0x1400  }
0x26a: {  	[sflag:s26] =	ssyncset.done $0x0  }
0x26b: {  	s1 =	simm.s32 $0x15;
	[sflag:s26] =	ssyncadd.s32 $0xFFFFEC00  }
0x26c: {  	[spmem:s14] =	stream.indirect.scatter.add.f32 [tilespmem:s23], [sflag:$0x16], $0x80, s31, s10, $0xb8;
	[tilespmem:$0x1F800] =	vst v63  }
0x26d: {  	_ =	swait.ge [sflag:s1], $0x1400  }
0x26e: {  	[sflag:s1] =	ssyncset.done $0x0  }
0x26f: {  	s5 =	simm.s32 $0xF;
	[sflag:s1] =	ssyncadd.s32 $0xFFFFEC00  }
0x270: {  	_ =	swait.ge [sflag:s5], $0x1400  }
0x271: {  	[sflag:s5] =	ssyncset.done $0x0  }
0x272: {  	s6 =	simm.s32 $0x16;
	[sflag:s5] =	ssyncadd.s32 $0xFFFFEC00  }
0x273: {  	[spmem:s14] =	stream.indirect.scatter.add.f32 [tilespmem:s15], [sflag:$0x17], $0x80, s13, s10, $0xb8;
	[tilespmem:$0x1F800] =	vst v63  }
0x274: {  	_ =	swait.ge [sflag:s6], $0x1400  }
0x275: {  	[sflag:s6] =	ssyncset.done $0x0  }
0x276: {  	s7 =	simm.s32 $0x10;
	[sflag:s6] =	ssyncadd.s32 $0xFFFFEC00  }
0x277: {  	_ =	swait.ge [sflag:s7], $0x1400  }
0x278: {  	[sflag:s7] =	ssyncset.done $0x0  }
0x279: {  	s11 =	simm.s32 $0x17;
	[sflag:s7] =	ssyncadd.s32 $0xFFFFEC00  }
0x27a: {  	[spmem:s14] =	stream.indirect.scatter.add.f32 [tilespmem:s29], [sflag:$0x18], $0x80, s8, s10, $0xb8;
	[tilespmem:$0x1F800] =	vst v63  }
0x27b: {  	_ =	swait.ge [sflag:s11], $0x1400  }
0x27c: {  	[sflag:s11] =	ssyncset.done $0x0  }
0x27d: {  	s12 =	simm.s32 $0x9;
	[sflag:s11] =	ssyncadd.s32 $0xFFFFEC00  }
0x27e: {  	_ =	swait.ge [sflag:s12], $0x1400  }
0x27f: {  	[sflag:s12] =	ssyncset.done $0x0  }
0x280: {  	s13 =	simm.s32 $0x18;
	[sflag:s12] =	ssyncadd.s32 $0xFFFFEC00  }
0x281: {  	[spmem:s14] =	stream.indirect.scatter.add.f32 [tilespmem:s28], [sflag:$0x11], $0x80, s3, s10, $0xb8;
	[tilespmem:$0x1F800] =	vst v63  }
0x282: {  	_ =	swait.ge [sflag:s13], $0x1400  }
0x283: {  	[sflag:s13] =	ssyncset.done $0x0  }
0x284: {  	s15 =	simm.s32 $0xA;
	[sflag:s13] =	ssyncadd.s32 $0xFFFFEC00  }
0x285: {  	_ =	swait.ge [sflag:s15], $0x1400  }
0x286: {  	[sflag:s15] =	ssyncset.done $0x0  }
0x287: {  	s16 =	simm.s32 $0x11;
	[sflag:s15] =	ssyncadd.s32 $0xFFFFEC00  }
0x288: {  	[spmem:s14] =	stream.indirect.scatter.add.f32 [tilespmem:s25], [sflag:$0x12], $0x80, s22, s10, $0xb8;
	[tilespmem:$0x1F800] =	vst v63  }
0x289: {  	_ =	swait.ge [sflag:s16], $0x1400  }
0x28a: {  	[sflag:s16] =	ssyncset.done $0x0  }
0x28b: {  	s18 =	simm.s32 $0x12;
	[sflag:s16] =	ssyncadd.s32 $0xFFFFEC00  }
0x28c: {  	_ =	swait.ge [sflag:s18], $0x1400  }
0x28d: {  	[sflag:s18] =	ssyncset.done $0x0  }
0x28e: {  	[sflag:s18] =	ssyncadd.s32 $0xFFFFEC00  }
0x28f: {  	[bflag:$0x0] =	sbarrier.arrive $0xFFFF  }
0x290: {  	s28 =	sld [smem:$0x7FD]  }
0x291: {  	s20 =	stileid.u32;
	s21 =	sld [smem:$0x7E6]  }
0x292: {  	s7 =	sshll.u32 s20, $0x6  }
0x293: {  	s31 =	simm.s32 $0x19;
	s7 =	sor.u32 $0x1C19, s7;
	s20 =	sshrl.u32 s28, $0x3  }
0x294: {  	[hbm:s21], [sflag:s7] =	dma.local [spmem:s20], $0x2800  }
0x295: {  	_ =	swait.ge [sflag:s31], $0x2800  }
0x296: {  	s25 =	sld [smem:$0x7DF]  }
0x297: {  	s26 =	sld [smem:$0x7E7]  }
0x298: {  	s30 =	simm.s32 $0x580;
	s0 =	simm.s32 $0x200  }
0x299: {  	s24 =	simm.s32 $0x480;
	s1 =	simm.s32 $0x8;
	s8 =	sadd.s32 $0x1, s25  }
0x29a: {  	s5 =	simm.s32 $0x5;
	s6 =	simm.s32 $0x280;
	p0 =	sne.s32 s8, s26  }
.Ltmp2:
0x29b: {  	s29 =	simm.s32 $0x180;
	s11 =	simm.s32 $0x680;
	(pc) =	sbr.rel @p0 .LBB2_1-.Ltmp2, $4  }
0x29c: {  	s12 =	simm.s32 $0x3;
	s3 =	simm.s32 $0x600;
	s13 =	simm.s32 $0x300  }
0x29d: {  	s15 =	simm.s32 $0x700;
	s22 =	simm.s32 $0x80;
	s16 =	simm.s32 $0x4  }
0x29e: {  	s18 =	simm.s32 $0x6;
	s20 =	simm.s32 $0x400;
	[sflag:s31] =	ssyncset.done $0x0  }
0x29f: {  	s21 =	simm.s32 $0x7;
	[sflag:s31] =	ssyncadd.s32 $0xFFFFD800;
	s25 =	simm.s32 $0x500  }
0x2a0: {  	_ =	sfence.sel $0x180000  }
0x2a1: {  	[bflag:$0x0] =	sbarrier.arrive $0xFFFF  }
0x2a2: {  	_ =	strace $0x90000047  }
0x2a3: {  	s0 =	stileid.u32;
	[bflag:$0x2] =	sbarrier.arrive $0xFFFF  }
0x2a4: {  	p0 =	sne.s32 s0, $0x0;
	s0 =	rddreg [dreg:$0x3]  }
0x2a5: {  	s0 =	sadd.s32 @!p0 $0x100000, s0  }
0x2a6: {  	[sflag:s0] =	ssyncadd.tile.s32 @!p0 $0x1;
	_ =	shalt  }
.Lfunc_end2:
_tile_overlayer_lowered:
.L_overlay_start_2:
0x2a7: {  	(tag) =	ssettag $0x2  }
0x2a8: {  	s0 =	rddreg [dreg:$0x0];
	s2 =	stileid.u32  }
0x2a9: {  	s1 =	rddreg [dreg:$0x1];
	p0 =	sne.s32 s2, $0x0  }
0x2aa: {  	s3 =	rddreg [dreg:$0x2];
	[bflag:$0x3] =	sbarrier.arrive $0xFFFF;
	s2 =	simm.s32 @!p0 $0x1C19  }
0x2ab: {  	[timem:s3], [sflag:s2] =	dma.local @!p0 [hbm:s0], s1  }
0x2ac: {  	s0 =	simm.s32 @!p0 $0x19  }
0x2ad: {  	_ =	swait.ge @!p0 [sflag:s0], s1  }
0x2ae: {  	s1 =	ssub.s32 @!p0 $0x0, s1;
	[sflag:s0] =	ssyncset.done @!p0 $0x0  }
0x2af: {  	[sflag:s0] =	ssyncadd.s32 @!p0 s1  }
0x2b0: {  	[bflag:$0x3] =	sbarrier.arrive $0xFFFF  }
0x2b1: {  	_ =	shalt  }

</sc_bundles>
